<compile_context>
chip_gen: v7x
topology: tpu7x:2x2x1
jax: 0.10.2.dev20260603
libtpu: 0.0.44.dev20260713+nightly
codegen_flags: <defaults>
</compile_context>

<pallas_src>
import functools

import jax
import jax.numpy as jnp
from jax import lax
from jax.experimental import pallas as pl
from jax.experimental.pallas import tpu as pltpu
from jax.experimental.pallas import tpu_sc as plsc

B = 16384
NC, NS = 2, 16
NW = NC * NS
ROWS_PER_W = B // NW
CHUNK = 64
NCHUNK = ROWS_PER_W // CHUNK


def _prepass_body(mt_ref, wa1_ref, ba1_ref, wa2_ref, tt_ref, wt_ref, bt_ref,
                  wo_ref, bo_ref,
                  me_ref, comb_ref, woa_ref, wob_ref, woc_ref, bo2_ref):
    f32 = jnp.float32
    mt = mt_ref[...]
    h = jnp.tanh(jnp.dot(mt, wa1_ref[...], preferred_element_type=f32)
                 + ba1_ref[...])
    s = jnp.dot(h, wa2_ref[...], preferred_element_type=f32)
    me_ref[...] = jnp.concatenate([mt, jnp.broadcast_to(s, (920, 16))],
                                  axis=1)

    tt = tt_ref[...]
    wt = wt_ref[...]
    t0 = jnp.dot(tt, wt[0:16, :], preferred_element_type=f32)
    t1 = jnp.dot(tt, wt[16:32, :], preferred_element_type=f32)
    r361 = jax.lax.broadcasted_iota(jnp.int32, (368, 19), 0)
    c19 = jax.lax.broadcasted_iota(jnp.int32, (368, 19), 1)
    a = jnp.where(r361 // 19 == c19, 1.0, 0.0).astype(f32)
    b = jnp.where(r361 % 19 == c19, 1.0, 0.0).astype(f32)
    comb_ref[...] = (jnp.dot(a, t0, preferred_element_type=f32)
                     + jnp.dot(b, t1, preferred_element_type=f32))

    wo = wo_ref[...]
    woa_ref[...] = wo[0:128, :]
    wob_ref[...] = jnp.concatenate(
        [wo[128:192, :], jnp.zeros((64, 128), f32)], axis=0)
    woc_ref[...] = wo[192:224, :]
    bo2_ref[...] = (bo_ref[...]
                    + jnp.dot(bt_ref[...], wo[176:192, :],
                              preferred_element_type=f32))


def _prepass(move_table, Wa1, ba1, Wa2, type_table, Wt, bt, Wo, bo):
    f32 = jnp.float32
    out_shapes = [
        jax.ShapeDtypeStruct((920, 64), f32),
        jax.ShapeDtypeStruct((368, 16), f32),
        jax.ShapeDtypeStruct((128, 128), f32),
        jax.ShapeDtypeStruct((128, 128), f32),
        jax.ShapeDtypeStruct((32, 128), f32),
        jax.ShapeDtypeStruct((128,), f32),
    ]
    return pl.pallas_call(
        _prepass_body,
        out_shape=out_shapes,
    )(move_table, Wa1, ba1, Wa2, type_table, Wt, bt, Wo, bo)


def _sc_gather(species_id, ability_id, item_id, move_t, tp_idx,
               sp_tab, ab_tab, it_tab, mv_tab, tp_tab, bsz=B):
    mesh = plsc.VectorSubcoreMesh(core_axis_name="c", subcore_axis_name="s")
    rows_per_w = bsz // NW
    nchunk = rows_per_w // CHUNK

    @functools.partial(
        pl.kernel,
        mesh=mesh,
        compiler_params=pltpu.CompilerParams(use_tc_tiling_on_sc=False),
        out_type=[
            jax.ShapeDtypeStruct((bsz, 128), jnp.float32),
            jax.ShapeDtypeStruct((bsz, 128), jnp.float32),
        ],
        scratch_types=[
            pltpu.VMEM((8, rows_per_w), jnp.int32),
            pltpu.VMEM((2, CHUNK, 64), jnp.float32),
            pltpu.VMEM((2, CHUNK, 32), jnp.float32),
            pltpu.VMEM((2, CHUNK, 32), jnp.float32),
            pltpu.VMEM((2, 4, CHUNK, 64), jnp.float32),
            pltpu.VMEM((2, CHUNK, 16), jnp.float32),
            pltpu.VMEM((2, CHUNK, 128), jnp.float32),
            pltpu.SemaphoreType.DMA,
            pltpu.SemaphoreType.DMA,
            pltpu.SemaphoreType.DMA,
            pltpu.SemaphoreType.DMA,
        ],
    )
    def k(sid_hbm, aid_hbm, iid_hbm, mvt_hbm, tpi_hbm,
          sp_hbm, ab_hbm, it_hbm, mv_hbm, tp_hbm,
          sai_out, tail_out,
          idx_v, sp_v, ab_v, it_v, mv_v, tp_v, tl_v,
          semi, semg, semw0, semw1):
        wid = lax.axis_index("s") * NC + lax.axis_index("c")
        wbase = wid * rows_per_w

        icps = [
            pltpu.async_copy(sid_hbm.at[pl.ds(wbase, rows_per_w)],
                             idx_v.at[0], semi),
            pltpu.async_copy(aid_hbm.at[pl.ds(wbase, rows_per_w)],
                             idx_v.at[1], semi),
            pltpu.async_copy(iid_hbm.at[pl.ds(wbase, rows_per_w)],
                             idx_v.at[2], semi),
            pltpu.async_copy(tpi_hbm.at[pl.ds(wbase, rows_per_w)],
                             idx_v.at[7], semi),
        ]
        for j in range(4):
            icps.append(pltpu.async_copy(
                mvt_hbm.at[j, pl.ds(wbase, rows_per_w)], idx_v.at[3 + j],
                semi))

        def zero_pad(r, carry):
            z = jnp.zeros((16,), jnp.float32)
            for sl in range(2):
                for kk in range(4):
                    tl_v[sl, r, pl.ds(64 + 16 * kk, 16)] = z
            return carry

        lax.fori_loop(0, CHUNK, zero_pad, 0)
        for cp in icps:
            cp.wait()

        def fire_gathers(c, s):
            off = c * CHUNK
            pltpu.async_copy(sp_hbm.at[idx_v.at[0, pl.ds(off, CHUNK)]],
                             sp_v.at[s], semg)
            pltpu.async_copy(ab_hbm.at[idx_v.at[1, pl.ds(off, CHUNK)]],
                             ab_v.at[s], semg)
            pltpu.async_copy(it_hbm.at[idx_v.at[2, pl.ds(off, CHUNK)]],
                             it_v.at[s], semg)
            for j in range(4):
                pltpu.async_copy(mv_hbm.at[idx_v.at[3 + j, pl.ds(off, CHUNK)]],
                                 mv_v.at[s, j], semg)
            pltpu.async_copy(tp_hbm.at[idx_v.at[7, pl.ds(off, CHUNK)]],
                             tp_v.at[s], semg)

        def drain_gathers(s):
            pltpu.make_async_copy(sp_hbm.at[idx_v.at[0, pl.ds(0, CHUNK)]],
                                  sp_v.at[s], semg).wait()
            pltpu.make_async_copy(ab_hbm.at[idx_v.at[1, pl.ds(0, CHUNK)]],
                                  ab_v.at[s], semg).wait()
            pltpu.make_async_copy(it_hbm.at[idx_v.at[2, pl.ds(0, CHUNK)]],
                                  it_v.at[s], semg).wait()
            for j in range(4):
                pltpu.make_async_copy(
                    mv_hbm.at[idx_v.at[3 + j, pl.ds(0, CHUNK)]],
                    mv_v.at[s, j], semg).wait()
            pltpu.make_async_copy(tp_hbm.at[idx_v.at[7, pl.ds(0, CHUNK)]],
                                  tp_v.at[s], semg).wait()

        def fire_wb(c, s, semw):
            base = wbase + c * CHUNK
            pltpu.async_copy(
                sp_v.at[s], sai_out.at[pl.ds(base, CHUNK), pl.ds(0, 64)],
                semw)
            pltpu.async_copy(
                ab_v.at[s], sai_out.at[pl.ds(base, CHUNK), pl.ds(64, 32)],
                semw)
            pltpu.async_copy(
                it_v.at[s], sai_out.at[pl.ds(base, CHUNK), pl.ds(96, 32)],
                semw)
            pltpu.async_copy(tl_v.at[s], tail_out.at[pl.ds(base, CHUNK)],
                             semw)

        def drain_wb(s, semw):
            pltpu.make_async_copy(
                sp_v.at[s], sai_out.at[pl.ds(wbase, CHUNK), pl.ds(0, 64)],
                semw).wait()
            pltpu.make_async_copy(
                ab_v.at[s], sai_out.at[pl.ds(wbase, CHUNK), pl.ds(64, 32)],
                semw).wait()
            pltpu.make_async_copy(
                it_v.at[s], sai_out.at[pl.ds(wbase, CHUNK), pl.ds(96, 32)],
                semw).wait()
            pltpu.make_async_copy(tl_v.at[s], tail_out.at[pl.ds(wbase, CHUNK)],
                                  semw).wait()

        fire_gathers(0, 0)

        def step(c, carry):
            s = lax.rem(c, 2)
            drain_gathers(s)

            @pl.when(c + 1 < nchunk)
            def _():
                @pl.when(c >= 1)
                def _():
                    lax.cond(s == 0, lambda: drain_wb(1, semw1),
                             lambda: drain_wb(0, semw0))

                fire_gathers(c + 1, 1 - s)

            def pool1(r):
                scsl = pl.ds(48, 16)
                s0 = mv_v[s, 0, r, scsl]
                s1 = mv_v[s, 1, r, scsl]
                s2 = mv_v[s, 2, r, scsl]
                s3 = mv_v[s, 3, r, scsl]
                m = jnp.maximum(jnp.maximum(s0, s1), jnp.maximum(s2, s3))
                e0 = jnp.exp(s0 - m)
                e1 = jnp.exp(s1 - m)
                e2 = jnp.exp(s2 - m)
                e3 = jnp.exp(s3 - m)
                inv = 1.0 / (e0 + e1 + e2 + e3)
                w0 = e0 * inv
                w1 = e1 * inv
                w2 = e2 * inv
                w3 = e3 * inv
                for kk in range(3):
                    sl = pl.ds(16 * kk, 16)
                    tl_v[s, r, sl] = (
                        w0 * mv_v[s, 0, r, sl] + w1 * mv_v[s, 1, r, sl]
                        + w2 * mv_v[s, 2, r, sl] + w3 * mv_v[s, 3, r, sl])
                tl_v[s, r, pl.ds(48, 16)] = tp_v[s, r, :]

            def pool(r, carry2):
                pool1(2 * r)
                pool1(2 * r + 1)
                return carry2

            lax.fori_loop(0, CHUNK // 2, pool, 0)

            lax.cond(s == 0, lambda: fire_wb(c, 0, semw0),
                     lambda: fire_wb(c, 1, semw1))
            return carry

        lax.fori_loop(0, nchunk, step, 0)
        drain_wb(0, semw0)
        drain_wb(1, semw1)

    return k(species_id, ability_id, item_id, move_t, tp_idx,
             sp_tab, ab_tab, it_tab, mv_tab, tp_tab)


def _main_body(sai_ref, tail_ref, num_ref, wn_ref, bn_ref, gn_ref, ben_ref,
               woa_ref, wob_ref, woc_ref, bo2_ref, go_ref, beo_ref, out_ref):
    f32 = jnp.float32
    nh = jnp.dot(num_ref[...], wn_ref[...],
                 preferred_element_type=f32) + bn_ref[...]
    mu = jnp.mean(nh, axis=-1, keepdims=True)
    var = jnp.mean((nh - mu) ** 2, axis=-1, keepdims=True)
    nln = (nh - mu) * jax.lax.rsqrt(var + 1e-5) * gn_ref[...] + ben_ref[...]
    num_emb = jnp.maximum(nln, 0.0)

    oh = (jnp.dot(sai_ref[...], woa_ref[...], preferred_element_type=f32)
          + jnp.dot(tail_ref[...], wob_ref[...], preferred_element_type=f32)
          + jnp.dot(num_emb, woc_ref[...], preferred_element_type=f32)
          + bo2_ref[...])
    mu2 = jnp.mean(oh, axis=-1, keepdims=True)
    var2 = jnp.mean((oh - mu2) ** 2, axis=-1, keepdims=True)
    oln = (oh - mu2) * jax.lax.rsqrt(var2 + 1e-5) * go_ref[...] + beo_ref[...]
    out_ref[...] = jnp.maximum(oln, 0.0)


def _main(sai, tail, numerical, Wn, bn, g_n, be_n, WoA, WoB, WoC, bo2,
          g_o, be_o, blk=2048, bsz=B):
    grid = (bsz // blk,)
    full = lambda shape: pl.BlockSpec(shape, lambda i: (0,) * len(shape))
    return pl.pallas_call(
        _main_body,
        grid=grid,
        in_specs=[
            pl.BlockSpec((blk, 128), lambda i: (i, 0)),
            pl.BlockSpec((blk, 128), lambda i: (i, 0)),
            pl.BlockSpec((blk, 20), lambda i: (i, 0)),
            full((20, 32)), full((32,)), full((32,)), full((32,)),
            full((128, 128)), full((128, 128)), full((32, 128)),
            full((128,)), full((128,)), full((128,)),
        ],
        out_specs=pl.BlockSpec((blk, 128), lambda i: (i, 0)),
        out_shape=jax.ShapeDtypeStruct((bsz, 128), jnp.float32),
    )(sai, tail, numerical, Wn, bn, g_n, be_n, WoA, WoB, WoC, bo2, g_o, be_o)


def kernel(species_id, ability_id, item_id, move_ids, type_ids,
           numerical_features, species_table, ability_table, item_table,
           move_table, type_table, Wa1, ba1, Wa2, ba2, Wt, bt, Wn, bn,
           g_n, be_n, Wo, bo, g_o, be_o):
    me, tp, WoA, WoB, WoC, bo2 = _prepass(
        move_table, Wa1, ba1, Wa2, type_table, Wt, bt, Wo, bo)

    move_t = move_ids.T.astype(jnp.int32)
    tp_idx = (type_ids[:, 0] * 19 + type_ids[:, 1]).astype(jnp.int32)
    sid = species_id.astype(jnp.int32)
    aid = ability_id.astype(jnp.int32)
    iid = item_id.astype(jnp.int32)

    sai, tail = _sc_gather(sid, aid, iid, move_t, tp_idx,
                           species_table, ability_table, item_table, me, tp)
    return _main(sai, tail, numerical_features,
                 Wn, bn, g_n, be_n, WoA, WoB, WoC, bo2, g_o, be_o)

# --- scband reference (transcript-rebuilt; emitter-appended) ---
"""Pipeline reference for scband-pokemon-embedding-35347580846729 (READ-ONLY COPY).

The authoritative reference and input builder live on the scoring server;
editing this copy changes nothing except your own understanding.
"""

import jax, jax.numpy as jnp
import numpy as np

B = 16384

def _zero_pad0(t):
    return t.at[0].set(0.0)

def setup_inputs(seed: int = 0) -> dict:
    key = jax.random.key(seed)
    ks = jax.random.split(key, 32)
    species_id = jax.random.randint(ks[0], (B,), 0, 1025)
    ability_id = jax.random.randint(ks[1], (B,), 0, 310)
    item_id = jax.random.randint(ks[2], (B,), 0, 250)
    move_ids = jax.random.randint(ks[3], (B, 4), 0, 920)
    type_ids = jax.random.randint(ks[4], (B, 2), 0, 19)
    numerical_features = jax.random.normal(ks[5], (B, 20), dtype=jnp.float32)
    species_table = _zero_pad0(0.02 * jax.random.normal(ks[6], (1025, 64), dtype=jnp.float32))
    ability_table = _zero_pad0(0.02 * jax.random.normal(ks[7], (310, 32), dtype=jnp.float32))
    item_table = _zero_pad0(0.02 * jax.random.normal(ks[8], (250, 32), dtype=jnp.float32))
    move_table = _zero_pad0(0.02 * jax.random.normal(ks[9], (920, 48), dtype=jnp.float32))
    type_table = _zero_pad0(0.02 * jax.random.normal(ks[10], (19, 16), dtype=jnp.float32))
    Wa1 = jax.random.normal(ks[11], (48, 48), dtype=jnp.float32) / np.sqrt(48)
    ba1 = jnp.zeros((48,), jnp.float32)
    Wa2 = jax.random.normal(ks[12], (48, 1), dtype=jnp.float32) / np.sqrt(48)
    ba2 = jnp.zeros((1,), jnp.float32)
    Wt = jax.random.normal(ks[13], (32, 16), dtype=jnp.float32) / np.sqrt(32)
    bt = jnp.zeros((16,), jnp.float32)
    Wn = jax.random.normal(ks[14], (20, 32), dtype=jnp.float32) / np.sqrt(20)
    bn = jnp.zeros((32,), jnp.float32)
    g_n = jnp.ones((32,), jnp.float32)
    be_n = jnp.zeros((32,), jnp.float32)
    Wo = jax.random.normal(ks[15], (224, 128), dtype=jnp.float32) / np.sqrt(224)
    bo = jnp.zeros((128,), jnp.float32)
    g_o = jnp.ones((128,), jnp.float32)
    be_o = jnp.zeros((128,), jnp.float32)
    return {
        'species_id': species_id, 'ability_id': ability_id, 'item_id': item_id,
        'move_ids': move_ids, 'type_ids': type_ids, 'numerical_features': numerical_features,
        'species_table': species_table, 'ability_table': ability_table, 'item_table': item_table,
        'move_table': move_table, 'type_table': type_table,
        'Wa1': Wa1, 'ba1': ba1, 'Wa2': Wa2, 'ba2': ba2,
        'Wt': Wt, 'bt': bt, 'Wn': Wn, 'bn': bn, 'g_n': g_n, 'be_n': be_n,
        'Wo': Wo, 'bo': bo, 'g_o': g_o, 'be_o': be_o,
    }

def _layernorm(x, g, b, eps=1e-5):
    mu = jnp.mean(x, axis=-1, keepdims=True)
    var = jnp.mean((x - mu) ** 2, axis=-1, keepdims=True)
    return (x - mu) / jnp.sqrt(var + eps) * g + b

def reference(species_id, ability_id, item_id, move_ids, type_ids, numerical_features,
              species_table, ability_table, item_table, move_table, type_table,
              Wa1, ba1, Wa2, ba2, Wt, bt, Wn, bn, g_n, be_n, Wo, bo, g_o, be_o):
    bsz = species_id.shape[0]
    species_emb = jnp.take(species_table, species_id, axis=0)
    ability_emb = jnp.take(ability_table, ability_id, axis=0)
    item_emb = jnp.take(item_table, item_id, axis=0)
    move_embs = jnp.take(move_table, move_ids, axis=0)  # (B, 4, 48)
    attn_h = jnp.tanh(move_embs @ Wa1 + ba1)
    move_attn = attn_h @ Wa2 + ba2  # (B, 4, 1)
    move_attn = jax.nn.softmax(move_attn, axis=1)
    move_emb = jnp.sum(move_embs * move_attn, axis=1)  # (B, 48)
    type_embs = jnp.take(type_table, type_ids, axis=0)  # (B, 2, 16)
    type_emb = type_embs.reshape(bsz, -1) @ Wt + bt
    num_h = numerical_features @ Wn + bn
    numerical_emb = jax.nn.relu(_layernorm(num_h, g_n, be_n))
    combined = jnp.concatenate([species_emb, ability_emb, item_emb, move_emb, type_emb, numerical_emb], axis=-1)
    out_h = combined @ Wo + bo
    out = jax.nn.relu(_layernorm(out_h, g_o, be_o))
    return out

if __name__ == "__main__":
    import jax
    _d = setup_inputs()
    print(jax.jit(kernel)(*tuple(_d.values())))

</pallas_src>

<mosaic_0001>
#map = affine_map<(d0, d1) -> (0)>
#map1 = affine_map<(d0, d1) -> (0, 0)>
module attributes {stable_mosaic.version = 14 : i64} {
  func.func @k(%arg0: i32, %arg1: i32, %arg2: memref<16384xi32, #tpu.memory_space<hbm>>, %arg3: memref<16384xi32, #tpu.memory_space<hbm>>, %arg4: memref<16384xi32, #tpu.memory_space<hbm>>, %arg5: memref<4x16384xi32, #tpu.memory_space<hbm>>, %arg6: memref<16384xi32, #tpu.memory_space<hbm>>, %arg7: memref<1025x64xf32, #tpu.memory_space<hbm>>, %arg8: memref<310x32xf32, #tpu.memory_space<hbm>>, %arg9: memref<250x32xf32, #tpu.memory_space<hbm>>, %arg10: memref<920x64xf32, #tpu.memory_space<hbm>>, %arg11: memref<368x16xf32, #tpu.memory_space<hbm>>, %arg12: memref<16384x128xf32, #tpu.memory_space<hbm>>, %arg13: memref<16384x128xf32, #tpu.memory_space<hbm>>, %arg14: memref<8x512xi32, #tpu.memory_space<vmem>>, %arg15: memref<2x64x64xf32, #tpu.memory_space<vmem>>, %arg16: memref<2x64x32xf32, #tpu.memory_space<vmem>>, %arg17: memref<2x64x32xf32, #tpu.memory_space<vmem>>, %arg18: memref<2x4x64x64xf32, #tpu.memory_space<vmem>>, %arg19: memref<2x64x16xf32, #tpu.memory_space<vmem>>, %arg20: memref<2x64x128xf32, #tpu.memory_space<vmem>>, %arg21: memref<!tpu.dma_semaphore, #tpu.memory_space<semaphore_mem>>, %arg22: memref<!tpu.dma_semaphore, #tpu.memory_space<semaphore_mem>>, %arg23: memref<!tpu.dma_semaphore, #tpu.memory_space<semaphore_mem>>, %arg24: memref<!tpu.dma_semaphore, #tpu.memory_space<semaphore_mem>>) attributes {dimension_semantics = [#tpu.dimension_semantics<core_parallel>, #tpu.dimension_semantics<subcore_parallel>], iteration_bounds = array<i64: 2, 16>, scalar_prefetch = 0 : i64, scratch_operands = 11 : i64, tpu.core_type = #tpu.core_type<sc_vector_subcore>, window_params = [{transform_indices = #map}, {transform_indices = #map}, {transform_indices = #map}, {transform_indices = #map1}, {transform_indices = #map}, {transform_indices = #map1}, {transform_indices = #map1}, {transform_indices = #map1}, {transform_indices = #map1}, {transform_indices = #map1}, {transform_indices = #map1}, {transform_indices = #map1}]} {
    %mul3A = arith.constant 2 : i32
    %mul3A_0 = arith.muli %arg1, %mul3A : i32
    %add3A = arith.addi %mul3A_0, %arg0 : i32
    %mul3A_1 = arith.constant 512 : i32
    %mul3A_2 = arith.muli %add3A, %mul3A_1 : i32
    %dma_start3A = arith.constant 0 : i32
    %dma_start3A_3 = arith.constant 0 : i32
    %dma_start3A_4 = tpu.memref_slice %arg14[%dma_start3A, %dma_start3A_3] : memref<8x512xi32, #tpu.memory_space<vmem>> -> memref<1x512xi32, #tpu.memory_space<vmem>>
    %dma_start3A_5 = tpu.memref_squeeze %dma_start3A_4 : memref<1x512xi32, #tpu.memory_space<vmem>> -> memref<512xi32, #tpu.memory_space<vmem>>
    %dma_start3A_6 = tpu.memref_slice %arg2[%mul3A_2] : memref<16384xi32, #tpu.memory_space<hbm>> -> memref<512xi32, #tpu.memory_space<hbm>>
    %dma_start3A_7 = arith.constant 0 : i32
    %dma_start3A_8 = tpu.memref_slice %arg14[%dma_start3A, %dma_start3A_7] : memref<8x512xi32, #tpu.memory_space<vmem>> -> memref<1x512xi32, #tpu.memory_space<vmem>>
    %dma_start3A_9 = tpu.memref_squeeze %dma_start3A_8 : memref<1x512xi32, #tpu.memory_space<vmem>> -> memref<512xi32, #tpu.memory_space<vmem>>
    %dma_start3A_10 = tpu.memref_slice %arg2[%mul3A_2] : memref<16384xi32, #tpu.memory_space<hbm>> -> memref<512xi32, #tpu.memory_space<hbm>>
    tpu.enqueue_dma source(%dma_start3A_10 : memref<512xi32, #tpu.memory_space<hbm>>) target(%dma_start3A_9 : memref<512xi32, #tpu.memory_space<vmem>>) target_semaphore(%arg21 : memref<!tpu.dma_semaphore, #tpu.memory_space<semaphore_mem>>)
    %dma_start3A_11 = arith.constant 1 : i32
    %dma_start3A_12 = arith.constant 0 : i32
    %dma_start3A_13 = tpu.memref_slice %arg14[%dma_start3A_11, %dma_start3A_12] : memref<8x512xi32, #tpu.memory_space<vmem>> -> memref<1x512xi32, #tpu.memory_space<vmem>>
    %dma_start3A_14 = tpu.memref_squeeze %dma_start3A_13 : memref<1x512xi32, #tpu.memory_space<vmem>> -> memref<512xi32, #tpu.memory_space<vmem>>
    %dma_start3A_15 = tpu.memref_slice %arg3[%mul3A_2] : memref<16384xi32, #tpu.memory_space<hbm>> -> memref<512xi32, #tpu.memory_space<hbm>>
    %dma_start3A_16 = arith.constant 0 : i32
    %dma_start3A_17 = tpu.memref_slice %arg14[%dma_start3A_11, %dma_start3A_16] : memref<8x512xi32, #tpu.memory_space<vmem>> -> memref<1x512xi32, #tpu.memory_space<vmem>>
    %dma_start3A_18 = tpu.memref_squeeze %dma_start3A_17 : memref<1x512xi32, #tpu.memory_space<vmem>> -> memref<512xi32, #tpu.memory_space<vmem>>
    %dma_start3A_19 = tpu.memref_slice %arg3[%mul3A_2] : memref<16384xi32, #tpu.memory_space<hbm>> -> memref<512xi32, #tpu.memory_space<hbm>>
    tpu.enqueue_dma source(%dma_start3A_19 : memref<512xi32, #tpu.memory_space<hbm>>) target(%dma_start3A_18 : memref<512xi32, #tpu.memory_space<vmem>>) target_semaphore(%arg21 : memref<!tpu.dma_semaphore, #tpu.memory_space<semaphore_mem>>)
    %dma_start3A_20 = arith.constant 2 : i32
    %dma_start3A_21 = arith.constant 0 : i32
    %dma_start3A_22 = tpu.memref_slice %arg14[%dma_start3A_20, %dma_start3A_21] : memref<8x512xi32, #tpu.memory_space<vmem>> -> memref<1x512xi32, #tpu.memory_space<vmem>>
    %dma_start3A_23 = tpu.memref_squeeze %dma_start3A_22 : memref<1x512xi32, #tpu.memory_space<vmem>> -> memref<512xi32, #tpu.memory_space<vmem>>
    %dma_start3A_24 = tpu.memref_slice %arg4[%mul3A_2] : memref<16384xi32, #tpu.memory_space<hbm>> -> memref<512xi32, #tpu.memory_space<hbm>>
    %dma_start3A_25 = arith.constant 0 : i32
    %dma_start3A_26 = tpu.memref_slice %arg14[%dma_start3A_20, %dma_start3A_25] : memref<8x512xi32, #tpu.memory_space<vmem>> -> memref<1x512xi32, #tpu.memory_space<vmem>>
    %dma_start3A_27 = tpu.memref_squeeze %dma_start3A_26 : memref<1x512xi32, #tpu.memory_space<vmem>> -> memref<512xi32, #tpu.memory_space<vmem>>
    %dma_start3A_28 = tpu.memref_slice %arg4[%mul3A_2] : memref<16384xi32, #tpu.memory_space<hbm>> -> memref<512xi32, #tpu.memory_space<hbm>>
    tpu.enqueue_dma source(%dma_start3A_28 : memref<512xi32, #tpu.memory_space<hbm>>) target(%dma_start3A_27 : memref<512xi32, #tpu.memory_space<vmem>>) target_semaphore(%arg21 : memref<!tpu.dma_semaphore, #tpu.memory_space<semaphore_mem>>)
    %dma_start3A_29 = arith.constant 7 : i32
    %dma_start3A_30 = arith.constant 0 : i32
    %dma_start3A_31 = tpu.memref_slice %arg14[%dma_start3A_29, %dma_start3A_30] : memref<8x512xi32, #tpu.memory_space<vmem>> -> memref<1x512xi32, #tpu.memory_space<vmem>>
    %dma_start3A_32 = tpu.memref_squeeze %dma_start3A_31 : memref<1x512xi32, #tpu.memory_space<vmem>> -> memref<512xi32, #tpu.memory_space<vmem>>
    %dma_start3A_33 = tpu.memref_slice %arg6[%mul3A_2] : memref<16384xi32, #tpu.memory_space<hbm>> -> memref<512xi32, #tpu.memory_space<hbm>>
    %dma_start3A_34 = arith.constant 0 : i32
    %dma_start3A_35 = tpu.memref_slice %arg14[%dma_start3A_29, %dma_start3A_34] : memref<8x512xi32, #tpu.memory_space<vmem>> -> memref<1x512xi32, #tpu.memory_space<vmem>>
    %dma_start3A_36 = tpu.memref_squeeze %dma_start3A_35 : memref<1x512xi32, #tpu.memory_space<vmem>> -> memref<512xi32, #tpu.memory_space<vmem>>
    %dma_start3A_37 = tpu.memref_slice %arg6[%mul3A_2] : memref<16384xi32, #tpu.memory_space<hbm>> -> memref<512xi32, #tpu.memory_space<hbm>>
    tpu.enqueue_dma source(%dma_start3A_37 : memref<512xi32, #tpu.memory_space<hbm>>) target(%dma_start3A_36 : memref<512xi32, #tpu.memory_space<vmem>>) target_semaphore(%arg21 : memref<!tpu.dma_semaphore, #tpu.memory_space<semaphore_mem>>)
    %dma_start3A_38 = arith.constant 0 : i32
    %dma_start3A_39 = arith.constant 3 : i32
    %dma_start3A_40 = arith.constant 0 : i32
    %dma_start3A_41 = tpu.memref_slice %arg14[%dma_start3A_39, %dma_start3A_40] : memref<8x512xi32, #tpu.memory_space<vmem>> -> memref<1x512xi32, #tpu.memory_space<vmem>>
    %dma_start3A_42 = tpu.memref_squeeze %dma_start3A_41 : memref<1x512xi32, #tpu.memory_space<vmem>> -> memref<512xi32, #tpu.memory_space<vmem>>
    %dma_start3A_43 = tpu.memref_slice %arg5[%dma_start3A_38, %mul3A_2] : memref<4x16384xi32, #tpu.memory_space<hbm>> -> memref<1x512xi32, #tpu.memory_space<hbm>>
    %dma_start3A_44 = tpu.memref_squeeze %dma_start3A_43 : memref<1x512xi32, #tpu.memory_space<hbm>> -> memref<512xi32, #tpu.memory_space<hbm>>
    %dma_start3A_45 = arith.constant 0 : i32
    %dma_start3A_46 = tpu.memref_slice %arg14[%dma_start3A_39, %dma_start3A_45] : memref<8x512xi32, #tpu.memory_space<vmem>> -> memref<1x512xi32, #tpu.memory_space<vmem>>
    %dma_start3A_47 = tpu.memref_squeeze %dma_start3A_46 : memref<1x512xi32, #tpu.memory_space<vmem>> -> memref<512xi32, #tpu.memory_space<vmem>>
    %dma_start3A_48 = tpu.memref_slice %arg5[%dma_start3A_38, %mul3A_2] : memref<4x16384xi32, #tpu.memory_space<hbm>> -> memref<1x512xi32, #tpu.memory_space<hbm>>
    %dma_start3A_49 = tpu.memref_squeeze %dma_start3A_48 : memref<1x512xi32, #tpu.memory_space<hbm>> -> memref<512xi32, #tpu.memory_space<hbm>>
    tpu.enqueue_dma source(%dma_start3A_49 : memref<512xi32, #tpu.memory_space<hbm>>) target(%dma_start3A_47 : memref<512xi32, #tpu.memory_space<vmem>>) target_semaphore(%arg21 : memref<!tpu.dma_semaphore, #tpu.memory_space<semaphore_mem>>)
    %dma_start3A_50 = arith.constant 1 : i32
    %dma_start3A_51 = arith.constant 4 : i32
    %dma_start3A_52 = arith.constant 0 : i32
    %dma_start3A_53 = tpu.memref_slice %arg14[%dma_start3A_51, %dma_start3A_52] : memref<8x512xi32, #tpu.memory_space<vmem>> -> memref<1x512xi32, #tpu.memory_space<vmem>>
    %dma_start3A_54 = tpu.memref_squeeze %dma_start3A_53 : memref<1x512xi32, #tpu.memory_space<vmem>> -> memref<512xi32, #tpu.memory_space<vmem>>
    %dma_start3A_55 = tpu.memref_slice %arg5[%dma_start3A_50, %mul3A_2] : memref<4x16384xi32, #tpu.memory_space<hbm>> -> memref<1x512xi32, #tpu.memory_space<hbm>>
    %dma_start3A_56 = tpu.memref_squeeze %dma_start3A_55 : memref<1x512xi32, #tpu.memory_space<hbm>> -> memref<512xi32, #tpu.memory_space<hbm>>
    %dma_start3A_57 = arith.constant 0 : i32
    %dma_start3A_58 = tpu.memref_slice %arg14[%dma_start3A_51, %dma_start3A_57] : memref<8x512xi32, #tpu.memory_space<vmem>> -> memref<1x512xi32, #tpu.memory_space<vmem>>
    %dma_start3A_59 = tpu.memref_squeeze %dma_start3A_58 : memref<1x512xi32, #tpu.memory_space<vmem>> -> memref<512xi32, #tpu.memory_space<vmem>>
    %dma_start3A_60 = tpu.memref_slice %arg5[%dma_start3A_50, %mul3A_2] : memref<4x16384xi32, #tpu.memory_space<hbm>> -> memref<1x512xi32, #tpu.memory_space<hbm>>
    %dma_start3A_61 = tpu.memref_squeeze %dma_start3A_60 : memref<1x512xi32, #tpu.memory_space<hbm>> -> memref<512xi32, #tpu.memory_space<hbm>>
    tpu.enqueue_dma source(%dma_start3A_61 : memref<512xi32, #tpu.memory_space<hbm>>) target(%dma_start3A_59 : memref<512xi32, #tpu.memory_space<vmem>>) target_semaphore(%arg21 : memref<!tpu.dma_semaphore, #tpu.memory_space<semaphore_mem>>)
    %dma_start3A_62 = arith.constant 2 : i32
    %dma_start3A_63 = arith.constant 5 : i32
    %dma_start3A_64 = arith.constant 0 : i32
    %dma_start3A_65 = tpu.memref_slice %arg14[%dma_start3A_63, %dma_start3A_64] : memref<8x512xi32, #tpu.memory_space<vmem>> -> memref<1x512xi32, #tpu.memory_space<vmem>>
    %dma_start3A_66 = tpu.memref_squeeze %dma_start3A_65 : memref<1x512xi32, #tpu.memory_space<vmem>> -> memref<512xi32, #tpu.memory_space<vmem>>
    %dma_start3A_67 = tpu.memref_slice %arg5[%dma_start3A_62, %mul3A_2] : memref<4x16384xi32, #tpu.memory_space<hbm>> -> memref<1x512xi32, #tpu.memory_space<hbm>>
    %dma_start3A_68 = tpu.memref_squeeze %dma_start3A_67 : memref<1x512xi32, #tpu.memory_space<hbm>> -> memref<512xi32, #tpu.memory_space<hbm>>
    %dma_start3A_69 = arith.constant 0 : i32
    %dma_start3A_70 = tpu.memref_slice %arg14[%dma_start3A_63, %dma_start3A_69] : memref<8x512xi32, #tpu.memory_space<vmem>> -> memref<1x512xi32, #tpu.memory_space<vmem>>
    %dma_start3A_71 = tpu.memref_squeeze %dma_start3A_70 : memref<1x512xi32, #tpu.memory_space<vmem>> -> memref<512xi32, #tpu.memory_space<vmem>>
    %dma_start3A_72 = tpu.memref_slice %arg5[%dma_start3A_62, %mul3A_2] : memref<4x16384xi32, #tpu.memory_space<hbm>> -> memref<1x512xi32, #tpu.memory_space<hbm>>
    %dma_start3A_73 = tpu.memref_squeeze %dma_start3A_72 : memref<1x512xi32, #tpu.memory_space<hbm>> -> memref<512xi32, #tpu.memory_space<hbm>>
    tpu.enqueue_dma source(%dma_start3A_73 : memref<512xi32, #tpu.memory_space<hbm>>) target(%dma_start3A_71 : memref<512xi32, #tpu.memory_space<vmem>>) target_semaphore(%arg21 : memref<!tpu.dma_semaphore, #tpu.memory_space<semaphore_mem>>)
    %dma_start3A_74 = arith.constant 3 : i32
    %dma_start3A_75 = arith.constant 6 : i32
    %dma_start3A_76 = arith.constant 0 : i32
    %dma_start3A_77 = tpu.memref_slice %arg14[%dma_start3A_75, %dma_start3A_76] : memref<8x512xi32, #tpu.memory_space<vmem>> -> memref<1x512xi32, #tpu.memory_space<vmem>>
    %dma_start3A_78 = tpu.memref_squeeze %dma_start3A_77 : memref<1x512xi32, #tpu.memory_space<vmem>> -> memref<512xi32, #tpu.memory_space<vmem>>
    %dma_start3A_79 = tpu.memref_slice %arg5[%dma_start3A_74, %mul3A_2] : memref<4x16384xi32, #tpu.memory_space<hbm>> -> memref<1x512xi32, #tpu.memory_space<hbm>>
    %dma_start3A_80 = tpu.memref_squeeze %dma_start3A_79 : memref<1x512xi32, #tpu.memory_space<hbm>> -> memref<512xi32, #tpu.memory_space<hbm>>
    %dma_start3A_81 = arith.constant 0 : i32
    %dma_start3A_82 = tpu.memref_slice %arg14[%dma_start3A_75, %dma_start3A_81] : memref<8x512xi32, #tpu.memory_space<vmem>> -> memref<1x512xi32, #tpu.memory_space<vmem>>
    %dma_start3A_83 = tpu.memref_squeeze %dma_start3A_82 : memref<1x512xi32, #tpu.memory_space<vmem>> -> memref<512xi32, #tpu.memory_space<vmem>>
    %dma_start3A_84 = tpu.memref_slice %arg5[%dma_start3A_74, %mul3A_2] : memref<4x16384xi32, #tpu.memory_space<hbm>> -> memref<1x512xi32, #tpu.memory_space<hbm>>
    %dma_start3A_85 = tpu.memref_squeeze %dma_start3A_84 : memref<1x512xi32, #tpu.memory_space<hbm>> -> memref<512xi32, #tpu.memory_space<hbm>>
    tpu.enqueue_dma source(%dma_start3A_85 : memref<512xi32, #tpu.memory_space<hbm>>) target(%dma_start3A_83 : memref<512xi32, #tpu.memory_space<vmem>>) target_semaphore(%arg21 : memref<!tpu.dma_semaphore, #tpu.memory_space<semaphore_mem>>)
    %scan3A = arith.constant 0 : i32
    %scan3A_86 = arith.constant 0 : i32
    %scan3A_87 = arith.constant 64 : i32
    %scan3A_88 = arith.addi %scan3A_86, %scan3A_87 : i32
    %scan3A_89 = arith.constant 1 : i32
    scf.for %scan3A_384 = %scan3A_86 to %scan3A_88 step %scan3A_89  : i32 {
      %broadcast_in_dim3A = arith.constant 0.000000e+00 : f32
      %broadcast_in_dim3A_385 = vector.broadcast %broadcast_in_dim3A : f32 to vector<16xf32>
      %swap3A = arith.constant 0 : i32
      %swap3A_386 = arith.index_cast %swap3A : i32 to index
      %swap3A_387 = arith.index_cast %scan3A_384 : i32 to index
      %swap3A_388 = arith.constant 64 : index
      %swap3A_389 = tpu.vector_load %arg20[%swap3A_386, %swap3A_387, %swap3A_388] {strides = array<i32>} : memref<2x64x128xf32, #tpu.memory_space<vmem>>, vector<1x1x16xf32>,
      %swap3A_390 = vector.shape_cast %swap3A_389 : vector<1x1x16xf32> to vector<16xf32>
      %swap3A_391 = vector.shape_cast %broadcast_in_dim3A_385 : vector<16xf32> to vector<1x1x16xf32>
      tpu.vector_store %arg20[%swap3A_386, %swap3A_387, %swap3A_388], %swap3A_391 {strides = array<i32>} : memref<2x64x128xf32, #tpu.memory_space<vmem>>, vector<1x1x16xf32>,
      %swap3A_392 = arith.constant 0 : i32
      %swap3A_393 = arith.index_cast %swap3A_392 : i32 to index
      %swap3A_394 = arith.index_cast %scan3A_384 : i32 to index
      %swap3A_395 = arith.constant 80 : index
      %swap3A_396 = tpu.vector_load %arg20[%swap3A_393, %swap3A_394, %swap3A_395] {strides = array<i32>} : memref<2x64x128xf32, #tpu.memory_space<vmem>>, vector<1x1x16xf32>,
      %swap3A_397 = vector.shape_cast %swap3A_396 : vector<1x1x16xf32> to vector<16xf32>
      %swap3A_398 = vector.shape_cast %broadcast_in_dim3A_385 : vector<16xf32> to vector<1x1x16xf32>
      tpu.vector_store %arg20[%swap3A_393, %swap3A_394, %swap3A_395], %swap3A_398 {strides = array<i32>} : memref<2x64x128xf32, #tpu.memory_space<vmem>>, vector<1x1x16xf32>,
      %swap3A_399 = arith.constant 0 : i32
      %swap3A_400 = arith.index_cast %swap3A_399 : i32 to index
      %swap3A_401 = arith.index_cast %scan3A_384 : i32 to index
      %swap3A_402 = arith.constant 96 : index
      %swap3A_403 = tpu.vector_load %arg20[%swap3A_400, %swap3A_401, %swap3A_402] {strides = array<i32>} : memref<2x64x128xf32, #tpu.memory_space<vmem>>, vector<1x1x16xf32>,
      %swap3A_404 = vector.shape_cast %swap3A_403 : vector<1x1x16xf32> to vector<16xf32>
      %swap3A_405 = vector.shape_cast %broadcast_in_dim3A_385 : vector<16xf32> to vector<1x1x16xf32>
      tpu.vector_store %arg20[%swap3A_400, %swap3A_401, %swap3A_402], %swap3A_405 {strides = array<i32>} : memref<2x64x128xf32, #tpu.memory_space<vmem>>, vector<1x1x16xf32>,
      %swap3A_406 = arith.constant 0 : i32
      %swap3A_407 = arith.index_cast %swap3A_406 : i32 to index
      %swap3A_408 = arith.index_cast %scan3A_384 : i32 to index
      %swap3A_409 = arith.constant 112 : index
      %swap3A_410 = tpu.vector_load %arg20[%swap3A_407, %swap3A_408, %swap3A_409] {strides = array<i32>} : memref<2x64x128xf32, #tpu.memory_space<vmem>>, vector<1x1x16xf32>,
      %swap3A_411 = vector.shape_cast %swap3A_410 : vector<1x1x16xf32> to vector<16xf32>
      %swap3A_412 = vector.shape_cast %broadcast_in_dim3A_385 : vector<16xf32> to vector<1x1x16xf32>
      tpu.vector_store %arg20[%swap3A_407, %swap3A_408, %swap3A_409], %swap3A_412 {strides = array<i32>} : memref<2x64x128xf32, #tpu.memory_space<vmem>>, vector<1x1x16xf32>,
      %swap3A_413 = arith.constant 1 : i32
      %swap3A_414 = arith.index_cast %swap3A_413 : i32 to index
      %swap3A_415 = arith.index_cast %scan3A_384 : i32 to index
      %swap3A_416 = arith.constant 64 : index
      %swap3A_417 = tpu.vector_load %arg20[%swap3A_414, %swap3A_415, %swap3A_416] {strides = array<i32>} : memref<2x64x128xf32, #tpu.memory_space<vmem>>, vector<1x1x16xf32>,
      %swap3A_418 = vector.shape_cast %swap3A_417 : vector<1x1x16xf32> to vector<16xf32>
      %swap3A_419 = vector.shape_cast %broadcast_in_dim3A_385 : vector<16xf32> to vector<1x1x16xf32>
      tpu.vector_store %arg20[%swap3A_414, %swap3A_415, %swap3A_416], %swap3A_419 {strides = array<i32>} : memref<2x64x128xf32, #tpu.memory_space<vmem>>, vector<1x1x16xf32>,
      %swap3A_420 = arith.constant 1 : i32
      %swap3A_421 = arith.index_cast %swap3A_420 : i32 to index
      %swap3A_422 = arith.index_cast %scan3A_384 : i32 to index
      %swap3A_423 = arith.constant 80 : index
      %swap3A_424 = tpu.vector_load %arg20[%swap3A_421, %swap3A_422, %swap3A_423] {strides = array<i32>} : memref<2x64x128xf32, #tpu.memory_space<vmem>>, vector<1x1x16xf32>,
      %swap3A_425 = vector.shape_cast %swap3A_424 : vector<1x1x16xf32> to vector<16xf32>
      %swap3A_426 = vector.shape_cast %broadcast_in_dim3A_385 : vector<16xf32> to vector<1x1x16xf32>
      tpu.vector_store %arg20[%swap3A_421, %swap3A_422, %swap3A_423], %swap3A_426 {strides = array<i32>} : memref<2x64x128xf32, #tpu.memory_space<vmem>>, vector<1x1x16xf32>,
      %swap3A_427 = arith.constant 1 : i32
      %swap3A_428 = arith.index_cast %swap3A_427 : i32 to index
      %swap3A_429 = arith.index_cast %scan3A_384 : i32 to index
      %swap3A_430 = arith.constant 96 : index
      %swap3A_431 = tpu.vector_load %arg20[%swap3A_428, %swap3A_429, %swap3A_430] {strides = array<i32>} : memref<2x64x128xf32, #tpu.memory_space<vmem>>, vector<1x1x16xf32>,
      %swap3A_432 = vector.shape_cast %swap3A_431 : vector<1x1x16xf32> to vector<16xf32>
      %swap3A_433 = vector.shape_cast %broadcast_in_dim3A_385 : vector<16xf32> to vector<1x1x16xf32>
      tpu.vector_store %arg20[%swap3A_428, %swap3A_429, %swap3A_430], %swap3A_433 {strides = array<i32>} : memref<2x64x128xf32, #tpu.memory_space<vmem>>, vector<1x1x16xf32>,
      %swap3A_434 = arith.constant 1 : i32
      %swap3A_435 = arith.index_cast %swap3A_434 : i32 to index
      %swap3A_436 = arith.index_cast %scan3A_384 : i32 to index
      %swap3A_437 = arith.constant 112 : index
      %swap3A_438 = tpu.vector_load %arg20[%swap3A_435, %swap3A_436, %swap3A_437] {strides = array<i32>} : memref<2x64x128xf32, #tpu.memory_space<vmem>>, vector<1x1x16xf32>,
      %swap3A_439 = vector.shape_cast %swap3A_438 : vector<1x1x16xf32> to vector<16xf32>
      %swap3A_440 = vector.shape_cast %broadcast_in_dim3A_385 : vector<16xf32> to vector<1x1x16xf32>
      tpu.vector_store %arg20[%swap3A_435, %swap3A_436, %swap3A_437], %swap3A_440 {strides = array<i32>} : memref<2x64x128xf32, #tpu.memory_space<vmem>>, vector<1x1x16xf32>,
    }
    %scan3A_90 = arith.constant 64 : i32
    %dma_wait3A = arith.constant 0 : i32
    %dma_wait3A_91 = arith.constant 0 : i32
    %dma_wait3A_92 = tpu.memref_slice %arg14[%dma_wait3A, %dma_wait3A_91] : memref<8x512xi32, #tpu.memory_space<vmem>> -> memref<1x512xi32, #tpu.memory_space<vmem>>
    %dma_wait3A_93 = tpu.memref_squeeze %dma_wait3A_92 : memref<1x512xi32, #tpu.memory_space<vmem>> -> memref<512xi32, #tpu.memory_space<vmem>>
    %dma_wait3A_94 = tpu.memref_slice %arg2[%mul3A_2] : memref<16384xi32, #tpu.memory_space<hbm>> -> memref<512xi32, #tpu.memory_space<hbm>>
    %dma_wait3A_95 = arith.constant 0 : i32
    %dma_wait3A_96 = tpu.memref_slice %arg14[%dma_wait3A, %dma_wait3A_95] : memref<8x512xi32, #tpu.memory_space<vmem>> -> memref<1x512xi32, #tpu.memory_space<vmem>>
    %dma_wait3A_97 = tpu.memref_squeeze %dma_wait3A_96 : memref<1x512xi32, #tpu.memory_space<vmem>> -> memref<512xi32, #tpu.memory_space<vmem>>
    %dma_wait3A_98 = tpu.memref_slice %arg2[%mul3A_2] : memref<16384xi32, #tpu.memory_space<hbm>> -> memref<512xi32, #tpu.memory_space<hbm>>
    tpu.wait_dma2 semaphore(%arg21 : memref<!tpu.dma_semaphore, #tpu.memory_space<semaphore_mem>>) src(%dma_wait3A_98 : memref<512xi32, #tpu.memory_space<hbm>>) dst(%dma_wait3A_97 : memref<512xi32, #tpu.memory_space<vmem>>)
    %dma_wait3A_99 = arith.constant 1 : i32
    %dma_wait3A_100 = arith.constant 0 : i32
    %dma_wait3A_101 = tpu.memref_slice %arg14[%dma_wait3A_99, %dma_wait3A_100] : memref<8x512xi32, #tpu.memory_space<vmem>> -> memref<1x512xi32, #tpu.memory_space<vmem>>
    %dma_wait3A_102 = tpu.memref_squeeze %dma_wait3A_101 : memref<1x512xi32, #tpu.memory_space<vmem>> -> memref<512xi32, #tpu.memory_space<vmem>>
    %dma_wait3A_103 = tpu.memref_slice %arg3[%mul3A_2] : memref<16384xi32, #tpu.memory_space<hbm>> -> memref<512xi32, #tpu.memory_space<hbm>>
    %dma_wait3A_104 = arith.constant 0 : i32
    %dma_wait3A_105 = tpu.memref_slice %arg14[%dma_wait3A_99, %dma_wait3A_104] : memref<8x512xi32, #tpu.memory_space<vmem>> -> memref<1x512xi32, #tpu.memory_space<vmem>>
    %dma_wait3A_106 = tpu.memref_squeeze %dma_wait3A_105 : memref<1x512xi32, #tpu.memory_space<vmem>> -> memref<512xi32, #tpu.memory_space<vmem>>
    %dma_wait3A_107 = tpu.memref_slice %arg3[%mul3A_2] : memref<16384xi32, #tpu.memory_space<hbm>> -> memref<512xi32, #tpu.memory_space<hbm>>
    tpu.wait_dma2 semaphore(%arg21 : memref<!tpu.dma_semaphore, #tpu.memory_space<semaphore_mem>>) src(%dma_wait3A_107 : memref<512xi32, #tpu.memory_space<hbm>>) dst(%dma_wait3A_106 : memref<512xi32, #tpu.memory_space<vmem>>)
    %dma_wait3A_108 = arith.constant 2 : i32
    %dma_wait3A_109 = arith.constant 0 : i32
    %dma_wait3A_110 = tpu.memref_slice %arg14[%dma_wait3A_108, %dma_wait3A_109] : memref<8x512xi32, #tpu.memory_space<vmem>> -> memref<1x512xi32, #tpu.memory_space<vmem>>
    %dma_wait3A_111 = tpu.memref_squeeze %dma_wait3A_110 : memref<1x512xi32, #tpu.memory_space<vmem>> -> memref<512xi32, #tpu.memory_space<vmem>>
    %dma_wait3A_112 = tpu.memref_slice %arg4[%mul3A_2] : memref<16384xi32, #tpu.memory_space<hbm>> -> memref<512xi32, #tpu.memory_space<hbm>>
    %dma_wait3A_113 = arith.constant 0 : i32
    %dma_wait3A_114 = tpu.memref_slice %arg14[%dma_wait3A_108, %dma_wait3A_113] : memref<8x512xi32, #tpu.memory_space<vmem>> -> memref<1x512xi32, #tpu.memory_space<vmem>>
    %dma_wait3A_115 = tpu.memref_squeeze %dma_wait3A_114 : memref<1x512xi32, #tpu.memory_space<vmem>> -> memref<512xi32, #tpu.memory_space<vmem>>
    %dma_wait3A_116 = tpu.memref_slice %arg4[%mul3A_2] : memref<16384xi32, #tpu.memory_space<hbm>> -> memref<512xi32, #tpu.memory_space<hbm>>
    tpu.wait_dma2 semaphore(%arg21 : memref<!tpu.dma_semaphore, #tpu.memory_space<semaphore_mem>>) src(%dma_wait3A_116 : memref<512xi32, #tpu.memory_space<hbm>>) dst(%dma_wait3A_115 : memref<512xi32, #tpu.memory_space<vmem>>)
    %dma_wait3A_117 = arith.constant 7 : i32
    %dma_wait3A_118 = arith.constant 0 : i32
    %dma_wait3A_119 = tpu.memref_slice %arg14[%dma_wait3A_117, %dma_wait3A_118] : memref<8x512xi32, #tpu.memory_space<vmem>> -> memref<1x512xi32, #tpu.memory_space<vmem>>
    %dma_wait3A_120 = tpu.memref_squeeze %dma_wait3A_119 : memref<1x512xi32, #tpu.memory_space<vmem>> -> memref<512xi32, #tpu.memory_space<vmem>>
    %dma_wait3A_121 = tpu.memref_slice %arg6[%mul3A_2] : memref<16384xi32, #tpu.memory_space<hbm>> -> memref<512xi32, #tpu.memory_space<hbm>>
    %dma_wait3A_122 = arith.constant 0 : i32
    %dma_wait3A_123 = tpu.memref_slice %arg14[%dma_wait3A_117, %dma_wait3A_122] : memref<8x512xi32, #tpu.memory_space<vmem>> -> memref<1x512xi32, #tpu.memory_space<vmem>>
    %dma_wait3A_124 = tpu.memref_squeeze %dma_wait3A_123 : memref<1x512xi32, #tpu.memory_space<vmem>> -> memref<512xi32, #tpu.memory_space<vmem>>
    %dma_wait3A_125 = tpu.memref_slice %arg6[%mul3A_2] : memref<16384xi32, #tpu.memory_space<hbm>> -> memref<512xi32, #tpu.memory_space<hbm>>
    tpu.wait_dma2 semaphore(%arg21 : memref<!tpu.dma_semaphore, #tpu.memory_space<semaphore_mem>>) src(%dma_wait3A_125 : memref<512xi32, #tpu.memory_space<hbm>>) dst(%dma_wait3A_124 : memref<512xi32, #tpu.memory_space<vmem>>)
    %dma_wait3A_126 = arith.constant 0 : i32
    %dma_wait3A_127 = arith.constant 3 : i32
    %dma_wait3A_128 = arith.constant 0 : i32
    %dma_wait3A_129 = tpu.memref_slice %arg14[%dma_wait3A_127, %dma_wait3A_128] : memref<8x512xi32, #tpu.memory_space<vmem>> -> memref<1x512xi32, #tpu.memory_space<vmem>>
    %dma_wait3A_130 = tpu.memref_squeeze %dma_wait3A_129 : memref<1x512xi32, #tpu.memory_space<vmem>> -> memref<512xi32, #tpu.memory_space<vmem>>
    %dma_wait3A_131 = tpu.memref_slice %arg5[%dma_wait3A_126, %mul3A_2] : memref<4x16384xi32, #tpu.memory_space<hbm>> -> memref<1x512xi32, #tpu.memory_space<hbm>>
    %dma_wait3A_132 = tpu.memref_squeeze %dma_wait3A_131 : memref<1x512xi32, #tpu.memory_space<hbm>> -> memref<512xi32, #tpu.memory_space<hbm>>
    %dma_wait3A_133 = arith.constant 0 : i32
    %dma_wait3A_134 = tpu.memref_slice %arg14[%dma_wait3A_127, %dma_wait3A_133] : memref<8x512xi32, #tpu.memory_space<vmem>> -> memref<1x512xi32, #tpu.memory_space<vmem>>
    %dma_wait3A_135 = tpu.memref_squeeze %dma_wait3A_134 : memref<1x512xi32, #tpu.memory_space<vmem>> -> memref<512xi32, #tpu.memory_space<vmem>>
    %dma_wait3A_136 = tpu.memref_slice %arg5[%dma_wait3A_126, %mul3A_2] : memref<4x16384xi32, #tpu.memory_space<hbm>> -> memref<1x512xi32, #tpu.memory_space<hbm>>
    %dma_wait3A_137 = tpu.memref_squeeze %dma_wait3A_136 : memref<1x512xi32, #tpu.memory_space<hbm>> -> memref<512xi32, #tpu.memory_space<hbm>>
    tpu.wait_dma2 semaphore(%arg21 : memref<!tpu.dma_semaphore, #tpu.memory_space<semaphore_mem>>) src(%dma_wait3A_137 : memref<512xi32, #tpu.memory_space<hbm>>) dst(%dma_wait3A_135 : memref<512xi32, #tpu.memory_space<vmem>>)
    %dma_wait3A_138 = arith.constant 1 : i32
    %dma_wait3A_139 = arith.constant 4 : i32
    %dma_wait3A_140 = arith.constant 0 : i32
    %dma_wait3A_141 = tpu.memref_slice %arg14[%dma_wait3A_139, %dma_wait3A_140] : memref<8x512xi32, #tpu.memory_space<vmem>> -> memref<1x512xi32, #tpu.memory_space<vmem>>
    %dma_wait3A_142 = tpu.memref_squeeze %dma_wait3A_141 : memref<1x512xi32, #tpu.memory_space<vmem>> -> memref<512xi32, #tpu.memory_space<vmem>>
    %dma_wait3A_143 = tpu.memref_slice %arg5[%dma_wait3A_138, %mul3A_2] : memref<4x16384xi32, #tpu.memory_space<hbm>> -> memref<1x512xi32, #tpu.memory_space<hbm>>
    %dma_wait3A_144 = tpu.memref_squeeze %dma_wait3A_143 : memref<1x512xi32, #tpu.memory_space<hbm>> -> memref<512xi32, #tpu.memory_space<hbm>>
    %dma_wait3A_145 = arith.constant 0 : i32
    %dma_wait3A_146 = tpu.memref_slice %arg14[%dma_wait3A_139, %dma_wait3A_145] : memref<8x512xi32, #tpu.memory_space<vmem>> -> memref<1x512xi32, #tpu.memory_space<vmem>>
    %dma_wait3A_147 = tpu.memref_squeeze %dma_wait3A_146 : memref<1x512xi32, #tpu.memory_space<vmem>> -> memref<512xi32, #tpu.memory_space<vmem>>
    %dma_wait3A_148 = tpu.memref_slice %arg5[%dma_wait3A_138, %mul3A_2] : memref<4x16384xi32, #tpu.memory_space<hbm>> -> memref<1x512xi32, #tpu.memory_space<hbm>>
    %dma_wait3A_149 = tpu.memref_squeeze %dma_wait3A_148 : memref<1x512xi32, #tpu.memory_space<hbm>> -> memref<512xi32, #tpu.memory_space<hbm>>
    tpu.wait_dma2 semaphore(%arg21 : memref<!tpu.dma_semaphore, #tpu.memory_space<semaphore_mem>>) src(%dma_wait3A_149 : memref<512xi32, #tpu.memory_space<hbm>>) dst(%dma_wait3A_147 : memref<512xi32, #tpu.memory_space<vmem>>)
    %dma_wait3A_150 = arith.constant 2 : i32
    %dma_wait3A_151 = arith.constant 5 : i32
    %dma_wait3A_152 = arith.constant 0 : i32
    %dma_wait3A_153 = tpu.memref_slice %arg14[%dma_wait3A_151, %dma_wait3A_152] : memref<8x512xi32, #tpu.memory_space<vmem>> -> memref<1x512xi32, #tpu.memory_space<vmem>>
    %dma_wait3A_154 = tpu.memref_squeeze %dma_wait3A_153 : memref<1x512xi32, #tpu.memory_space<vmem>> -> memref<512xi32, #tpu.memory_space<vmem>>
    %dma_wait3A_155 = tpu.memref_slice %arg5[%dma_wait3A_150, %mul3A_2] : memref<4x16384xi32, #tpu.memory_space<hbm>> -> memref<1x512xi32, #tpu.memory_space<hbm>>
    %dma_wait3A_156 = tpu.memref_squeeze %dma_wait3A_155 : memref<1x512xi32, #tpu.memory_space<hbm>> -> memref<512xi32, #tpu.memory_space<hbm>>
    %dma_wait3A_157 = arith.constant 0 : i32
    %dma_wait3A_158 = tpu.memref_slice %arg14[%dma_wait3A_151, %dma_wait3A_157] : memref<8x512xi32, #tpu.memory_space<vmem>> -> memref<1x512xi32, #tpu.memory_space<vmem>>
    %dma_wait3A_159 = tpu.memref_squeeze %dma_wait3A_158 : memref<1x512xi32, #tpu.memory_space<vmem>> -> memref<512xi32, #tpu.memory_space<vmem>>
    %dma_wait3A_160 = tpu.memref_slice %arg5[%dma_wait3A_150, %mul3A_2] : memref<4x16384xi32, #tpu.memory_space<hbm>> -> memref<1x512xi32, #tpu.memory_space<hbm>>
    %dma_wait3A_161 = tpu.memref_squeeze %dma_wait3A_160 : memref<1x512xi32, #tpu.memory_space<hbm>> -> memref<512xi32, #tpu.memory_space<hbm>>
    tpu.wait_dma2 semaphore(%arg21 : memref<!tpu.dma_semaphore, #tpu.memory_space<semaphore_mem>>) src(%dma_wait3A_161 : memref<512xi32, #tpu.memory_space<hbm>>) dst(%dma_wait3A_159 : memref<512xi32, #tpu.memory_space<vmem>>)
    %dma_wait3A_162 = arith.constant 3 : i32
    %dma_wait3A_163 = arith.constant 6 : i32
    %dma_wait3A_164 = arith.constant 0 : i32
    %dma_wait3A_165 = tpu.memref_slice %arg14[%dma_wait3A_163, %dma_wait3A_164] : memref<8x512xi32, #tpu.memory_space<vmem>> -> memref<1x512xi32, #tpu.memory_space<vmem>>
    %dma_wait3A_166 = tpu.memref_squeeze %dma_wait3A_165 : memref<1x512xi32, #tpu.memory_space<vmem>> -> memref<512xi32, #tpu.memory_space<vmem>>
    %dma_wait3A_167 = tpu.memref_slice %arg5[%dma_wait3A_162, %mul3A_2] : memref<4x16384xi32, #tpu.memory_space<hbm>> -> memref<1x512xi32, #tpu.memory_space<hbm>>
    %dma_wait3A_168 = tpu.memref_squeeze %dma_wait3A_167 : memref<1x512xi32, #tpu.memory_space<hbm>> -> memref<512xi32, #tpu.memory_space<hbm>>
    %dma_wait3A_169 = arith.constant 0 : i32
    %dma_wait3A_170 = tpu.memref_slice %arg14[%dma_wait3A_163, %dma_wait3A_169] : memref<8x512xi32, #tpu.memory_space<vmem>> -> memref<1x512xi32, #tpu.memory_space<vmem>>
    %dma_wait3A_171 = tpu.memref_squeeze %dma_wait3A_170 : memref<1x512xi32, #tpu.memory_space<vmem>> -> memref<512xi32, #tpu.memory_space<vmem>>
    %dma_wait3A_172 = tpu.memref_slice %arg5[%dma_wait3A_162, %mul3A_2] : memref<4x16384xi32, #tpu.memory_space<hbm>> -> memref<1x512xi32, #tpu.memory_space<hbm>>
    %dma_wait3A_173 = tpu.memref_squeeze %dma_wait3A_172 : memref<1x512xi32, #tpu.memory_space<hbm>> -> memref<512xi32, #tpu.memory_space<hbm>>
    tpu.wait_dma2 semaphore(%arg21 : memref<!tpu.dma_semaphore, #tpu.memory_space<semaphore_mem>>) src(%dma_wait3A_173 : memref<512xi32, #tpu.memory_space<hbm>>) dst(%dma_wait3A_171 : memref<512xi32, #tpu.memory_space<vmem>>)
    %dma_start3A_174 = arith.constant 0 : i32
    %dma_start3A_175 = arith.constant 0 : i32
    %dma_start3A_176 = arith.constant 0 : i32
    %dma_start3A_177 = arith.constant 0 : i32
    %dma_start3A_178 = tpu.memref_slice %arg15[%dma_start3A_175, %dma_start3A_176, %dma_start3A_177] : memref<2x64x64xf32, #tpu.memory_space<vmem>> -> memref<1x64x64xf32, #tpu.memory_space<vmem>>
    %dma_start3A_179 = tpu.memref_squeeze %dma_start3A_178 : memref<1x64x64xf32, #tpu.memory_space<vmem>> -> memref<64x64xf32, #tpu.memory_space<vmem>>
    %dma_start3A_180 = arith.constant 0 : i32
    %dma_start3A_181 = tpu.memref_slice %arg14[%dma_start3A_174, %dma_start3A_180] : memref<8x512xi32, #tpu.memory_space<vmem>> -> memref<1x64xi32, #tpu.memory_space<vmem>>
    %dma_start3A_182 = tpu.memref_squeeze %dma_start3A_181 : memref<1x64xi32, #tpu.memory_space<vmem>> -> memref<64xi32, #tpu.memory_space<vmem>>
    %dma_start3A_183 = arith.constant 0 : i32
    %dma_start3A_184 = arith.constant 0 : i32
    %dma_start3A_185 = tpu.memref_slice %arg7[%dma_start3A_183, %dma_start3A_184] : memref<1025x64xf32, #tpu.memory_space<hbm>> -> memref<1025x64xf32, #tpu.memory_space<hbm>>
    tpu.enqueue_indirect_dma source(%dma_start3A_185 : memref<1025x64xf32, #tpu.memory_space<hbm>>) target(%dma_start3A_179 : memref<64x64xf32, #tpu.memory_space<vmem>>) offsets(%dma_start3A_182 : memref<64xi32, #tpu.memory_space<vmem>>) semaphore(%arg22 : memref<!tpu.dma_semaphore, #tpu.memory_space<semaphore_mem>>)
    %dma_start3A_186 = arith.constant 1 : i32
    %dma_start3A_187 = arith.constant 0 : i32
    %dma_start3A_188 = arith.constant 0 : i32
    %dma_start3A_189 = arith.constant 0 : i32
    %dma_start3A_190 = tpu.memref_slice %arg16[%dma_start3A_187, %dma_start3A_188, %dma_start3A_189] : memref<2x64x32xf32, #tpu.memory_space<vmem>> -> memref<1x64x32xf32, #tpu.memory_space<vmem>>
    %dma_start3A_191 = tpu.memref_squeeze %dma_start3A_190 : memref<1x64x32xf32, #tpu.memory_space<vmem>> -> memref<64x32xf32, #tpu.memory_space<vmem>>
    %dma_start3A_192 = arith.constant 0 : i32
    %dma_start3A_193 = tpu.memref_slice %arg14[%dma_start3A_186, %dma_start3A_192] : memref<8x512xi32, #tpu.memory_space<vmem>> -> memref<1x64xi32, #tpu.memory_space<vmem>>
    %dma_start3A_194 = tpu.memref_squeeze %dma_start3A_193 : memref<1x64xi32, #tpu.memory_space<vmem>> -> memref<64xi32, #tpu.memory_space<vmem>>
    %dma_start3A_195 = arith.constant 0 : i32
    %dma_start3A_196 = arith.constant 0 : i32
    %dma_start3A_197 = tpu.memref_slice %arg8[%dma_start3A_195, %dma_start3A_196] : memref<310x32xf32, #tpu.memory_space<hbm>> -> memref<310x32xf32, #tpu.memory_space<hbm>>
    tpu.enqueue_indirect_dma source(%dma_start3A_197 : memref<310x32xf32, #tpu.memory_space<hbm>>) target(%dma_start3A_191 : memref<64x32xf32, #tpu.memory_space<vmem>>) offsets(%dma_start3A_194 : memref<64xi32, #tpu.memory_space<vmem>>) semaphore(%arg22 : memref<!tpu.dma_semaphore, #tpu.memory_space<semaphore_mem>>)
    %dma_start3A_198 = arith.constant 2 : i32
    %dma_start3A_199 = arith.constant 0 : i32
    %dma_start3A_200 = arith.constant 0 : i32
    %dma_start3A_201 = arith.constant 0 : i32
    %dma_start3A_202 = tpu.memref_slice %arg17[%dma_start3A_199, %dma_start3A_200, %dma_start3A_201] : memref<2x64x32xf32, #tpu.memory_space<vmem>> -> memref<1x64x32xf32, #tpu.memory_space<vmem>>
    %dma_start3A_203 = tpu.memref_squeeze %dma_start3A_202 : memref<1x64x32xf32, #tpu.memory_space<vmem>> -> memref<64x32xf32, #tpu.memory_space<vmem>>
    %dma_start3A_204 = arith.constant 0 : i32
    %dma_start3A_205 = tpu.memref_slice %arg14[%dma_start3A_198, %dma_start3A_204] : memref<8x512xi32, #tpu.memory_space<vmem>> -> memref<1x64xi32, #tpu.memory_space<vmem>>
    %dma_start3A_206 = tpu.memref_squeeze %dma_start3A_205 : memref<1x64xi32, #tpu.memory_space<vmem>> -> memref<64xi32, #tpu.memory_space<vmem>>
    %dma_start3A_207 = arith.constant 0 : i32
    %dma_start3A_208 = arith.constant 0 : i32
    %dma_start3A_209 = tpu.memref_slice %arg9[%dma_start3A_207, %dma_start3A_208] : memref<250x32xf32, #tpu.memory_space<hbm>> -> memref<250x32xf32, #tpu.memory_space<hbm>>
    tpu.enqueue_indirect_dma source(%dma_start3A_209 : memref<250x32xf32, #tpu.memory_space<hbm>>) target(%dma_start3A_203 : memref<64x32xf32, #tpu.memory_space<vmem>>) offsets(%dma_start3A_206 : memref<64xi32, #tpu.memory_space<vmem>>) semaphore(%arg22 : memref<!tpu.dma_semaphore, #tpu.memory_space<semaphore_mem>>)
    %dma_start3A_210 = arith.constant 3 : i32
    %dma_start3A_211 = arith.constant 0 : i32
    %dma_start3A_212 = arith.constant 0 : i32
    %dma_start3A_213 = arith.constant 0 : i32
    %dma_start3A_214 = arith.constant 0 : i32
    %dma_start3A_215 = tpu.memref_slice %arg18[%dma_start3A_211, %dma_start3A_212, %dma_start3A_213, %dma_start3A_214] : memref<2x4x64x64xf32, #tpu.memory_space<vmem>> -> memref<1x1x64x64xf32, #tpu.memory_space<vmem>>
    %dma_start3A_216 = tpu.memref_squeeze %dma_start3A_215 : memref<1x1x64x64xf32, #tpu.memory_space<vmem>> -> memref<64x64xf32, #tpu.memory_space<vmem>>
    %dma_start3A_217 = arith.constant 0 : i32
    %dma_start3A_218 = tpu.memref_slice %arg14[%dma_start3A_210, %dma_start3A_217] : memref<8x512xi32, #tpu.memory_space<vmem>> -> memref<1x64xi32, #tpu.memory_space<vmem>>
    %dma_start3A_219 = tpu.memref_squeeze %dma_start3A_218 : memref<1x64xi32, #tpu.memory_space<vmem>> -> memref<64xi32, #tpu.memory_space<vmem>>
    %dma_start3A_220 = arith.constant 0 : i32
    %dma_start3A_221 = arith.constant 0 : i32
    %dma_start3A_222 = tpu.memref_slice %arg10[%dma_start3A_220, %dma_start3A_221] : memref<920x64xf32, #tpu.memory_space<hbm>> -> memref<920x64xf32, #tpu.memory_space<hbm>>
    tpu.enqueue_indirect_dma source(%dma_start3A_222 : memref<920x64xf32, #tpu.memory_space<hbm>>) target(%dma_start3A_216 : memref<64x64xf32, #tpu.memory_space<vmem>>) offsets(%dma_start3A_219 : memref<64xi32, #tpu.memory_space<vmem>>) semaphore(%arg22 : memref<!tpu.dma_semaphore, #tpu.memory_space<semaphore_mem>>)
    %dma_start3A_223 = arith.constant 4 : i32
    %dma_start3A_224 = arith.constant 0 : i32
    %dma_start3A_225 = arith.constant 1 : i32
    %dma_start3A_226 = arith.constant 0 : i32
    %dma_start3A_227 = arith.constant 0 : i32
    %dma_start3A_228 = tpu.memref_slice %arg18[%dma_start3A_224, %dma_start3A_225, %dma_start3A_226, %dma_start3A_227] : memref<2x4x64x64xf32, #tpu.memory_space<vmem>> -> memref<1x1x64x64xf32, #tpu.memory_space<vmem>>
    %dma_start3A_229 = tpu.memref_squeeze %dma_start3A_228 : memref<1x1x64x64xf32, #tpu.memory_space<vmem>> -> memref<64x64xf32, #tpu.memory_space<vmem>>
    %dma_start3A_230 = arith.constant 0 : i32
    %dma_start3A_231 = tpu.memref_slice %arg14[%dma_start3A_223, %dma_start3A_230] : memref<8x512xi32, #tpu.memory_space<vmem>> -> memref<1x64xi32, #tpu.memory_space<vmem>>
    %dma_start3A_232 = tpu.memref_squeeze %dma_start3A_231 : memref<1x64xi32, #tpu.memory_space<vmem>> -> memref<64xi32, #tpu.memory_space<vmem>>
    %dma_start3A_233 = arith.constant 0 : i32
    %dma_start3A_234 = arith.constant 0 : i32
    %dma_start3A_235 = tpu.memref_slice %arg10[%dma_start3A_233, %dma_start3A_234] : memref<920x64xf32, #tpu.memory_space<hbm>> -> memref<920x64xf32, #tpu.memory_space<hbm>>
    tpu.enqueue_indirect_dma source(%dma_start3A_235 : memref<920x64xf32, #tpu.memory_space<hbm>>) target(%dma_start3A_229 : memref<64x64xf32, #tpu.memory_space<vmem>>) offsets(%dma_start3A_232 : memref<64xi32, #tpu.memory_space<vmem>>) semaphore(%arg22 : memref<!tpu.dma_semaphore, #tpu.memory_space<semaphore_mem>>)
    %dma_start3A_236 = arith.constant 5 : i32
    %dma_start3A_237 = arith.constant 0 : i32
    %dma_start3A_238 = arith.constant 2 : i32
    %dma_start3A_239 = arith.constant 0 : i32
    %dma_start3A_240 = arith.constant 0 : i32
    %dma_start3A_241 = tpu.memref_slice %arg18[%dma_start3A_237, %dma_start3A_238, %dma_start3A_239, %dma_start3A_240] : memref<2x4x64x64xf32, #tpu.memory_space<vmem>> -> memref<1x1x64x64xf32, #tpu.memory_space<vmem>>
    %dma_start3A_242 = tpu.memref_squeeze %dma_start3A_241 : memref<1x1x64x64xf32, #tpu.memory_space<vmem>> -> memref<64x64xf32, #tpu.memory_space<vmem>>
    %dma_start3A_243 = arith.constant 0 : i32
    %dma_start3A_244 = tpu.memref_slice %arg14[%dma_start3A_236, %dma_start3A_243] : memref<8x512xi32, #tpu.memory_space<vmem>> -> memref<1x64xi32, #tpu.memory_space<vmem>>
    %dma_start3A_245 = tpu.memref_squeeze %dma_start3A_244 : memref<1x64xi32, #tpu.memory_space<vmem>> -> memref<64xi32, #tpu.memory_space<vmem>>
    %dma_start3A_246 = arith.constant 0 : i32
    %dma_start3A_247 = arith.constant 0 : i32
    %dma_start3A_248 = tpu.memref_slice %arg10[%dma_start3A_246, %dma_start3A_247] : memref<920x64xf32, #tpu.memory_space<hbm>> -> memref<920x64xf32, #tpu.memory_space<hbm>>
    tpu.enqueue_indirect_dma source(%dma_start3A_248 : memref<920x64xf32, #tpu.memory_space<hbm>>) target(%dma_start3A_242 : memref<64x64xf32, #tpu.memory_space<vmem>>) offsets(%dma_start3A_245 : memref<64xi32, #tpu.memory_space<vmem>>) semaphore(%arg22 : memref<!tpu.dma_semaphore, #tpu.memory_space<semaphore_mem>>)
    %dma_start3A_249 = arith.constant 6 : i32
    %dma_start3A_250 = arith.constant 0 : i32
    %dma_start3A_251 = arith.constant 3 : i32
    %dma_start3A_252 = arith.constant 0 : i32
    %dma_start3A_253 = arith.constant 0 : i32
    %dma_start3A_254 = tpu.memref_slice %arg18[%dma_start3A_250, %dma_start3A_251, %dma_start3A_252, %dma_start3A_253] : memref<2x4x64x64xf32, #tpu.memory_space<vmem>> -> memref<1x1x64x64xf32, #tpu.memory_space<vmem>>
    %dma_start3A_255 = tpu.memref_squeeze %dma_start3A_254 : memref<1x1x64x64xf32, #tpu.memory_space<vmem>> -> memref<64x64xf32, #tpu.memory_space<vmem>>
    %dma_start3A_256 = arith.constant 0 : i32
    %dma_start3A_257 = tpu.memref_slice %arg14[%dma_start3A_249, %dma_start3A_256] : memref<8x512xi32, #tpu.memory_space<vmem>> -> memref<1x64xi32, #tpu.memory_space<vmem>>
    %dma_start3A_258 = tpu.memref_squeeze %dma_start3A_257 : memref<1x64xi32, #tpu.memory_space<vmem>> -> memref<64xi32, #tpu.memory_space<vmem>>
    %dma_start3A_259 = arith.constant 0 : i32
    %dma_start3A_260 = arith.constant 0 : i32
    %dma_start3A_261 = tpu.memref_slice %arg10[%dma_start3A_259, %dma_start3A_260] : memref<920x64xf32, #tpu.memory_space<hbm>> -> memref<920x64xf32, #tpu.memory_space<hbm>>
    tpu.enqueue_indirect_dma source(%dma_start3A_261 : memref<920x64xf32, #tpu.memory_space<hbm>>) target(%dma_start3A_255 : memref<64x64xf32, #tpu.memory_space<vmem>>) offsets(%dma_start3A_258 : memref<64xi32, #tpu.memory_space<vmem>>) semaphore(%arg22 : memref<!tpu.dma_semaphore, #tpu.memory_space<semaphore_mem>>)
    %dma_start3A_262 = arith.constant 7 : i32
    %dma_start3A_263 = arith.constant 0 : i32
    %dma_start3A_264 = arith.constant 0 : i32
    %dma_start3A_265 = arith.constant 0 : i32
    %dma_start3A_266 = tpu.memref_slice %arg19[%dma_start3A_263, %dma_start3A_264, %dma_start3A_265] : memref<2x64x16xf32, #tpu.memory_space<vmem>> -> memref<1x64x16xf32, #tpu.memory_space<vmem>>
    %dma_start3A_267 = tpu.memref_squeeze %dma_start3A_266 : memref<1x64x16xf32, #tpu.memory_space<vmem>> -> memref<64x16xf32, #tpu.memory_space<vmem>>
    %dma_start3A_268 = arith.constant 0 : i32
    %dma_start3A_269 = tpu.memref_slice %arg14[%dma_start3A_262, %dma_start3A_268] : memref<8x512xi32, #tpu.memory_space<vmem>> -> memref<1x64xi32, #tpu.memory_space<vmem>>
    %dma_start3A_270 = tpu.memref_squeeze %dma_start3A_269 : memref<1x64xi32, #tpu.memory_space<vmem>> -> memref<64xi32, #tpu.memory_space<vmem>>
    %dma_start3A_271 = arith.constant 0 : i32
    %dma_start3A_272 = arith.constant 0 : i32
    %dma_start3A_273 = tpu.memref_slice %arg11[%dma_start3A_271, %dma_start3A_272] : memref<368x16xf32, #tpu.memory_space<hbm>> -> memref<368x16xf32, #tpu.memory_space<hbm>>
    tpu.enqueue_indirect_dma source(%dma_start3A_273 : memref<368x16xf32, #tpu.memory_space<hbm>>) target(%dma_start3A_267 : memref<64x16xf32, #tpu.memory_space<vmem>>) offsets(%dma_start3A_270 : memref<64xi32, #tpu.memory_space<vmem>>) semaphore(%arg22 : memref<!tpu.dma_semaphore, #tpu.memory_space<semaphore_mem>>)
    %scan3A_274 = arith.constant 0 : i32
    %scan3A_275 = arith.constant 0 : i32
    %scan3A_276 = arith.constant 8 : i32
    %scan3A_277 = arith.addi %scan3A_275, %scan3A_276 : i32
    %scan3A_278 = arith.constant 1 : i32
    scf.for %scan3A_384 = %scan3A_275 to %scan3A_277 step %scan3A_278  : i32 {
      %rem3A = arith.constant 2 : i32
      %rem3A_385 = arith.remsi %scan3A_384, %rem3A : i32
      %dma_wait3A_386 = arith.constant 0 : i32
      %dma_wait3A_387 = arith.constant 0 : i32
      %dma_wait3A_388 = arith.constant 0 : i32
      %dma_wait3A_389 = tpu.memref_slice %arg15[%rem3A_385, %dma_wait3A_387, %dma_wait3A_388] : memref<2x64x64xf32, #tpu.memory_space<vmem>> -> memref<1x64x64xf32, #tpu.memory_space<vmem>>
      %dma_wait3A_390 = tpu.memref_squeeze %dma_wait3A_389 : memref<1x64x64xf32, #tpu.memory_space<vmem>> -> memref<64x64xf32, #tpu.memory_space<vmem>>
      %dma_wait3A_391 = arith.constant 0 : i32
      %dma_wait3A_392 = tpu.memref_slice %arg14[%dma_wait3A_386, %dma_wait3A_391] : memref<8x512xi32, #tpu.memory_space<vmem>> -> memref<1x64xi32, #tpu.memory_space<vmem>>
      %dma_wait3A_393 = tpu.memref_squeeze %dma_wait3A_392 : memref<1x64xi32, #tpu.memory_space<vmem>> -> memref<64xi32, #tpu.memory_space<vmem>>
      %dma_wait3A_394 = arith.constant 0 : i32
      %dma_wait3A_395 = arith.constant 0 : i32
      %dma_wait3A_396 = tpu.memref_slice %arg7[%dma_wait3A_394, %dma_wait3A_395] : memref<1025x64xf32, #tpu.memory_space<hbm>> -> memref<1025x64xf32, #tpu.memory_space<hbm>>
      tpu.wait_indirect_dma semaphore(%arg22 : memref<!tpu.dma_semaphore, #tpu.memory_space<semaphore_mem>>) src(%dma_wait3A_396 : memref<1025x64xf32, #tpu.memory_space<hbm>>) dst(%dma_wait3A_390 : memref<64x64xf32, #tpu.memory_space<vmem>>)
      %dma_wait3A_397 = arith.constant 1 : i32
      %dma_wait3A_398 = arith.constant 0 : i32
      %dma_wait3A_399 = arith.constant 0 : i32
      %dma_wait3A_400 = tpu.memref_slice %arg16[%rem3A_385, %dma_wait3A_398, %dma_wait3A_399] : memref<2x64x32xf32, #tpu.memory_space<vmem>> -> memref<1x64x32xf32, #tpu.memory_space<vmem>>
      %dma_wait3A_401 = tpu.memref_squeeze %dma_wait3A_400 : memref<1x64x32xf32, #tpu.memory_space<vmem>> -> memref<64x32xf32, #tpu.memory_space<vmem>>
      %dma_wait3A_402 = arith.constant 0 : i32
      %dma_wait3A_403 = tpu.memref_slice %arg14[%dma_wait3A_397, %dma_wait3A_402] : memref<8x512xi32, #tpu.memory_space<vmem>> -> memref<1x64xi32, #tpu.memory_space<vmem>>
      %dma_wait3A_404 = tpu.memref_squeeze %dma_wait3A_403 : memref<1x64xi32, #tpu.memory_space<vmem>> -> memref<64xi32, #tpu.memory_space<vmem>>
      %dma_wait3A_405 = arith.constant 0 : i32
      %dma_wait3A_406 = arith.constant 0 : i32
      %dma_wait3A_407 = tpu.memref_slice %arg8[%dma_wait3A_405, %dma_wait3A_406] : memref<310x32xf32, #tpu.memory_space<hbm>> -> memref<310x32xf32, #tpu.memory_space<hbm>>
      tpu.wait_indirect_dma semaphore(%arg22 : memref<!tpu.dma_semaphore, #tpu.memory_space<semaphore_mem>>) src(%dma_wait3A_407 : memref<310x32xf32, #tpu.memory_space<hbm>>) dst(%dma_wait3A_401 : memref<64x32xf32, #tpu.memory_space<vmem>>)
      %dma_wait3A_408 = arith.constant 2 : i32
      %dma_wait3A_409 = arith.constant 0 : i32
      %dma_wait3A_410 = arith.constant 0 : i32
      %dma_wait3A_411 = tpu.memref_slice %arg17[%rem3A_385, %dma_wait3A_409, %dma_wait3A_410] : memref<2x64x32xf32, #tpu.memory_space<vmem>> -> memref<1x64x32xf32, #tpu.memory_space<vmem>>
      %dma_wait3A_412 = tpu.memref_squeeze %dma_wait3A_411 : memref<1x64x32xf32, #tpu.memory_space<vmem>> -> memref<64x32xf32, #tpu.memory_space<vmem>>
      %dma_wait3A_413 = arith.constant 0 : i32
      %dma_wait3A_414 = tpu.memref_slice %arg14[%dma_wait3A_408, %dma_wait3A_413] : memref<8x512xi32, #tpu.memory_space<vmem>> -> memref<1x64xi32, #tpu.memory_space<vmem>>
      %dma_wait3A_415 = tpu.memref_squeeze %dma_wait3A_414 : memref<1x64xi32, #tpu.memory_space<vmem>> -> memref<64xi32, #tpu.memory_space<vmem>>
      %dma_wait3A_416 = arith.constant 0 : i32
      %dma_wait3A_417 = arith.constant 0 : i32
      %dma_wait3A_418 = tpu.memref_slice %arg9[%dma_wait3A_416, %dma_wait3A_417] : memref<250x32xf32, #tpu.memory_space<hbm>> -> memref<250x32xf32, #tpu.memory_space<hbm>>
      tpu.wait_indirect_dma semaphore(%arg22 : memref<!tpu.dma_semaphore, #tpu.memory_space<semaphore_mem>>) src(%dma_wait3A_418 : memref<250x32xf32, #tpu.memory_space<hbm>>) dst(%dma_wait3A_412 : memref<64x32xf32, #tpu.memory_space<vmem>>)
      %dma_wait3A_419 = arith.constant 3 : i32
      %dma_wait3A_420 = arith.constant 0 : i32
      %dma_wait3A_421 = arith.constant 0 : i32
      %dma_wait3A_422 = arith.constant 0 : i32
      %dma_wait3A_423 = tpu.memref_slice %arg18[%rem3A_385, %dma_wait3A_420, %dma_wait3A_421, %dma_wait3A_422] : memref<2x4x64x64xf32, #tpu.memory_space<vmem>> -> memref<1x1x64x64xf32, #tpu.memory_space<vmem>>
      %dma_wait3A_424 = tpu.memref_squeeze %dma_wait3A_423 : memref<1x1x64x64xf32, #tpu.memory_space<vmem>> -> memref<64x64xf32, #tpu.memory_space<vmem>>
      %dma_wait3A_425 = arith.constant 0 : i32
      %dma_wait3A_426 = tpu.memref_slice %arg14[%dma_wait3A_419, %dma_wait3A_425] : memref<8x512xi32, #tpu.memory_space<vmem>> -> memref<1x64xi32, #tpu.memory_space<vmem>>
      %dma_wait3A_427 = tpu.memref_squeeze %dma_wait3A_426 : memref<1x64xi32, #tpu.memory_space<vmem>> -> memref<64xi32, #tpu.memory_space<vmem>>
      %dma_wait3A_428 = arith.constant 0 : i32
      %dma_wait3A_429 = arith.constant 0 : i32
      %dma_wait3A_430 = tpu.memref_slice %arg10[%dma_wait3A_428, %dma_wait3A_429] : memref<920x64xf32, #tpu.memory_space<hbm>> -> memref<920x64xf32, #tpu.memory_space<hbm>>
      tpu.wait_indirect_dma semaphore(%arg22 : memref<!tpu.dma_semaphore, #tpu.memory_space<semaphore_mem>>) src(%dma_wait3A_430 : memref<920x64xf32, #tpu.memory_space<hbm>>) dst(%dma_wait3A_424 : memref<64x64xf32, #tpu.memory_space<vmem>>)
      %dma_wait3A_431 = arith.constant 4 : i32
      %dma_wait3A_432 = arith.constant 1 : i32
      %dma_wait3A_433 = arith.constant 0 : i32
      %dma_wait3A_434 = arith.constant 0 : i32
      %dma_wait3A_435 = tpu.memref_slice %arg18[%rem3A_385, %dma_wait3A_432, %dma_wait3A_433, %dma_wait3A_434] : memref<2x4x64x64xf32, #tpu.memory_space<vmem>> -> memref<1x1x64x64xf32, #tpu.memory_space<vmem>>
      %dma_wait3A_436 = tpu.memref_squeeze %dma_wait3A_435 : memref<1x1x64x64xf32, #tpu.memory_space<vmem>> -> memref<64x64xf32, #tpu.memory_space<vmem>>
      %dma_wait3A_437 = arith.constant 0 : i32
      %dma_wait3A_438 = tpu.memref_slice %arg14[%dma_wait3A_431, %dma_wait3A_437] : memref<8x512xi32, #tpu.memory_space<vmem>> -> memref<1x64xi32, #tpu.memory_space<vmem>>
      %dma_wait3A_439 = tpu.memref_squeeze %dma_wait3A_438 : memref<1x64xi32, #tpu.memory_space<vmem>> -> memref<64xi32, #tpu.memory_space<vmem>>
      %dma_wait3A_440 = arith.constant 0 : i32
      %dma_wait3A_441 = arith.constant 0 : i32
      %dma_wait3A_442 = tpu.memref_slice %arg10[%dma_wait3A_440, %dma_wait3A_441] : memref<920x64xf32, #tpu.memory_space<hbm>> -> memref<920x64xf32, #tpu.memory_space<hbm>>
      tpu.wait_indirect_dma semaphore(%arg22 : memref<!tpu.dma_semaphore, #tpu.memory_space<semaphore_mem>>) src(%dma_wait3A_442 : memref<920x64xf32, #tpu.memory_space<hbm>>) dst(%dma_wait3A_436 : memref<64x64xf32, #tpu.memory_space<vmem>>)
      %dma_wait3A_443 = arith.constant 5 : i32
      %dma_wait3A_444 = arith.constant 2 : i32
      %dma_wait3A_445 = arith.constant 0 : i32
      %dma_wait3A_446 = arith.constant 0 : i32
      %dma_wait3A_447 = tpu.memref_slice %arg18[%rem3A_385, %dma_wait3A_444, %dma_wait3A_445, %dma_wait3A_446] : memref<2x4x64x64xf32, #tpu.memory_space<vmem>> -> memref<1x1x64x64xf32, #tpu.memory_space<vmem>>
      %dma_wait3A_448 = tpu.memref_squeeze %dma_wait3A_447 : memref<1x1x64x64xf32, #tpu.memory_space<vmem>> -> memref<64x64xf32, #tpu.memory_space<vmem>>
      %dma_wait3A_449 = arith.constant 0 : i32
      %dma_wait3A_450 = tpu.memref_slice %arg14[%dma_wait3A_443, %dma_wait3A_449] : memref<8x512xi32, #tpu.memory_space<vmem>> -> memref<1x64xi32, #tpu.memory_space<vmem>>
      %dma_wait3A_451 = tpu.memref_squeeze %dma_wait3A_450 : memref<1x64xi32, #tpu.memory_space<vmem>> -> memref<64xi32, #tpu.memory_space<vmem>>
      %dma_wait3A_452 = arith.constant 0 : i32
      %dma_wait3A_453 = arith.constant 0 : i32
      %dma_wait3A_454 = tpu.memref_slice %arg10[%dma_wait3A_452, %dma_wait3A_453] : memref<920x64xf32, #tpu.memory_space<hbm>> -> memref<920x64xf32, #tpu.memory_space<hbm>>
      tpu.wait_indirect_dma semaphore(%arg22 : memref<!tpu.dma_semaphore, #tpu.memory_space<semaphore_mem>>) src(%dma_wait3A_454 : memref<920x64xf32, #tpu.memory_space<hbm>>) dst(%dma_wait3A_448 : memref<64x64xf32, #tpu.memory_space<vmem>>)
      %dma_wait3A_455 = arith.constant 6 : i32
      %dma_wait3A_456 = arith.constant 3 : i32
      %dma_wait3A_457 = arith.constant 0 : i32
      %dma_wait3A_458 = arith.constant 0 : i32
      %dma_wait3A_459 = tpu.memref_slice %arg18[%rem3A_385, %dma_wait3A_456, %dma_wait3A_457, %dma_wait3A_458] : memref<2x4x64x64xf32, #tpu.memory_space<vmem>> -> memref<1x1x64x64xf32, #tpu.memory_space<vmem>>
      %dma_wait3A_460 = tpu.memref_squeeze %dma_wait3A_459 : memref<1x1x64x64xf32, #tpu.memory_space<vmem>> -> memref<64x64xf32, #tpu.memory_space<vmem>>
      %dma_wait3A_461 = arith.constant 0 : i32
      %dma_wait3A_462 = tpu.memref_slice %arg14[%dma_wait3A_455, %dma_wait3A_461] : memref<8x512xi32, #tpu.memory_space<vmem>> -> memref<1x64xi32, #tpu.memory_space<vmem>>
      %dma_wait3A_463 = tpu.memref_squeeze %dma_wait3A_462 : memref<1x64xi32, #tpu.memory_space<vmem>> -> memref<64xi32, #tpu.memory_space<vmem>>
      %dma_wait3A_464 = arith.constant 0 : i32
      %dma_wait3A_465 = arith.constant 0 : i32
      %dma_wait3A_466 = tpu.memref_slice %arg10[%dma_wait3A_464, %dma_wait3A_465] : memref<920x64xf32, #tpu.memory_space<hbm>> -> memref<920x64xf32, #tpu.memory_space<hbm>>
      tpu.wait_indirect_dma semaphore(%arg22 : memref<!tpu.dma_semaphore, #tpu.memory_space<semaphore_mem>>) src(%dma_wait3A_466 : memref<920x64xf32, #tpu.memory_space<hbm>>) dst(%dma_wait3A_460 : memref<64x64xf32, #tpu.memory_space<vmem>>)
      %dma_wait3A_467 = arith.constant 7 : i32
      %dma_wait3A_468 = arith.constant 0 : i32
      %dma_wait3A_469 = arith.constant 0 : i32
      %dma_wait3A_470 = tpu.memref_slice %arg19[%rem3A_385, %dma_wait3A_468, %dma_wait3A_469] : memref<2x64x16xf32, #tpu.memory_space<vmem>> -> memref<1x64x16xf32, #tpu.memory_space<vmem>>
      %dma_wait3A_471 = tpu.memref_squeeze %dma_wait3A_470 : memref<1x64x16xf32, #tpu.memory_space<vmem>> -> memref<64x16xf32, #tpu.memory_space<vmem>>
      %dma_wait3A_472 = arith.constant 0 : i32
      %dma_wait3A_473 = tpu.memref_slice %arg14[%dma_wait3A_467, %dma_wait3A_472] : memref<8x512xi32, #tpu.memory_space<vmem>> -> memref<1x64xi32, #tpu.memory_space<vmem>>
      %dma_wait3A_474 = tpu.memref_squeeze %dma_wait3A_473 : memref<1x64xi32, #tpu.memory_space<vmem>> -> memref<64xi32, #tpu.memory_space<vmem>>
      %dma_wait3A_475 = arith.constant 0 : i32
      %dma_wait3A_476 = arith.constant 0 : i32
      %dma_wait3A_477 = tpu.memref_slice %arg11[%dma_wait3A_475, %dma_wait3A_476] : memref<368x16xf32, #tpu.memory_space<hbm>> -> memref<368x16xf32, #tpu.memory_space<hbm>>
      tpu.wait_indirect_dma semaphore(%arg22 : memref<!tpu.dma_semaphore, #tpu.memory_space<semaphore_mem>>) src(%dma_wait3A_477 : memref<368x16xf32, #tpu.memory_space<hbm>>) dst(%dma_wait3A_471 : memref<64x16xf32, #tpu.memory_space<vmem>>)
      %add3A_478 = arith.constant 1 : i32
      %add3A_479 = arith.addi %scan3A_384, %add3A_478 : i32
      %lt3A = arith.constant 8 : i32
      %lt3A_480 = arith.cmpi slt, %add3A_479, %lt3A : i32
      %convert_element_type3A = arith.extui %lt3A_480 : i1 to i32
      %cond3A = arith.constant 0 : i32
      %cond3A_481 = arith.cmpi ne, %convert_element_type3A, %cond3A : i32
      scf.if %cond3A_481 {
        %ge3A = arith.constant 1 : i32
        %ge3A_492 = arith.cmpi sge, %scan3A_384, %ge3A : i32
        %convert_element_type3A_493 = arith.extui %ge3A_492 : i1 to i32
        %cond3A_494 = arith.constant 0 : i32
        %cond3A_495 = arith.cmpi ne, %convert_element_type3A_493, %cond3A_494 : i32
        scf.if %cond3A_495 {
          %eq3A_585 = arith.constant 0 : i32
          %eq3A_586 = arith.cmpi eq, %rem3A_385, %eq3A_585 : i32
          %convert_element_type3A_587 = arith.extui %eq3A_586 : i1 to i32
          %cond3A_588 = arith.constant 0 : i32
          %cond3A_589 = arith.cmpi ne, %convert_element_type3A_587, %cond3A_588 : i32
          scf.if %cond3A_589 {
            %dma_wait3A_590 = arith.constant 1 : i32
            %dma_wait3A_591 = arith.constant 0 : i32
            %dma_wait3A_592 = arith.constant 0 : i32
            %dma_wait3A_593 = tpu.memref_slice %arg15[%dma_wait3A_590, %dma_wait3A_591, %dma_wait3A_592] : memref<2x64x64xf32, #tpu.memory_space<vmem>> -> memref<1x64x64xf32, #tpu.memory_space<vmem>>
            %dma_wait3A_594 = tpu.memref_squeeze %dma_wait3A_593 : memref<1x64x64xf32, #tpu.memory_space<vmem>> -> memref<64x64xf32, #tpu.memory_space<vmem>>
            %dma_wait3A_595 = arith.constant 0 : i32
            %dma_wait3A_596 = tpu.memref_slice %arg12[%mul3A_2, %dma_wait3A_595] : memref<16384x128xf32, #tpu.memory_space<hbm>> -> memref<64x64xf32, #tpu.memory_space<hbm>>
            %dma_wait3A_597 = arith.constant 0 : i32
            %dma_wait3A_598 = tpu.memref_slice %arg12[%mul3A_2, %dma_wait3A_597] : memref<16384x128xf32, #tpu.memory_space<hbm>> -> memref<64x64xf32, #tpu.memory_space<hbm>>
            %dma_wait3A_599 = arith.constant 0 : i32
            %dma_wait3A_600 = arith.constant 0 : i32
            %dma_wait3A_601 = tpu.memref_slice %arg15[%dma_wait3A_590, %dma_wait3A_599, %dma_wait3A_600] : memref<2x64x64xf32, #tpu.memory_space<vmem>> -> memref<1x64x64xf32, #tpu.memory_space<vmem>>
            %dma_wait3A_602 = tpu.memref_squeeze %dma_wait3A_601 : memref<1x64x64xf32, #tpu.memory_space<vmem>> -> memref<64x64xf32, #tpu.memory_space<vmem>>
            tpu.wait_dma2 semaphore(%arg24 : memref<!tpu.dma_semaphore, #tpu.memory_space<semaphore_mem>>) src(%dma_wait3A_602 : memref<64x64xf32, #tpu.memory_space<vmem>>) dst(%dma_wait3A_598 : memref<64x64xf32, #tpu.memory_space<hbm>>)
            %dma_wait3A_603 = arith.constant 1 : i32
            %dma_wait3A_604 = arith.constant 0 : i32
            %dma_wait3A_605 = arith.constant 0 : i32
            %dma_wait3A_606 = tpu.memref_slice %arg16[%dma_wait3A_603, %dma_wait3A_604, %dma_wait3A_605] : memref<2x64x32xf32, #tpu.memory_space<vmem>> -> memref<1x64x32xf32, #tpu.memory_space<vmem>>
            %dma_wait3A_607 = tpu.memref_squeeze %dma_wait3A_606 : memref<1x64x32xf32, #tpu.memory_space<vmem>> -> memref<64x32xf32, #tpu.memory_space<vmem>>
            %dma_wait3A_608 = arith.constant 64 : i32
            %dma_wait3A_609 = tpu.memref_slice %arg12[%mul3A_2, %dma_wait3A_608] : memref<16384x128xf32, #tpu.memory_space<hbm>> -> memref<64x32xf32, #tpu.memory_space<hbm>>
            %dma_wait3A_610 = arith.constant 64 : i32
            %dma_wait3A_611 = tpu.memref_slice %arg12[%mul3A_2, %dma_wait3A_610] : memref<16384x128xf32, #tpu.memory_space<hbm>> -> memref<64x32xf32, #tpu.memory_space<hbm>>
            %dma_wait3A_612 = arith.constant 0 : i32
            %dma_wait3A_613 = arith.constant 0 : i32
            %dma_wait3A_614 = tpu.memref_slice %arg16[%dma_wait3A_603, %dma_wait3A_612, %dma_wait3A_613] : memref<2x64x32xf32, #tpu.memory_space<vmem>> -> memref<1x64x32xf32, #tpu.memory_space<vmem>>
            %dma_wait3A_615 = tpu.memref_squeeze %dma_wait3A_614 : memref<1x64x32xf32, #tpu.memory_space<vmem>> -> memref<64x32xf32, #tpu.memory_space<vmem>>
            tpu.wait_dma2 semaphore(%arg24 : memref<!tpu.dma_semaphore, #tpu.memory_space<semaphore_mem>>) src(%dma_wait3A_615 : memref<64x32xf32, #tpu.memory_space<vmem>>) dst(%dma_wait3A_611 : memref<64x32xf32, #tpu.memory_space<hbm>>)
            %dma_wait3A_616 = arith.constant 1 : i32
            %dma_wait3A_617 = arith.constant 0 : i32
            %dma_wait3A_618 = arith.constant 0 : i32
            %dma_wait3A_619 = tpu.memref_slice %arg17[%dma_wait3A_616, %dma_wait3A_617, %dma_wait3A_618] : memref<2x64x32xf32, #tpu.memory_space<vmem>> -> memref<1x64x32xf32, #tpu.memory_space<vmem>>
            %dma_wait3A_620 = tpu.memref_squeeze %dma_wait3A_619 : memref<1x64x32xf32, #tpu.memory_space<vmem>> -> memref<64x32xf32, #tpu.memory_space<vmem>>
            %dma_wait3A_621 = arith.constant 96 : i32
            %dma_wait3A_622 = tpu.memref_slice %arg12[%mul3A_2, %dma_wait3A_621] : memref<16384x128xf32, #tpu.memory_space<hbm>> -> memref<64x32xf32, #tpu.memory_space<hbm>>
            %dma_wait3A_623 = arith.constant 96 : i32
            %dma_wait3A_624 = tpu.memref_slice %arg12[%mul3A_2, %dma_wait3A_623] : memref<16384x128xf32, #tpu.memory_space<hbm>> -> memref<64x32xf32, #tpu.memory_space<hbm>>
            %dma_wait3A_625 = arith.constant 0 : i32
            %dma_wait3A_626 = arith.constant 0 : i32
            %dma_wait3A_627 = tpu.memref_slice %arg17[%dma_wait3A_616, %dma_wait3A_625, %dma_wait3A_626] : memref<2x64x32xf32, #tpu.memory_space<vmem>> -> memref<1x64x32xf32, #tpu.memory_space<vmem>>
            %dma_wait3A_628 = tpu.memref_squeeze %dma_wait3A_627 : memref<1x64x32xf32, #tpu.memory_space<vmem>> -> memref<64x32xf32, #tpu.memory_space<vmem>>
            tpu.wait_dma2 semaphore(%arg24 : memref<!tpu.dma_semaphore, #tpu.memory_space<semaphore_mem>>) src(%dma_wait3A_628 : memref<64x32xf32, #tpu.memory_space<vmem>>) dst(%dma_wait3A_624 : memref<64x32xf32, #tpu.memory_space<hbm>>)
            %dma_wait3A_629 = arith.constant 1 : i32
            %dma_wait3A_630 = arith.constant 0 : i32
            %dma_wait3A_631 = arith.constant 0 : i32
            %dma_wait3A_632 = tpu.memref_slice %arg20[%dma_wait3A_629, %dma_wait3A_630, %dma_wait3A_631] : memref<2x64x128xf32, #tpu.memory_space<vmem>> -> memref<1x64x128xf32, #tpu.memory_space<vmem>>
            %dma_wait3A_633 = tpu.memref_squeeze %dma_wait3A_632 : memref<1x64x128xf32, #tpu.memory_space<vmem>> -> memref<64x128xf32, #tpu.memory_space<vmem>>
            %dma_wait3A_634 = arith.constant 0 : i32
            %dma_wait3A_635 = tpu.memref_slice %arg13[%mul3A_2, %dma_wait3A_634] : memref<16384x128xf32, #tpu.memory_space<hbm>> -> memref<64x128xf32, #tpu.memory_space<hbm>>
            %dma_wait3A_636 = arith.constant 0 : i32
            %dma_wait3A_637 = tpu.memref_slice %arg13[%mul3A_2, %dma_wait3A_636] : memref<16384x128xf32, #tpu.memory_space<hbm>> -> memref<64x128xf32, #tpu.memory_space<hbm>>
            %dma_wait3A_638 = arith.constant 0 : i32
            %dma_wait3A_639 = arith.constant 0 : i32
            %dma_wait3A_640 = tpu.memref_slice %arg20[%dma_wait3A_629, %dma_wait3A_638, %dma_wait3A_639] : memref<2x64x128xf32, #tpu.memory_space<vmem>> -> memref<1x64x128xf32, #tpu.memory_space<vmem>>
            %dma_wait3A_641 = tpu.memref_squeeze %dma_wait3A_640 : memref<1x64x128xf32, #tpu.memory_space<vmem>> -> memref<64x128xf32, #tpu.memory_space<vmem>>
            tpu.wait_dma2 semaphore(%arg24 : memref<!tpu.dma_semaphore, #tpu.memory_space<semaphore_mem>>) src(%dma_wait3A_641 : memref<64x128xf32, #tpu.memory_space<vmem>>) dst(%dma_wait3A_637 : memref<64x128xf32, #tpu.memory_space<hbm>>)
          } else {
            %dma_wait3A_590 = arith.constant 0 : i32
            %dma_wait3A_591 = arith.constant 0 : i32
            %dma_wait3A_592 = arith.constant 0 : i32
            %dma_wait3A_593 = tpu.memref_slice %arg15[%dma_wait3A_590, %dma_wait3A_591, %dma_wait3A_592] : memref<2x64x64xf32, #tpu.memory_space<vmem>> -> memref<1x64x64xf32, #tpu.memory_space<vmem>>
            %dma_wait3A_594 = tpu.memref_squeeze %dma_wait3A_593 : memref<1x64x64xf32, #tpu.memory_space<vmem>> -> memref<64x64xf32, #tpu.memory_space<vmem>>
            %dma_wait3A_595 = arith.constant 0 : i32
            %dma_wait3A_596 = tpu.memref_slice %arg12[%mul3A_2, %dma_wait3A_595] : memref<16384x128xf32, #tpu.memory_space<hbm>> -> memref<64x64xf32, #tpu.memory_space<hbm>>
            %dma_wait3A_597 = arith.constant 0 : i32
            %dma_wait3A_598 = tpu.memref_slice %arg12[%mul3A_2, %dma_wait3A_597] : memref<16384x128xf32, #tpu.memory_space<hbm>> -> memref<64x64xf32, #tpu.memory_space<hbm>>
            %dma_wait3A_599 = arith.constant 0 : i32
            %dma_wait3A_600 = arith.constant 0 : i32
            %dma_wait3A_601 = tpu.memref_slice %arg15[%dma_wait3A_590, %dma_wait3A_599, %dma_wait3A_600] : memref<2x64x64xf32, #tpu.memory_space<vmem>> -> memref<1x64x64xf32, #tpu.memory_space<vmem>>
            %dma_wait3A_602 = tpu.memref_squeeze %dma_wait3A_601 : memref<1x64x64xf32, #tpu.memory_space<vmem>> -> memref<64x64xf32, #tpu.memory_space<vmem>>
            tpu.wait_dma2 semaphore(%arg23 : memref<!tpu.dma_semaphore, #tpu.memory_space<semaphore_mem>>) src(%dma_wait3A_602 : memref<64x64xf32, #tpu.memory_space<vmem>>) dst(%dma_wait3A_598 : memref<64x64xf32, #tpu.memory_space<hbm>>)
            %dma_wait3A_603 = arith.constant 0 : i32
            %dma_wait3A_604 = arith.constant 0 : i32
            %dma_wait3A_605 = arith.constant 0 : i32
            %dma_wait3A_606 = tpu.memref_slice %arg16[%dma_wait3A_603, %dma_wait3A_604, %dma_wait3A_605] : memref<2x64x32xf32, #tpu.memory_space<vmem>> -> memref<1x64x32xf32, #tpu.memory_space<vmem>>
            %dma_wait3A_607 = tpu.memref_squeeze %dma_wait3A_606 : memref<1x64x32xf32, #tpu.memory_space<vmem>> -> memref<64x32xf32, #tpu.memory_space<vmem>>
            %dma_wait3A_608 = arith.constant 64 : i32
            %dma_wait3A_609 = tpu.memref_slice %arg12[%mul3A_2, %dma_wait3A_608] : memref<16384x128xf32, #tpu.memory_space<hbm>> -> memref<64x32xf32, #tpu.memory_space<hbm>>
            %dma_wait3A_610 = arith.constant 64 : i32
            %dma_wait3A_611 = tpu.memref_slice %arg12[%mul3A_2, %dma_wait3A_610] : memref<16384x128xf32, #tpu.memory_space<hbm>> -> memref<64x32xf32, #tpu.memory_space<hbm>>
            %dma_wait3A_612 = arith.constant 0 : i32
            %dma_wait3A_613 = arith.constant 0 : i32
            %dma_wait3A_614 = tpu.memref_slice %arg16[%dma_wait3A_603, %dma_wait3A_612, %dma_wait3A_613] : memref<2x64x32xf32, #tpu.memory_space<vmem>> -> memref<1x64x32xf32, #tpu.memory_space<vmem>>
            %dma_wait3A_615 = tpu.memref_squeeze %dma_wait3A_614 : memref<1x64x32xf32, #tpu.memory_space<vmem>> -> memref<64x32xf32, #tpu.memory_space<vmem>>
            tpu.wait_dma2 semaphore(%arg23 : memref<!tpu.dma_semaphore, #tpu.memory_space<semaphore_mem>>) src(%dma_wait3A_615 : memref<64x32xf32, #tpu.memory_space<vmem>>) dst(%dma_wait3A_611 : memref<64x32xf32, #tpu.memory_space<hbm>>)
            %dma_wait3A_616 = arith.constant 0 : i32
            %dma_wait3A_617 = arith.constant 0 : i32
            %dma_wait3A_618 = arith.constant 0 : i32
            %dma_wait3A_619 = tpu.memref_slice %arg17[%dma_wait3A_616, %dma_wait3A_617, %dma_wait3A_618] : memref<2x64x32xf32, #tpu.memory_space<vmem>> -> memref<1x64x32xf32, #tpu.memory_space<vmem>>
            %dma_wait3A_620 = tpu.memref_squeeze %dma_wait3A_619 : memref<1x64x32xf32, #tpu.memory_space<vmem>> -> memref<64x32xf32, #tpu.memory_space<vmem>>
            %dma_wait3A_621 = arith.constant 96 : i32
            %dma_wait3A_622 = tpu.memref_slice %arg12[%mul3A_2, %dma_wait3A_621] : memref<16384x128xf32, #tpu.memory_space<hbm>> -> memref<64x32xf32, #tpu.memory_space<hbm>>
            %dma_wait3A_623 = arith.constant 96 : i32
            %dma_wait3A_624 = tpu.memref_slice %arg12[%mul3A_2, %dma_wait3A_623] : memref<16384x128xf32, #tpu.memory_space<hbm>> -> memref<64x32xf32, #tpu.memory_space<hbm>>
            %dma_wait3A_625 = arith.constant 0 : i32
            %dma_wait3A_626 = arith.constant 0 : i32
            %dma_wait3A_627 = tpu.memref_slice %arg17[%dma_wait3A_616, %dma_wait3A_625, %dma_wait3A_626] : memref<2x64x32xf32, #tpu.memory_space<vmem>> -> memref<1x64x32xf32, #tpu.memory_space<vmem>>
            %dma_wait3A_628 = tpu.memref_squeeze %dma_wait3A_627 : memref<1x64x32xf32, #tpu.memory_space<vmem>> -> memref<64x32xf32, #tpu.memory_space<vmem>>
            tpu.wait_dma2 semaphore(%arg23 : memref<!tpu.dma_semaphore, #tpu.memory_space<semaphore_mem>>) src(%dma_wait3A_628 : memref<64x32xf32, #tpu.memory_space<vmem>>) dst(%dma_wait3A_624 : memref<64x32xf32, #tpu.memory_space<hbm>>)
            %dma_wait3A_629 = arith.constant 0 : i32
            %dma_wait3A_630 = arith.constant 0 : i32
            %dma_wait3A_631 = arith.constant 0 : i32
            %dma_wait3A_632 = tpu.memref_slice %arg20[%dma_wait3A_629, %dma_wait3A_630, %dma_wait3A_631] : memref<2x64x128xf32, #tpu.memory_space<vmem>> -> memref<1x64x128xf32, #tpu.memory_space<vmem>>
            %dma_wait3A_633 = tpu.memref_squeeze %dma_wait3A_632 : memref<1x64x128xf32, #tpu.memory_space<vmem>> -> memref<64x128xf32, #tpu.memory_space<vmem>>
            %dma_wait3A_634 = arith.constant 0 : i32
            %dma_wait3A_635 = tpu.memref_slice %arg13[%mul3A_2, %dma_wait3A_634] : memref<16384x128xf32, #tpu.memory_space<hbm>> -> memref<64x128xf32, #tpu.memory_space<hbm>>
            %dma_wait3A_636 = arith.constant 0 : i32
            %dma_wait3A_637 = tpu.memref_slice %arg13[%mul3A_2, %dma_wait3A_636] : memref<16384x128xf32, #tpu.memory_space<hbm>> -> memref<64x128xf32, #tpu.memory_space<hbm>>
            %dma_wait3A_638 = arith.constant 0 : i32
            %dma_wait3A_639 = arith.constant 0 : i32
            %dma_wait3A_640 = tpu.memref_slice %arg20[%dma_wait3A_629, %dma_wait3A_638, %dma_wait3A_639] : memref<2x64x128xf32, #tpu.memory_space<vmem>> -> memref<1x64x128xf32, #tpu.memory_space<vmem>>
            %dma_wait3A_641 = tpu.memref_squeeze %dma_wait3A_640 : memref<1x64x128xf32, #tpu.memory_space<vmem>> -> memref<64x128xf32, #tpu.memory_space<vmem>>
            tpu.wait_dma2 semaphore(%arg23 : memref<!tpu.dma_semaphore, #tpu.memory_space<semaphore_mem>>) src(%dma_wait3A_641 : memref<64x128xf32, #tpu.memory_space<vmem>>) dst(%dma_wait3A_637 : memref<64x128xf32, #tpu.memory_space<hbm>>)
          }
        } else {
        }
        %add3A_496 = arith.constant 1 : i32
        %add3A_497 = arith.addi %scan3A_384, %add3A_496 : i32
        %sub3A = arith.constant 1 : i32
        %sub3A_498 = arith.subi %sub3A, %rem3A_385 : i32
        %mul3A_499 = arith.constant 64 : i32
        %mul3A_500 = arith.muli %add3A_497, %mul3A_499 : i32
        %dma_start3A_501 = arith.constant 0 : i32
        %dma_start3A_502 = arith.constant 0 : i32
        %dma_start3A_503 = arith.constant 0 : i32
        %dma_start3A_504 = tpu.memref_slice %arg15[%sub3A_498, %dma_start3A_502, %dma_start3A_503] : memref<2x64x64xf32, #tpu.memory_space<vmem>> -> memref<1x64x64xf32, #tpu.memory_space<vmem>>
        %dma_start3A_505 = tpu.memref_squeeze %dma_start3A_504 : memref<1x64x64xf32, #tpu.memory_space<vmem>> -> memref<64x64xf32, #tpu.memory_space<vmem>>
        %dma_start3A_506 = tpu.memref_slice %arg14[%dma_start3A_501, %mul3A_500] : memref<8x512xi32, #tpu.memory_space<vmem>> -> memref<1x64xi32, #tpu.memory_space<vmem>>
        %dma_start3A_507 = tpu.memref_squeeze %dma_start3A_506 : memref<1x64xi32, #tpu.memory_space<vmem>> -> memref<64xi32, #tpu.memory_space<vmem>>
        %dma_start3A_508 = arith.constant 0 : i32
        %dma_start3A_509 = arith.constant 0 : i32
        %dma_start3A_510 = tpu.memref_slice %arg7[%dma_start3A_508, %dma_start3A_509] : memref<1025x64xf32, #tpu.memory_space<hbm>> -> memref<1025x64xf32, #tpu.memory_space<hbm>>
        tpu.enqueue_indirect_dma source(%dma_start3A_510 : memref<1025x64xf32, #tpu.memory_space<hbm>>) target(%dma_start3A_505 : memref<64x64xf32, #tpu.memory_space<vmem>>) offsets(%dma_start3A_507 : memref<64xi32, #tpu.memory_space<vmem>>) semaphore(%arg22 : memref<!tpu.dma_semaphore, #tpu.memory_space<semaphore_mem>>)
        %dma_start3A_511 = arith.constant 1 : i32
        %dma_start3A_512 = arith.constant 0 : i32
        %dma_start3A_513 = arith.constant 0 : i32
        %dma_start3A_514 = tpu.memref_slice %arg16[%sub3A_498, %dma_start3A_512, %dma_start3A_513] : memref<2x64x32xf32, #tpu.memory_space<vmem>> -> memref<1x64x32xf32, #tpu.memory_space<vmem>>
        %dma_start3A_515 = tpu.memref_squeeze %dma_start3A_514 : memref<1x64x32xf32, #tpu.memory_space<vmem>> -> memref<64x32xf32, #tpu.memory_space<vmem>>
        %dma_start3A_516 = tpu.memref_slice %arg14[%dma_start3A_511, %mul3A_500] : memref<8x512xi32, #tpu.memory_space<vmem>> -> memref<1x64xi32, #tpu.memory_space<vmem>>
        %dma_start3A_517 = tpu.memref_squeeze %dma_start3A_516 : memref<1x64xi32, #tpu.memory_space<vmem>> -> memref<64xi32, #tpu.memory_space<vmem>>
        %dma_start3A_518 = arith.constant 0 : i32
        %dma_start3A_519 = arith.constant 0 : i32
        %dma_start3A_520 = tpu.memref_slice %arg8[%dma_start3A_518, %dma_start3A_519] : memref<310x32xf32, #tpu.memory_space<hbm>> -> memref<310x32xf32, #tpu.memory_space<hbm>>
        tpu.enqueue_indirect_dma source(%dma_start3A_520 : memref<310x32xf32, #tpu.memory_space<hbm>>) target(%dma_start3A_515 : memref<64x32xf32, #tpu.memory_space<vmem>>) offsets(%dma_start3A_517 : memref<64xi32, #tpu.memory_space<vmem>>) semaphore(%arg22 : memref<!tpu.dma_semaphore, #tpu.memory_space<semaphore_mem>>)
        %dma_start3A_521 = arith.constant 2 : i32
        %dma_start3A_522 = arith.constant 0 : i32
        %dma_start3A_523 = arith.constant 0 : i32
        %dma_start3A_524 = tpu.memref_slice %arg17[%sub3A_498, %dma_start3A_522, %dma_start3A_523] : memref<2x64x32xf32, #tpu.memory_space<vmem>> -> memref<1x64x32xf32, #tpu.memory_space<vmem>>
        %dma_start3A_525 = tpu.memref_squeeze %dma_start3A_524 : memref<1x64x32xf32, #tpu.memory_space<vmem>> -> memref<64x32xf32, #tpu.memory_space<vmem>>
        %dma_start3A_526 = tpu.memref_slice %arg14[%dma_start3A_521, %mul3A_500] : memref<8x512xi32, #tpu.memory_space<vmem>> -> memref<1x64xi32, #tpu.memory_space<vmem>>
        %dma_start3A_527 = tpu.memref_squeeze %dma_start3A_526 : memref<1x64xi32, #tpu.memory_space<vmem>> -> memref<64xi32, #tpu.memory_space<vmem>>
        %dma_start3A_528 = arith.constant 0 : i32
        %dma_start3A_529 = arith.constant 0 : i32
        %dma_start3A_530 = tpu.memref_slice %arg9[%dma_start3A_528, %dma_start3A_529] : memref<250x32xf32, #tpu.memory_space<hbm>> -> memref<250x32xf32, #tpu.memory_space<hbm>>
        tpu.enqueue_indirect_dma source(%dma_start3A_530 : memref<250x32xf32, #tpu.memory_space<hbm>>) target(%dma_start3A_525 : memref<64x32xf32, #tpu.memory_space<vmem>>) offsets(%dma_start3A_527 : memref<64xi32, #tpu.memory_space<vmem>>) semaphore(%arg22 : memref<!tpu.dma_semaphore, #tpu.memory_space<semaphore_mem>>)
        %dma_start3A_531 = arith.constant 3 : i32
        %dma_start3A_532 = arith.constant 0 : i32
        %dma_start3A_533 = arith.constant 0 : i32
        %dma_start3A_534 = arith.constant 0 : i32
        %dma_start3A_535 = tpu.memref_slice %arg18[%sub3A_498, %dma_start3A_532, %dma_start3A_533, %dma_start3A_534] : memref<2x4x64x64xf32, #tpu.memory_space<vmem>> -> memref<1x1x64x64xf32, #tpu.memory_space<vmem>>
        %dma_start3A_536 = tpu.memref_squeeze %dma_start3A_535 : memref<1x1x64x64xf32, #tpu.memory_space<vmem>> -> memref<64x64xf32, #tpu.memory_space<vmem>>
        %dma_start3A_537 = tpu.memref_slice %arg14[%dma_start3A_531, %mul3A_500] : memref<8x512xi32, #tpu.memory_space<vmem>> -> memref<1x64xi32, #tpu.memory_space<vmem>>
        %dma_start3A_538 = tpu.memref_squeeze %dma_start3A_537 : memref<1x64xi32, #tpu.memory_space<vmem>> -> memref<64xi32, #tpu.memory_space<vmem>>
        %dma_start3A_539 = arith.constant 0 : i32
        %dma_start3A_540 = arith.constant 0 : i32
        %dma_start3A_541 = tpu.memref_slice %arg10[%dma_start3A_539, %dma_start3A_540] : memref<920x64xf32, #tpu.memory_space<hbm>> -> memref<920x64xf32, #tpu.memory_space<hbm>>
        tpu.enqueue_indirect_dma source(%dma_start3A_541 : memref<920x64xf32, #tpu.memory_space<hbm>>) target(%dma_start3A_536 : memref<64x64xf32, #tpu.memory_space<vmem>>) offsets(%dma_start3A_538 : memref<64xi32, #tpu.memory_space<vmem>>) semaphore(%arg22 : memref<!tpu.dma_semaphore, #tpu.memory_space<semaphore_mem>>)
        %dma_start3A_542 = arith.constant 4 : i32
        %dma_start3A_543 = arith.constant 1 : i32
        %dma_start3A_544 = arith.constant 0 : i32
        %dma_start3A_545 = arith.constant 0 : i32
        %dma_start3A_546 = tpu.memref_slice %arg18[%sub3A_498, %dma_start3A_543, %dma_start3A_544, %dma_start3A_545] : memref<2x4x64x64xf32, #tpu.memory_space<vmem>> -> memref<1x1x64x64xf32, #tpu.memory_space<vmem>>
        %dma_start3A_547 = tpu.memref_squeeze %dma_start3A_546 : memref<1x1x64x64xf32, #tpu.memory_space<vmem>> -> memref<64x64xf32, #tpu.memory_space<vmem>>
        %dma_start3A_548 = tpu.memref_slice %arg14[%dma_start3A_542, %mul3A_500] : memref<8x512xi32, #tpu.memory_space<vmem>> -> memref<1x64xi32, #tpu.memory_space<vmem>>
        %dma_start3A_549 = tpu.memref_squeeze %dma_start3A_548 : memref<1x64xi32, #tpu.memory_space<vmem>> -> memref<64xi32, #tpu.memory_space<vmem>>
        %dma_start3A_550 = arith.constant 0 : i32
        %dma_start3A_551 = arith.constant 0 : i32
        %dma_start3A_552 = tpu.memref_slice %arg10[%dma_start3A_550, %dma_start3A_551] : memref<920x64xf32, #tpu.memory_space<hbm>> -> memref<920x64xf32, #tpu.memory_space<hbm>>
        tpu.enqueue_indirect_dma source(%dma_start3A_552 : memref<920x64xf32, #tpu.memory_space<hbm>>) target(%dma_start3A_547 : memref<64x64xf32, #tpu.memory_space<vmem>>) offsets(%dma_start3A_549 : memref<64xi32, #tpu.memory_space<vmem>>) semaphore(%arg22 : memref<!tpu.dma_semaphore, #tpu.memory_space<semaphore_mem>>)
        %dma_start3A_553 = arith.constant 5 : i32
        %dma_start3A_554 = arith.constant 2 : i32
        %dma_start3A_555 = arith.constant 0 : i32
        %dma_start3A_556 = arith.constant 0 : i32
        %dma_start3A_557 = tpu.memref_slice %arg18[%sub3A_498, %dma_start3A_554, %dma_start3A_555, %dma_start3A_556] : memref<2x4x64x64xf32, #tpu.memory_space<vmem>> -> memref<1x1x64x64xf32, #tpu.memory_space<vmem>>
        %dma_start3A_558 = tpu.memref_squeeze %dma_start3A_557 : memref<1x1x64x64xf32, #tpu.memory_space<vmem>> -> memref<64x64xf32, #tpu.memory_space<vmem>>
        %dma_start3A_559 = tpu.memref_slice %arg14[%dma_start3A_553, %mul3A_500] : memref<8x512xi32, #tpu.memory_space<vmem>> -> memref<1x64xi32, #tpu.memory_space<vmem>>
        %dma_start3A_560 = tpu.memref_squeeze %dma_start3A_559 : memref<1x64xi32, #tpu.memory_space<vmem>> -> memref<64xi32, #tpu.memory_space<vmem>>
        %dma_start3A_561 = arith.constant 0 : i32
        %dma_start3A_562 = arith.constant 0 : i32
        %dma_start3A_563 = tpu.memref_slice %arg10[%dma_start3A_561, %dma_start3A_562] : memref<920x64xf32, #tpu.memory_space<hbm>> -> memref<920x64xf32, #tpu.memory_space<hbm>>
        tpu.enqueue_indirect_dma source(%dma_start3A_563 : memref<920x64xf32, #tpu.memory_space<hbm>>) target(%dma_start3A_558 : memref<64x64xf32, #tpu.memory_space<vmem>>) offsets(%dma_start3A_560 : memref<64xi32, #tpu.memory_space<vmem>>) semaphore(%arg22 : memref<!tpu.dma_semaphore, #tpu.memory_space<semaphore_mem>>)
        %dma_start3A_564 = arith.constant 6 : i32
        %dma_start3A_565 = arith.constant 3 : i32
        %dma_start3A_566 = arith.constant 0 : i32
        %dma_start3A_567 = arith.constant 0 : i32
        %dma_start3A_568 = tpu.memref_slice %arg18[%sub3A_498, %dma_start3A_565, %dma_start3A_566, %dma_start3A_567] : memref<2x4x64x64xf32, #tpu.memory_space<vmem>> -> memref<1x1x64x64xf32, #tpu.memory_space<vmem>>
        %dma_start3A_569 = tpu.memref_squeeze %dma_start3A_568 : memref<1x1x64x64xf32, #tpu.memory_space<vmem>> -> memref<64x64xf32, #tpu.memory_space<vmem>>
        %dma_start3A_570 = tpu.memref_slice %arg14[%dma_start3A_564, %mul3A_500] : memref<8x512xi32, #tpu.memory_space<vmem>> -> memref<1x64xi32, #tpu.memory_space<vmem>>
        %dma_start3A_571 = tpu.memref_squeeze %dma_start3A_570 : memref<1x64xi32, #tpu.memory_space<vmem>> -> memref<64xi32, #tpu.memory_space<vmem>>
        %dma_start3A_572 = arith.constant 0 : i32
        %dma_start3A_573 = arith.constant 0 : i32
        %dma_start3A_574 = tpu.memref_slice %arg10[%dma_start3A_572, %dma_start3A_573] : memref<920x64xf32, #tpu.memory_space<hbm>> -> memref<920x64xf32, #tpu.memory_space<hbm>>
        tpu.enqueue_indirect_dma source(%dma_start3A_574 : memref<920x64xf32, #tpu.memory_space<hbm>>) target(%dma_start3A_569 : memref<64x64xf32, #tpu.memory_space<vmem>>) offsets(%dma_start3A_571 : memref<64xi32, #tpu.memory_space<vmem>>) semaphore(%arg22 : memref<!tpu.dma_semaphore, #tpu.memory_space<semaphore_mem>>)
        %dma_start3A_575 = arith.constant 7 : i32
        %dma_start3A_576 = arith.constant 0 : i32
        %dma_start3A_577 = arith.constant 0 : i32
        %dma_start3A_578 = tpu.memref_slice %arg19[%sub3A_498, %dma_start3A_576, %dma_start3A_577] : memref<2x64x16xf32, #tpu.memory_space<vmem>> -> memref<1x64x16xf32, #tpu.memory_space<vmem>>
        %dma_start3A_579 = tpu.memref_squeeze %dma_start3A_578 : memref<1x64x16xf32, #tpu.memory_space<vmem>> -> memref<64x16xf32, #tpu.memory_space<vmem>>
        %dma_start3A_580 = tpu.memref_slice %arg14[%dma_start3A_575, %mul3A_500] : memref<8x512xi32, #tpu.memory_space<vmem>> -> memref<1x64xi32, #tpu.memory_space<vmem>>
        %dma_start3A_581 = tpu.memref_squeeze %dma_start3A_580 : memref<1x64xi32, #tpu.memory_space<vmem>> -> memref<64xi32, #tpu.memory_space<vmem>>
        %dma_start3A_582 = arith.constant 0 : i32
        %dma_start3A_583 = arith.constant 0 : i32
        %dma_start3A_584 = tpu.memref_slice %arg11[%dma_start3A_582, %dma_start3A_583] : memref<368x16xf32, #tpu.memory_space<hbm>> -> memref<368x16xf32, #tpu.memory_space<hbm>>
        tpu.enqueue_indirect_dma source(%dma_start3A_584 : memref<368x16xf32, #tpu.memory_space<hbm>>) target(%dma_start3A_579 : memref<64x16xf32, #tpu.memory_space<vmem>>) offsets(%dma_start3A_581 : memref<64xi32, #tpu.memory_space<vmem>>) semaphore(%arg22 : memref<!tpu.dma_semaphore, #tpu.memory_space<semaphore_mem>>)
      } else {
      }
      %scan3A_482 = arith.constant 0 : i32
      %scan3A_483 = arith.constant 0 : i32
      %scan3A_484 = arith.constant 32 : i32
      %scan3A_485 = arith.addi %scan3A_483, %scan3A_484 : i32
      %scan3A_486 = arith.constant 1 : i32
      scf.for %scan3A_492 = %scan3A_483 to %scan3A_485 step %scan3A_486  : i32 {
        %mul3A_493 = arith.constant 2 : i32
        %mul3A_494 = arith.muli %mul3A_493, %scan3A_492 : i32
        %get3A = arith.constant 0 : i32
        %get3A_495 = arith.index_cast %rem3A_385 : i32 to index
        %get3A_496 = arith.index_cast %get3A : i32 to index
        %get3A_497 = arith.index_cast %mul3A_494 : i32 to index
        %get3A_498 = arith.constant 48 : index
        %get3A_499 = tpu.vector_load %arg18[%get3A_495, %get3A_496, %get3A_497, %get3A_498] {strides = array<i32>} : memref<2x4x64x64xf32, #tpu.memory_space<vmem>>, vector<1x1x1x16xf32>,
        %get3A_500 = vector.shape_cast %get3A_499 : vector<1x1x1x16xf32> to vector<16xf32>
        %get3A_501 = arith.constant 1 : i32
        %get3A_502 = arith.index_cast %rem3A_385 : i32 to index
        %get3A_503 = arith.index_cast %get3A_501 : i32 to index
        %get3A_504 = arith.index_cast %mul3A_494 : i32 to index
        %get3A_505 = arith.constant 48 : index
        %get3A_506 = tpu.vector_load %arg18[%get3A_502, %get3A_503, %get3A_504, %get3A_505] {strides = array<i32>} : memref<2x4x64x64xf32, #tpu.memory_space<vmem>>, vector<1x1x1x16xf32>,
        %get3A_507 = vector.shape_cast %get3A_506 : vector<1x1x1x16xf32> to vector<16xf32>
        %get3A_508 = arith.constant 2 : i32
        %get3A_509 = arith.index_cast %rem3A_385 : i32 to index
        %get3A_510 = arith.index_cast %get3A_508 : i32 to index
        %get3A_511 = arith.index_cast %mul3A_494 : i32 to index
        %get3A_512 = arith.constant 48 : index
        %get3A_513 = tpu.vector_load %arg18[%get3A_509, %get3A_510, %get3A_511, %get3A_512] {strides = array<i32>} : memref<2x4x64x64xf32, #tpu.memory_space<vmem>>, vector<1x1x1x16xf32>,
        %get3A_514 = vector.shape_cast %get3A_513 : vector<1x1x1x16xf32> to vector<16xf32>
        %get3A_515 = arith.constant 3 : i32
        %get3A_516 = arith.index_cast %rem3A_385 : i32 to index
        %get3A_517 = arith.index_cast %get3A_515 : i32 to index
        %get3A_518 = arith.index_cast %mul3A_494 : i32 to index
        %get3A_519 = arith.constant 48 : index
        %get3A_520 = tpu.vector_load %arg18[%get3A_516, %get3A_517, %get3A_518, %get3A_519] {strides = array<i32>} : memref<2x4x64x64xf32, #tpu.memory_space<vmem>>, vector<1x1x1x16xf32>,
        %get3A_521 = vector.shape_cast %get3A_520 : vector<1x1x1x16xf32> to vector<16xf32>
        %max3A = arith.maximumf %get3A_500, %get3A_507 : vector<16xf32>
        %max3A_522 = arith.maximumf %get3A_514, %get3A_521 : vector<16xf32>
        %max3A_523 = arith.maximumf %max3A, %max3A_522 : vector<16xf32>
        %sub3A = arith.subf %get3A_500, %max3A_523 : vector<16xf32>
        %exp3A = math.exp %sub3A : vector<16xf32>
        %sub3A_524 = arith.subf %get3A_507, %max3A_523 : vector<16xf32>
        %exp3A_525 = math.exp %sub3A_524 : vector<16xf32>
        %sub3A_526 = arith.subf %get3A_514, %max3A_523 : vector<16xf32>
        %exp3A_527 = math.exp %sub3A_526 : vector<16xf32>
        %sub3A_528 = arith.subf %get3A_521, %max3A_523 : vector<16xf32>
        %exp3A_529 = math.exp %sub3A_528 : vector<16xf32>
        %add3A_530 = arith.addf %exp3A, %exp3A_525 : vector<16xf32>
        %add3A_531 = arith.addf %add3A_530, %exp3A_527 : vector<16xf32>
        %add3A_532 = arith.addf %add3A_531, %exp3A_529 : vector<16xf32>
        %div3A = arith.constant 1.000000e+00 : f32
        %div3A_533 = vector.broadcast %div3A : f32 to vector<16xf32>
        %div3A_534 = arith.divf %div3A_533, %add3A_532 : vector<16xf32>
        %mul3A_535 = arith.mulf %exp3A, %div3A_534 : vector<16xf32>
        %mul3A_536 = arith.mulf %exp3A_525, %div3A_534 : vector<16xf32>
        %mul3A_537 = arith.mulf %exp3A_527, %div3A_534 : vector<16xf32>
        %mul3A_538 = arith.mulf %exp3A_529, %div3A_534 : vector<16xf32>
        %get3A_539 = arith.constant 0 : i32
        %get3A_540 = arith.index_cast %rem3A_385 : i32 to index
        %get3A_541 = arith.index_cast %get3A_539 : i32 to index
        %get3A_542 = arith.index_cast %mul3A_494 : i32 to index
        %get3A_543 = arith.constant 0 : index
        %get3A_544 = tpu.vector_load %arg18[%get3A_540, %get3A_541, %get3A_542, %get3A_543] {strides = array<i32>} : memref<2x4x64x64xf32, #tpu.memory_space<vmem>>, vector<1x1x1x16xf32>,
        %get3A_545 = vector.shape_cast %get3A_544 : vector<1x1x1x16xf32> to vector<16xf32>
        %mul3A_546 = arith.mulf %mul3A_535, %get3A_545 : vector<16xf32>
        %get3A_547 = arith.constant 1 : i32
        %get3A_548 = arith.index_cast %rem3A_385 : i32 to index
        %get3A_549 = arith.index_cast %get3A_547 : i32 to index
        %get3A_550 = arith.index_cast %mul3A_494 : i32 to index
        %get3A_551 = arith.constant 0 : index
        %get3A_552 = tpu.vector_load %arg18[%get3A_548, %get3A_549, %get3A_550, %get3A_551] {strides = array<i32>} : memref<2x4x64x64xf32, #tpu.memory_space<vmem>>, vector<1x1x1x16xf32>,
        %get3A_553 = vector.shape_cast %get3A_552 : vector<1x1x1x16xf32> to vector<16xf32>
        %mul3A_554 = arith.mulf %mul3A_536, %get3A_553 : vector<16xf32>
        %add3A_555 = arith.addf %mul3A_546, %mul3A_554 : vector<16xf32>
        %get3A_556 = arith.constant 2 : i32
        %get3A_557 = arith.index_cast %rem3A_385 : i32 to index
        %get3A_558 = arith.index_cast %get3A_556 : i32 to index
        %get3A_559 = arith.index_cast %mul3A_494 : i32 to index
        %get3A_560 = arith.constant 0 : index
        %get3A_561 = tpu.vector_load %arg18[%get3A_557, %get3A_558, %get3A_559, %get3A_560] {strides = array<i32>} : memref<2x4x64x64xf32, #tpu.memory_space<vmem>>, vector<1x1x1x16xf32>,
        %get3A_562 = vector.shape_cast %get3A_561 : vector<1x1x1x16xf32> to vector<16xf32>
        %mul3A_563 = arith.mulf %mul3A_537, %get3A_562 : vector<16xf32>
        %add3A_564 = arith.addf %add3A_555, %mul3A_563 : vector<16xf32>
        %get3A_565 = arith.constant 3 : i32
        %get3A_566 = arith.index_cast %rem3A_385 : i32 to index
        %get3A_567 = arith.index_cast %get3A_565 : i32 to index
        %get3A_568 = arith.index_cast %mul3A_494 : i32 to index
        %get3A_569 = arith.constant 0 : index
        %get3A_570 = tpu.vector_load %arg18[%get3A_566, %get3A_567, %get3A_568, %get3A_569] {strides = array<i32>} : memref<2x4x64x64xf32, #tpu.memory_space<vmem>>, vector<1x1x1x16xf32>,
        %get3A_571 = vector.shape_cast %get3A_570 : vector<1x1x1x16xf32> to vector<16xf32>
        %mul3A_572 = arith.mulf %mul3A_538, %get3A_571 : vector<16xf32>
        %add3A_573 = arith.addf %add3A_564, %mul3A_572 : vector<16xf32>
        %swap3A = arith.index_cast %rem3A_385 : i32 to index
        %swap3A_574 = arith.index_cast %mul3A_494 : i32 to index
        %swap3A_575 = arith.constant 0 : index
        %swap3A_576 = tpu.vector_load %arg20[%swap3A, %swap3A_574, %swap3A_575] {strides = array<i32>} : memref<2x64x128xf32, #tpu.memory_space<vmem>>, vector<1x1x16xf32>,
        %swap3A_577 = vector.shape_cast %swap3A_576 : vector<1x1x16xf32> to vector<16xf32>
        %swap3A_578 = vector.shape_cast %add3A_573 : vector<16xf32> to vector<1x1x16xf32>
        tpu.vector_store %arg20[%swap3A, %swap3A_574, %swap3A_575], %swap3A_578 {strides = array<i32>} : memref<2x64x128xf32, #tpu.memory_space<vmem>>, vector<1x1x16xf32>,
        %get3A_579 = arith.constant 0 : i32
        %get3A_580 = arith.index_cast %rem3A_385 : i32 to index
        %get3A_581 = arith.index_cast %get3A_579 : i32 to index
        %get3A_582 = arith.index_cast %mul3A_494 : i32 to index
        %get3A_583 = arith.constant 16 : index
        %get3A_584 = tpu.vector_load %arg18[%get3A_580, %get3A_581, %get3A_582, %get3A_583] {strides = array<i32>} : memref<2x4x64x64xf32, #tpu.memory_space<vmem>>, vector<1x1x1x16xf32>,
        %get3A_585 = vector.shape_cast %get3A_584 : vector<1x1x1x16xf32> to vector<16xf32>
        %mul3A_586 = arith.mulf %mul3A_535, %get3A_585 : vector<16xf32>
        %get3A_587 = arith.constant 1 : i32
        %get3A_588 = arith.index_cast %rem3A_385 : i32 to index
        %get3A_589 = arith.index_cast %get3A_587 : i32 to index
        %get3A_590 = arith.index_cast %mul3A_494 : i32 to index
        %get3A_591 = arith.constant 16 : index
        %get3A_592 = tpu.vector_load %arg18[%get3A_588, %get3A_589, %get3A_590, %get3A_591] {strides = array<i32>} : memref<2x4x64x64xf32, #tpu.memory_space<vmem>>, vector<1x1x1x16xf32>,
        %get3A_593 = vector.shape_cast %get3A_592 : vector<1x1x1x16xf32> to vector<16xf32>
        %mul3A_594 = arith.mulf %mul3A_536, %get3A_593 : vector<16xf32>
        %add3A_595 = arith.addf %mul3A_586, %mul3A_594 : vector<16xf32>
        %get3A_596 = arith.constant 2 : i32
        %get3A_597 = arith.index_cast %rem3A_385 : i32 to index
        %get3A_598 = arith.index_cast %get3A_596 : i32 to index
        %get3A_599 = arith.index_cast %mul3A_494 : i32 to index
        %get3A_600 = arith.constant 16 : index
        %get3A_601 = tpu.vector_load %arg18[%get3A_597, %get3A_598, %get3A_599, %get3A_600] {strides = array<i32>} : memref<2x4x64x64xf32, #tpu.memory_space<vmem>>, vector<1x1x1x16xf32>,
        %get3A_602 = vector.shape_cast %get3A_601 : vector<1x1x1x16xf32> to vector<16xf32>
        %mul3A_603 = arith.mulf %mul3A_537, %get3A_602 : vector<16xf32>
        %add3A_604 = arith.addf %add3A_595, %mul3A_603 : vector<16xf32>
        %get3A_605 = arith.constant 3 : i32
        %get3A_606 = arith.index_cast %rem3A_385 : i32 to index
        %get3A_607 = arith.index_cast %get3A_605 : i32 to index
        %get3A_608 = arith.index_cast %mul3A_494 : i32 to index
        %get3A_609 = arith.constant 16 : index
        %get3A_610 = tpu.vector_load %arg18[%get3A_606, %get3A_607, %get3A_608, %get3A_609] {strides = array<i32>} : memref<2x4x64x64xf32, #tpu.memory_space<vmem>>, vector<1x1x1x16xf32>,
        %get3A_611 = vector.shape_cast %get3A_610 : vector<1x1x1x16xf32> to vector<16xf32>
        %mul3A_612 = arith.mulf %mul3A_538, %get3A_611 : vector<16xf32>
        %add3A_613 = arith.addf %add3A_604, %mul3A_612 : vector<16xf32>
        %swap3A_614 = arith.index_cast %rem3A_385 : i32 to index
        %swap3A_615 = arith.index_cast %mul3A_494 : i32 to index
        %swap3A_616 = arith.constant 16 : index
        %swap3A_617 = tpu.vector_load %arg20[%swap3A_614, %swap3A_615, %swap3A_616] {strides = array<i32>} : memref<2x64x128xf32, #tpu.memory_space<vmem>>, vector<1x1x16xf32>,
        %swap3A_618 = vector.shape_cast %swap3A_617 : vector<1x1x16xf32> to vector<16xf32>
        %swap3A_619 = vector.shape_cast %add3A_613 : vector<16xf32> to vector<1x1x16xf32>
        tpu.vector_store %arg20[%swap3A_614, %swap3A_615, %swap3A_616], %swap3A_619 {strides = array<i32>} : memref<2x64x128xf32, #tpu.memory_space<vmem>>, vector<1x1x16xf32>,
        %get3A_620 = arith.constant 0 : i32
        %get3A_621 = arith.index_cast %rem3A_385 : i32 to index
        %get3A_622 = arith.index_cast %get3A_620 : i32 to index
        %get3A_623 = arith.index_cast %mul3A_494 : i32 to index
        %get3A_624 = arith.constant 32 : index
        %get3A_625 = tpu.vector_load %arg18[%get3A_621, %get3A_622, %get3A_623, %get3A_624] {strides = array<i32>} : memref<2x4x64x64xf32, #tpu.memory_space<vmem>>, vector<1x1x1x16xf32>,
        %get3A_626 = vector.shape_cast %get3A_625 : vector<1x1x1x16xf32> to vector<16xf32>
        %mul3A_627 = arith.mulf %mul3A_535, %get3A_626 : vector<16xf32>
        %get3A_628 = arith.constant 1 : i32
        %get3A_629 = arith.index_cast %rem3A_385 : i32 to index
        %get3A_630 = arith.index_cast %get3A_628 : i32 to index
        %get3A_631 = arith.index_cast %mul3A_494 : i32 to index
        %get3A_632 = arith.constant 32 : index
        %get3A_633 = tpu.vector_load %arg18[%get3A_629, %get3A_630, %get3A_631, %get3A_632] {strides = array<i32>} : memref<2x4x64x64xf32, #tpu.memory_space<vmem>>, vector<1x1x1x16xf32>,
        %get3A_634 = vector.shape_cast %get3A_633 : vector<1x1x1x16xf32> to vector<16xf32>
        %mul3A_635 = arith.mulf %mul3A_536, %get3A_634 : vector<16xf32>
        %add3A_636 = arith.addf %mul3A_627, %mul3A_635 : vector<16xf32>
        %get3A_637 = arith.constant 2 : i32
        %get3A_638 = arith.index_cast %rem3A_385 : i32 to index
        %get3A_639 = arith.index_cast %get3A_637 : i32 to index
        %get3A_640 = arith.index_cast %mul3A_494 : i32 to index
        %get3A_641 = arith.constant 32 : index
        %get3A_642 = tpu.vector_load %arg18[%get3A_638, %get3A_639, %get3A_640, %get3A_641] {strides = array<i32>} : memref<2x4x64x64xf32, #tpu.memory_space<vmem>>, vector<1x1x1x16xf32>,
        %get3A_643 = vector.shape_cast %get3A_642 : vector<1x1x1x16xf32> to vector<16xf32>
        %mul3A_644 = arith.mulf %mul3A_537, %get3A_643 : vector<16xf32>
        %add3A_645 = arith.addf %add3A_636, %mul3A_644 : vector<16xf32>
        %get3A_646 = arith.constant 3 : i32
        %get3A_647 = arith.index_cast %rem3A_385 : i32 to index
        %get3A_648 = arith.index_cast %get3A_646 : i32 to index
        %get3A_649 = arith.index_cast %mul3A_494 : i32 to index
        %get3A_650 = arith.constant 32 : index
        %get3A_651 = tpu.vector_load %arg18[%get3A_647, %get3A_648, %get3A_649, %get3A_650] {strides = array<i32>} : memref<2x4x64x64xf32, #tpu.memory_space<vmem>>, vector<1x1x1x16xf32>,
        %get3A_652 = vector.shape_cast %get3A_651 : vector<1x1x1x16xf32> to vector<16xf32>
        %mul3A_653 = arith.mulf %mul3A_538, %get3A_652 : vector<16xf32>
        %add3A_654 = arith.addf %add3A_645, %mul3A_653 : vector<16xf32>
        %swap3A_655 = arith.index_cast %rem3A_385 : i32 to index
        %swap3A_656 = arith.index_cast %mul3A_494 : i32 to index
        %swap3A_657 = arith.constant 32 : index
        %swap3A_658 = tpu.vector_load %arg20[%swap3A_655, %swap3A_656, %swap3A_657] {strides = array<i32>} : memref<2x64x128xf32, #tpu.memory_space<vmem>>, vector<1x1x16xf32>,
        %swap3A_659 = vector.shape_cast %swap3A_658 : vector<1x1x16xf32> to vector<16xf32>
        %swap3A_660 = vector.shape_cast %add3A_654 : vector<16xf32> to vector<1x1x16xf32>
        tpu.vector_store %arg20[%swap3A_655, %swap3A_656, %swap3A_657], %swap3A_660 {strides = array<i32>} : memref<2x64x128xf32, #tpu.memory_space<vmem>>, vector<1x1x16xf32>,
        %get3A_661 = arith.index_cast %rem3A_385 : i32 to index
        %get3A_662 = arith.index_cast %mul3A_494 : i32 to index
        %get3A_663 = arith.constant 0 : index
        %get3A_664 = tpu.vector_load %arg19[%get3A_661, %get3A_662, %get3A_663] {strides = array<i32>} : memref<2x64x16xf32, #tpu.memory_space<vmem>>, vector<1x1x16xf32>,
        %get3A_665 = vector.shape_cast %get3A_664 : vector<1x1x16xf32> to vector<16xf32>
        %swap3A_666 = arith.index_cast %rem3A_385 : i32 to index
        %swap3A_667 = arith.index_cast %mul3A_494 : i32 to index
        %swap3A_668 = arith.constant 48 : index
        %swap3A_669 = tpu.vector_load %arg20[%swap3A_666, %swap3A_667, %swap3A_668] {strides = array<i32>} : memref<2x64x128xf32, #tpu.memory_space<vmem>>, vector<1x1x16xf32>,
        %swap3A_670 = vector.shape_cast %swap3A_669 : vector<1x1x16xf32> to vector<16xf32>
        %swap3A_671 = vector.shape_cast %get3A_665 : vector<16xf32> to vector<1x1x16xf32>
        tpu.vector_store %arg20[%swap3A_666, %swap3A_667, %swap3A_668], %swap3A_671 {strides = array<i32>} : memref<2x64x128xf32, #tpu.memory_space<vmem>>, vector<1x1x16xf32>,
        %mul3A_672 = arith.constant 2 : i32
        %mul3A_673 = arith.muli %mul3A_672, %scan3A_492 : i32
        %add3A_674 = arith.constant 1 : i32
        %add3A_675 = arith.addi %mul3A_673, %add3A_674 : i32
        %get3A_676 = arith.constant 0 : i32
        %get3A_677 = arith.index_cast %rem3A_385 : i32 to index
        %get3A_678 = arith.index_cast %get3A_676 : i32 to index
        %get3A_679 = arith.index_cast %add3A_675 : i32 to index
        %get3A_680 = arith.constant 48 : index
        %get3A_681 = tpu.vector_load %arg18[%get3A_677, %get3A_678, %get3A_679, %get3A_680] {strides = array<i32>} : memref<2x4x64x64xf32, #tpu.memory_space<vmem>>, vector<1x1x1x16xf32>,
        %get3A_682 = vector.shape_cast %get3A_681 : vector<1x1x1x16xf32> to vector<16xf32>
        %get3A_683 = arith.constant 1 : i32
        %get3A_684 = arith.index_cast %rem3A_385 : i32 to index
        %get3A_685 = arith.index_cast %get3A_683 : i32 to index
        %get3A_686 = arith.index_cast %add3A_675 : i32 to index
        %get3A_687 = arith.constant 48 : index
        %get3A_688 = tpu.vector_load %arg18[%get3A_684, %get3A_685, %get3A_686, %get3A_687] {strides = array<i32>} : memref<2x4x64x64xf32, #tpu.memory_space<vmem>>, vector<1x1x1x16xf32>,
        %get3A_689 = vector.shape_cast %get3A_688 : vector<1x1x1x16xf32> to vector<16xf32>
        %get3A_690 = arith.constant 2 : i32
        %get3A_691 = arith.index_cast %rem3A_385 : i32 to index
        %get3A_692 = arith.index_cast %get3A_690 : i32 to index
        %get3A_693 = arith.index_cast %add3A_675 : i32 to index
        %get3A_694 = arith.constant 48 : index
        %get3A_695 = tpu.vector_load %arg18[%get3A_691, %get3A_692, %get3A_693, %get3A_694] {strides = array<i32>} : memref<2x4x64x64xf32, #tpu.memory_space<vmem>>, vector<1x1x1x16xf32>,
        %get3A_696 = vector.shape_cast %get3A_695 : vector<1x1x1x16xf32> to vector<16xf32>
        %get3A_697 = arith.constant 3 : i32
        %get3A_698 = arith.index_cast %rem3A_385 : i32 to index
        %get3A_699 = arith.index_cast %get3A_697 : i32 to index
        %get3A_700 = arith.index_cast %add3A_675 : i32 to index
        %get3A_701 = arith.constant 48 : index
        %get3A_702 = tpu.vector_load %arg18[%get3A_698, %get3A_699, %get3A_700, %get3A_701] {strides = array<i32>} : memref<2x4x64x64xf32, #tpu.memory_space<vmem>>, vector<1x1x1x16xf32>,
        %get3A_703 = vector.shape_cast %get3A_702 : vector<1x1x1x16xf32> to vector<16xf32>
        %max3A_704 = arith.maximumf %get3A_682, %get3A_689 : vector<16xf32>
        %max3A_705 = arith.maximumf %get3A_696, %get3A_703 : vector<16xf32>
        %max3A_706 = arith.maximumf %max3A_704, %max3A_705 : vector<16xf32>
        %sub3A_707 = arith.subf %get3A_682, %max3A_706 : vector<16xf32>
        %exp3A_708 = math.exp %sub3A_707 : vector<16xf32>
        %sub3A_709 = arith.subf %get3A_689, %max3A_706 : vector<16xf32>
        %exp3A_710 = math.exp %sub3A_709 : vector<16xf32>
        %sub3A_711 = arith.subf %get3A_696, %max3A_706 : vector<16xf32>
        %exp3A_712 = math.exp %sub3A_711 : vector<16xf32>
        %sub3A_713 = arith.subf %get3A_703, %max3A_706 : vector<16xf32>
        %exp3A_714 = math.exp %sub3A_713 : vector<16xf32>
        %add3A_715 = arith.addf %exp3A_708, %exp3A_710 : vector<16xf32>
        %add3A_716 = arith.addf %add3A_715, %exp3A_712 : vector<16xf32>
        %add3A_717 = arith.addf %add3A_716, %exp3A_714 : vector<16xf32>
        %div3A_718 = arith.constant 1.000000e+00 : f32
        %div3A_719 = vector.broadcast %div3A_718 : f32 to vector<16xf32>
        %div3A_720 = arith.divf %div3A_719, %add3A_717 : vector<16xf32>
        %mul3A_721 = arith.mulf %exp3A_708, %div3A_720 : vector<16xf32>
        %mul3A_722 = arith.mulf %exp3A_710, %div3A_720 : vector<16xf32>
        %mul3A_723 = arith.mulf %exp3A_712, %div3A_720 : vector<16xf32>
        %mul3A_724 = arith.mulf %exp3A_714, %div3A_720 : vector<16xf32>
        %get3A_725 = arith.constant 0 : i32
        %get3A_726 = arith.index_cast %rem3A_385 : i32 to index
        %get3A_727 = arith.index_cast %get3A_725 : i32 to index
        %get3A_728 = arith.index_cast %add3A_675 : i32 to index
        %get3A_729 = arith.constant 0 : index
        %get3A_730 = tpu.vector_load %arg18[%get3A_726, %get3A_727, %get3A_728, %get3A_729] {strides = array<i32>} : memref<2x4x64x64xf32, #tpu.memory_space<vmem>>, vector<1x1x1x16xf32>,
        %get3A_731 = vector.shape_cast %get3A_730 : vector<1x1x1x16xf32> to vector<16xf32>
        %mul3A_732 = arith.mulf %mul3A_721, %get3A_731 : vector<16xf32>
        %get3A_733 = arith.constant 1 : i32
        %get3A_734 = arith.index_cast %rem3A_385 : i32 to index
        %get3A_735 = arith.index_cast %get3A_733 : i32 to index
        %get3A_736 = arith.index_cast %add3A_675 : i32 to index
        %get3A_737 = arith.constant 0 : index
        %get3A_738 = tpu.vector_load %arg18[%get3A_734, %get3A_735, %get3A_736, %get3A_737] {strides = array<i32>} : memref<2x4x64x64xf32, #tpu.memory_space<vmem>>, vector<1x1x1x16xf32>,
        %get3A_739 = vector.shape_cast %get3A_738 : vector<1x1x1x16xf32> to vector<16xf32>
        %mul3A_740 = arith.mulf %mul3A_722, %get3A_739 : vector<16xf32>
        %add3A_741 = arith.addf %mul3A_732, %mul3A_740 : vector<16xf32>
        %get3A_742 = arith.constant 2 : i32
        %get3A_743 = arith.index_cast %rem3A_385 : i32 to index
        %get3A_744 = arith.index_cast %get3A_742 : i32 to index
        %get3A_745 = arith.index_cast %add3A_675 : i32 to index
        %get3A_746 = arith.constant 0 : index
        %get3A_747 = tpu.vector_load %arg18[%get3A_743, %get3A_744, %get3A_745, %get3A_746] {strides = array<i32>} : memref<2x4x64x64xf32, #tpu.memory_space<vmem>>, vector<1x1x1x16xf32>,
        %get3A_748 = vector.shape_cast %get3A_747 : vector<1x1x1x16xf32> to vector<16xf32>
        %mul3A_749 = arith.mulf %mul3A_723, %get3A_748 : vector<16xf32>
        %add3A_750 = arith.addf %add3A_741, %mul3A_749 : vector<16xf32>
        %get3A_751 = arith.constant 3 : i32
        %get3A_752 = arith.index_cast %rem3A_385 : i32 to index
        %get3A_753 = arith.index_cast %get3A_751 : i32 to index
        %get3A_754 = arith.index_cast %add3A_675 : i32 to index
        %get3A_755 = arith.constant 0 : index
        %get3A_756 = tpu.vector_load %arg18[%get3A_752, %get3A_753, %get3A_754, %get3A_755] {strides = array<i32>} : memref<2x4x64x64xf32, #tpu.memory_space<vmem>>, vector<1x1x1x16xf32>,
        %get3A_757 = vector.shape_cast %get3A_756 : vector<1x1x1x16xf32> to vector<16xf32>
        %mul3A_758 = arith.mulf %mul3A_724, %get3A_757 : vector<16xf32>
        %add3A_759 = arith.addf %add3A_750, %mul3A_758 : vector<16xf32>
        %swap3A_760 = arith.index_cast %rem3A_385 : i32 to index
        %swap3A_761 = arith.index_cast %add3A_675 : i32 to index
        %swap3A_762 = arith.constant 0 : index
        %swap3A_763 = tpu.vector_load %arg20[%swap3A_760, %swap3A_761, %swap3A_762] {strides = array<i32>} : memref<2x64x128xf32, #tpu.memory_space<vmem>>, vector<1x1x16xf32>,
        %swap3A_764 = vector.shape_cast %swap3A_763 : vector<1x1x16xf32> to vector<16xf32>
        %swap3A_765 = vector.shape_cast %add3A_759 : vector<16xf32> to vector<1x1x16xf32>
        tpu.vector_store %arg20[%swap3A_760, %swap3A_761, %swap3A_762], %swap3A_765 {strides = array<i32>} : memref<2x64x128xf32, #tpu.memory_space<vmem>>, vector<1x1x16xf32>,
        %get3A_766 = arith.constant 0 : i32
        %get3A_767 = arith.index_cast %rem3A_385 : i32 to index
        %get3A_768 = arith.index_cast %get3A_766 : i32 to index
        %get3A_769 = arith.index_cast %add3A_675 : i32 to index
        %get3A_770 = arith.constant 16 : index
        %get3A_771 = tpu.vector_load %arg18[%get3A_767, %get3A_768, %get3A_769, %get3A_770] {strides = array<i32>} : memref<2x4x64x64xf32, #tpu.memory_space<vmem>>, vector<1x1x1x16xf32>,
        %get3A_772 = vector.shape_cast %get3A_771 : vector<1x1x1x16xf32> to vector<16xf32>
        %mul3A_773 = arith.mulf %mul3A_721, %get3A_772 : vector<16xf32>
        %get3A_774 = arith.constant 1 : i32
        %get3A_775 = arith.index_cast %rem3A_385 : i32 to index
        %get3A_776 = arith.index_cast %get3A_774 : i32 to index
        %get3A_777 = arith.index_cast %add3A_675 : i32 to index
        %get3A_778 = arith.constant 16 : index
        %get3A_779 = tpu.vector_load %arg18[%get3A_775, %get3A_776, %get3A_777, %get3A_778] {strides = array<i32>} : memref<2x4x64x64xf32, #tpu.memory_space<vmem>>, vector<1x1x1x16xf32>,
        %get3A_780 = vector.shape_cast %get3A_779 : vector<1x1x1x16xf32> to vector<16xf32>
        %mul3A_781 = arith.mulf %mul3A_722, %get3A_780 : vector<16xf32>
        %add3A_782 = arith.addf %mul3A_773, %mul3A_781 : vector<16xf32>
        %get3A_783 = arith.constant 2 : i32
        %get3A_784 = arith.index_cast %rem3A_385 : i32 to index
        %get3A_785 = arith.index_cast %get3A_783 : i32 to index
        %get3A_786 = arith.index_cast %add3A_675 : i32 to index
        %get3A_787 = arith.constant 16 : index
        %get3A_788 = tpu.vector_load %arg18[%get3A_784, %get3A_785, %get3A_786, %get3A_787] {strides = array<i32>} : memref<2x4x64x64xf32, #tpu.memory_space<vmem>>, vector<1x1x1x16xf32>,
        %get3A_789 = vector.shape_cast %get3A_788 : vector<1x1x1x16xf32> to vector<16xf32>
        %mul3A_790 = arith.mulf %mul3A_723, %get3A_789 : vector<16xf32>
        %add3A_791 = arith.addf %add3A_782, %mul3A_790 : vector<16xf32>
        %get3A_792 = arith.constant 3 : i32
        %get3A_793 = arith.index_cast %rem3A_385 : i32 to index
        %get3A_794 = arith.index_cast %get3A_792 : i32 to index
        %get3A_795 = arith.index_cast %add3A_675 : i32 to index
        %get3A_796 = arith.constant 16 : index
        %get3A_797 = tpu.vector_load %arg18[%get3A_793, %get3A_794, %get3A_795, %get3A_796] {strides = array<i32>} : memref<2x4x64x64xf32, #tpu.memory_space<vmem>>, vector<1x1x1x16xf32>,
        %get3A_798 = vector.shape_cast %get3A_797 : vector<1x1x1x16xf32> to vector<16xf32>
        %mul3A_799 = arith.mulf %mul3A_724, %get3A_798 : vector<16xf32>
        %add3A_800 = arith.addf %add3A_791, %mul3A_799 : vector<16xf32>
        %swap3A_801 = arith.index_cast %rem3A_385 : i32 to index
        %swap3A_802 = arith.index_cast %add3A_675 : i32 to index
        %swap3A_803 = arith.constant 16 : index
        %swap3A_804 = tpu.vector_load %arg20[%swap3A_801, %swap3A_802, %swap3A_803] {strides = array<i32>} : memref<2x64x128xf32, #tpu.memory_space<vmem>>, vector<1x1x16xf32>,
        %swap3A_805 = vector.shape_cast %swap3A_804 : vector<1x1x16xf32> to vector<16xf32>
        %swap3A_806 = vector.shape_cast %add3A_800 : vector<16xf32> to vector<1x1x16xf32>
        tpu.vector_store %arg20[%swap3A_801, %swap3A_802, %swap3A_803], %swap3A_806 {strides = array<i32>} : memref<2x64x128xf32, #tpu.memory_space<vmem>>, vector<1x1x16xf32>,
        %get3A_807 = arith.constant 0 : i32
        %get3A_808 = arith.index_cast %rem3A_385 : i32 to index
        %get3A_809 = arith.index_cast %get3A_807 : i32 to index
        %get3A_810 = arith.index_cast %add3A_675 : i32 to index
        %get3A_811 = arith.constant 32 : index
        %get3A_812 = tpu.vector_load %arg18[%get3A_808, %get3A_809, %get3A_810, %get3A_811] {strides = array<i32>} : memref<2x4x64x64xf32, #tpu.memory_space<vmem>>, vector<1x1x1x16xf32>,
        %get3A_813 = vector.shape_cast %get3A_812 : vector<1x1x1x16xf32> to vector<16xf32>
        %mul3A_814 = arith.mulf %mul3A_721, %get3A_813 : vector<16xf32>
        %get3A_815 = arith.constant 1 : i32
        %get3A_816 = arith.index_cast %rem3A_385 : i32 to index
        %get3A_817 = arith.index_cast %get3A_815 : i32 to index
        %get3A_818 = arith.index_cast %add3A_675 : i32 to index
        %get3A_819 = arith.constant 32 : index
        %get3A_820 = tpu.vector_load %arg18[%get3A_816, %get3A_817, %get3A_818, %get3A_819] {strides = array<i32>} : memref<2x4x64x64xf32, #tpu.memory_space<vmem>>, vector<1x1x1x16xf32>,
        %get3A_821 = vector.shape_cast %get3A_820 : vector<1x1x1x16xf32> to vector<16xf32>
        %mul3A_822 = arith.mulf %mul3A_722, %get3A_821 : vector<16xf32>
        %add3A_823 = arith.addf %mul3A_814, %mul3A_822 : vector<16xf32>
        %get3A_824 = arith.constant 2 : i32
        %get3A_825 = arith.index_cast %rem3A_385 : i32 to index
        %get3A_826 = arith.index_cast %get3A_824 : i32 to index
        %get3A_827 = arith.index_cast %add3A_675 : i32 to index
        %get3A_828 = arith.constant 32 : index
        %get3A_829 = tpu.vector_load %arg18[%get3A_825, %get3A_826, %get3A_827, %get3A_828] {strides = array<i32>} : memref<2x4x64x64xf32, #tpu.memory_space<vmem>>, vector<1x1x1x16xf32>,
        %get3A_830 = vector.shape_cast %get3A_829 : vector<1x1x1x16xf32> to vector<16xf32>
        %mul3A_831 = arith.mulf %mul3A_723, %get3A_830 : vector<16xf32>
        %add3A_832 = arith.addf %add3A_823, %mul3A_831 : vector<16xf32>
        %get3A_833 = arith.constant 3 : i32
        %get3A_834 = arith.index_cast %rem3A_385 : i32 to index
        %get3A_835 = arith.index_cast %get3A_833 : i32 to index
        %get3A_836 = arith.index_cast %add3A_675 : i32 to index
        %get3A_837 = arith.constant 32 : index
        %get3A_838 = tpu.vector_load %arg18[%get3A_834, %get3A_835, %get3A_836, %get3A_837] {strides = array<i32>} : memref<2x4x64x64xf32, #tpu.memory_space<vmem>>, vector<1x1x1x16xf32>,
        %get3A_839 = vector.shape_cast %get3A_838 : vector<1x1x1x16xf32> to vector<16xf32>
        %mul3A_840 = arith.mulf %mul3A_724, %get3A_839 : vector<16xf32>
        %add3A_841 = arith.addf %add3A_832, %mul3A_840 : vector<16xf32>
        %swap3A_842 = arith.index_cast %rem3A_385 : i32 to index
        %swap3A_843 = arith.index_cast %add3A_675 : i32 to index
        %swap3A_844 = arith.constant 32 : index
        %swap3A_845 = tpu.vector_load %arg20[%swap3A_842, %swap3A_843, %swap3A_844] {strides = array<i32>} : memref<2x64x128xf32, #tpu.memory_space<vmem>>, vector<1x1x16xf32>,
        %swap3A_846 = vector.shape_cast %swap3A_845 : vector<1x1x16xf32> to vector<16xf32>
        %swap3A_847 = vector.shape_cast %add3A_841 : vector<16xf32> to vector<1x1x16xf32>
        tpu.vector_store %arg20[%swap3A_842, %swap3A_843, %swap3A_844], %swap3A_847 {strides = array<i32>} : memref<2x64x128xf32, #tpu.memory_space<vmem>>, vector<1x1x16xf32>,
        %get3A_848 = arith.index_cast %rem3A_385 : i32 to index
        %get3A_849 = arith.index_cast %add3A_675 : i32 to index
        %get3A_850 = arith.constant 0 : index
        %get3A_851 = tpu.vector_load %arg19[%get3A_848, %get3A_849, %get3A_850] {strides = array<i32>} : memref<2x64x16xf32, #tpu.memory_space<vmem>>, vector<1x1x16xf32>,
        %get3A_852 = vector.shape_cast %get3A_851 : vector<1x1x16xf32> to vector<16xf32>
        %swap3A_853 = arith.index_cast %rem3A_385 : i32 to index
        %swap3A_854 = arith.index_cast %add3A_675 : i32 to index
        %swap3A_855 = arith.constant 48 : index
        %swap3A_856 = tpu.vector_load %arg20[%swap3A_853, %swap3A_854, %swap3A_855] {strides = array<i32>} : memref<2x64x128xf32, #tpu.memory_space<vmem>>, vector<1x1x16xf32>,
        %swap3A_857 = vector.shape_cast %swap3A_856 : vector<1x1x16xf32> to vector<16xf32>
        %swap3A_858 = vector.shape_cast %get3A_852 : vector<16xf32> to vector<1x1x16xf32>
        tpu.vector_store %arg20[%swap3A_853, %swap3A_854, %swap3A_855], %swap3A_858 {strides = array<i32>} : memref<2x64x128xf32, #tpu.memory_space<vmem>>, vector<1x1x16xf32>,
      }
      %scan3A_487 = arith.constant 32 : i32
      %eq3A = arith.constant 0 : i32
      %eq3A_488 = arith.cmpi eq, %rem3A_385, %eq3A : i32
      %convert_element_type3A_489 = arith.extui %eq3A_488 : i1 to i32
      %cond3A_490 = arith.constant 0 : i32
      %cond3A_491 = arith.cmpi ne, %convert_element_type3A_489, %cond3A_490 : i32
      scf.if %cond3A_491 {
        %mul3A_492 = arith.constant 64 : i32
        %mul3A_493 = arith.muli %scan3A_384, %mul3A_492 : i32
        %add3A_494 = arith.addi %mul3A_2, %mul3A_493 : i32
        %dma_start3A_495 = arith.constant 0 : i32
        %dma_start3A_496 = arith.constant 0 : i32
        %dma_start3A_497 = arith.constant 0 : i32
        %dma_start3A_498 = tpu.memref_slice %arg15[%dma_start3A_495, %dma_start3A_496, %dma_start3A_497] : memref<2x64x64xf32, #tpu.memory_space<vmem>> -> memref<1x64x64xf32, #tpu.memory_space<vmem>>
        %dma_start3A_499 = tpu.memref_squeeze %dma_start3A_498 : memref<1x64x64xf32, #tpu.memory_space<vmem>> -> memref<64x64xf32, #tpu.memory_space<vmem>>
        %dma_start3A_500 = arith.constant 0 : i32
        %dma_start3A_501 = tpu.memref_slice %arg12[%add3A_494, %dma_start3A_500] : memref<16384x128xf32, #tpu.memory_space<hbm>> -> memref<64x64xf32, #tpu.memory_space<hbm>>
        %dma_start3A_502 = arith.constant 0 : i32
        %dma_start3A_503 = tpu.memref_slice %arg12[%add3A_494, %dma_start3A_502] : memref<16384x128xf32, #tpu.memory_space<hbm>> -> memref<64x64xf32, #tpu.memory_space<hbm>>
        %dma_start3A_504 = arith.constant 0 : i32
        %dma_start3A_505 = arith.constant 0 : i32
        %dma_start3A_506 = tpu.memref_slice %arg15[%dma_start3A_495, %dma_start3A_504, %dma_start3A_505] : memref<2x64x64xf32, #tpu.memory_space<vmem>> -> memref<1x64x64xf32, #tpu.memory_space<vmem>>
        %dma_start3A_507 = tpu.memref_squeeze %dma_start3A_506 : memref<1x64x64xf32, #tpu.memory_space<vmem>> -> memref<64x64xf32, #tpu.memory_space<vmem>>
        tpu.enqueue_dma source(%dma_start3A_507 : memref<64x64xf32, #tpu.memory_space<vmem>>) target(%dma_start3A_503 : memref<64x64xf32, #tpu.memory_space<hbm>>) target_semaphore(%arg23 : memref<!tpu.dma_semaphore, #tpu.memory_space<semaphore_mem>>)
        %dma_start3A_508 = arith.constant 0 : i32
        %dma_start3A_509 = arith.constant 0 : i32
        %dma_start3A_510 = arith.constant 0 : i32
        %dma_start3A_511 = tpu.memref_slice %arg16[%dma_start3A_508, %dma_start3A_509, %dma_start3A_510] : memref<2x64x32xf32, #tpu.memory_space<vmem>> -> memref<1x64x32xf32, #tpu.memory_space<vmem>>
        %dma_start3A_512 = tpu.memref_squeeze %dma_start3A_511 : memref<1x64x32xf32, #tpu.memory_space<vmem>> -> memref<64x32xf32, #tpu.memory_space<vmem>>
        %dma_start3A_513 = arith.constant 64 : i32
        %dma_start3A_514 = tpu.memref_slice %arg12[%add3A_494, %dma_start3A_513] : memref<16384x128xf32, #tpu.memory_space<hbm>> -> memref<64x32xf32, #tpu.memory_space<hbm>>
        %dma_start3A_515 = arith.constant 64 : i32
        %dma_start3A_516 = tpu.memref_slice %arg12[%add3A_494, %dma_start3A_515] : memref<16384x128xf32, #tpu.memory_space<hbm>> -> memref<64x32xf32, #tpu.memory_space<hbm>>
        %dma_start3A_517 = arith.constant 0 : i32
        %dma_start3A_518 = arith.constant 0 : i32
        %dma_start3A_519 = tpu.memref_slice %arg16[%dma_start3A_508, %dma_start3A_517, %dma_start3A_518] : memref<2x64x32xf32, #tpu.memory_space<vmem>> -> memref<1x64x32xf32, #tpu.memory_space<vmem>>
        %dma_start3A_520 = tpu.memref_squeeze %dma_start3A_519 : memref<1x64x32xf32, #tpu.memory_space<vmem>> -> memref<64x32xf32, #tpu.memory_space<vmem>>
        tpu.enqueue_dma source(%dma_start3A_520 : memref<64x32xf32, #tpu.memory_space<vmem>>) target(%dma_start3A_516 : memref<64x32xf32, #tpu.memory_space<hbm>>) target_semaphore(%arg23 : memref<!tpu.dma_semaphore, #tpu.memory_space<semaphore_mem>>)
        %dma_start3A_521 = arith.constant 0 : i32
        %dma_start3A_522 = arith.constant 0 : i32
        %dma_start3A_523 = arith.constant 0 : i32
        %dma_start3A_524 = tpu.memref_slice %arg17[%dma_start3A_521, %dma_start3A_522, %dma_start3A_523] : memref<2x64x32xf32, #tpu.memory_space<vmem>> -> memref<1x64x32xf32, #tpu.memory_space<vmem>>
        %dma_start3A_525 = tpu.memref_squeeze %dma_start3A_524 : memref<1x64x32xf32, #tpu.memory_space<vmem>> -> memref<64x32xf32, #tpu.memory_space<vmem>>
        %dma_start3A_526 = arith.constant 96 : i32
        %dma_start3A_527 = tpu.memref_slice %arg12[%add3A_494, %dma_start3A_526] : memref<16384x128xf32, #tpu.memory_space<hbm>> -> memref<64x32xf32, #tpu.memory_space<hbm>>
        %dma_start3A_528 = arith.constant 96 : i32
        %dma_start3A_529 = tpu.memref_slice %arg12[%add3A_494, %dma_start3A_528] : memref<16384x128xf32, #tpu.memory_space<hbm>> -> memref<64x32xf32, #tpu.memory_space<hbm>>
        %dma_start3A_530 = arith.constant 0 : i32
        %dma_start3A_531 = arith.constant 0 : i32
        %dma_start3A_532 = tpu.memref_slice %arg17[%dma_start3A_521, %dma_start3A_530, %dma_start3A_531] : memref<2x64x32xf32, #tpu.memory_space<vmem>> -> memref<1x64x32xf32, #tpu.memory_space<vmem>>
        %dma_start3A_533 = tpu.memref_squeeze %dma_start3A_532 : memref<1x64x32xf32, #tpu.memory_space<vmem>> -> memref<64x32xf32, #tpu.memory_space<vmem>>
        tpu.enqueue_dma source(%dma_start3A_533 : memref<64x32xf32, #tpu.memory_space<vmem>>) target(%dma_start3A_529 : memref<64x32xf32, #tpu.memory_space<hbm>>) target_semaphore(%arg23 : memref<!tpu.dma_semaphore, #tpu.memory_space<semaphore_mem>>)
        %dma_start3A_534 = arith.constant 0 : i32
        %dma_start3A_535 = arith.constant 0 : i32
        %dma_start3A_536 = arith.constant 0 : i32
        %dma_start3A_537 = tpu.memref_slice %arg20[%dma_start3A_534, %dma_start3A_535, %dma_start3A_536] : memref<2x64x128xf32, #tpu.memory_space<vmem>> -> memref<1x64x128xf32, #tpu.memory_space<vmem>>
        %dma_start3A_538 = tpu.memref_squeeze %dma_start3A_537 : memref<1x64x128xf32, #tpu.memory_space<vmem>> -> memref<64x128xf32, #tpu.memory_space<vmem>>
        %dma_start3A_539 = arith.constant 0 : i32
        %dma_start3A_540 = tpu.memref_slice %arg13[%add3A_494, %dma_start3A_539] : memref<16384x128xf32, #tpu.memory_space<hbm>> -> memref<64x128xf32, #tpu.memory_space<hbm>>
        %dma_start3A_541 = arith.constant 0 : i32
        %dma_start3A_542 = tpu.memref_slice %arg13[%add3A_494, %dma_start3A_541] : memref<16384x128xf32, #tpu.memory_space<hbm>> -> memref<64x128xf32, #tpu.memory_space<hbm>>
        %dma_start3A_543 = arith.constant 0 : i32
        %dma_start3A_544 = arith.constant 0 : i32
        %dma_start3A_545 = tpu.memref_slice %arg20[%dma_start3A_534, %dma_start3A_543, %dma_start3A_544] : memref<2x64x128xf32, #tpu.memory_space<vmem>> -> memref<1x64x128xf32, #tpu.memory_space<vmem>>
        %dma_start3A_546 = tpu.memref_squeeze %dma_start3A_545 : memref<1x64x128xf32, #tpu.memory_space<vmem>> -> memref<64x128xf32, #tpu.memory_space<vmem>>
        tpu.enqueue_dma source(%dma_start3A_546 : memref<64x128xf32, #tpu.memory_space<vmem>>) target(%dma_start3A_542 : memref<64x128xf32, #tpu.memory_space<hbm>>) target_semaphore(%arg23 : memref<!tpu.dma_semaphore, #tpu.memory_space<semaphore_mem>>)
      } else {
        %mul3A_492 = arith.constant 64 : i32
        %mul3A_493 = arith.muli %scan3A_384, %mul3A_492 : i32
        %add3A_494 = arith.addi %mul3A_2, %mul3A_493 : i32
        %dma_start3A_495 = arith.constant 1 : i32
        %dma_start3A_496 = arith.constant 0 : i32
        %dma_start3A_497 = arith.constant 0 : i32
        %dma_start3A_498 = tpu.memref_slice %arg15[%dma_start3A_495, %dma_start3A_496, %dma_start3A_497] : memref<2x64x64xf32, #tpu.memory_space<vmem>> -> memref<1x64x64xf32, #tpu.memory_space<vmem>>
        %dma_start3A_499 = tpu.memref_squeeze %dma_start3A_498 : memref<1x64x64xf32, #tpu.memory_space<vmem>> -> memref<64x64xf32, #tpu.memory_space<vmem>>
        %dma_start3A_500 = arith.constant 0 : i32
        %dma_start3A_501 = tpu.memref_slice %arg12[%add3A_494, %dma_start3A_500] : memref<16384x128xf32, #tpu.memory_space<hbm>> -> memref<64x64xf32, #tpu.memory_space<hbm>>
        %dma_start3A_502 = arith.constant 0 : i32
        %dma_start3A_503 = tpu.memref_slice %arg12[%add3A_494, %dma_start3A_502] : memref<16384x128xf32, #tpu.memory_space<hbm>> -> memref<64x64xf32, #tpu.memory_space<hbm>>
        %dma_start3A_504 = arith.constant 0 : i32
        %dma_start3A_505 = arith.constant 0 : i32
        %dma_start3A_506 = tpu.memref_slice %arg15[%dma_start3A_495, %dma_start3A_504, %dma_start3A_505] : memref<2x64x64xf32, #tpu.memory_space<vmem>> -> memref<1x64x64xf32, #tpu.memory_space<vmem>>
        %dma_start3A_507 = tpu.memref_squeeze %dma_start3A_506 : memref<1x64x64xf32, #tpu.memory_space<vmem>> -> memref<64x64xf32, #tpu.memory_space<vmem>>
        tpu.enqueue_dma source(%dma_start3A_507 : memref<64x64xf32, #tpu.memory_space<vmem>>) target(%dma_start3A_503 : memref<64x64xf32, #tpu.memory_space<hbm>>) target_semaphore(%arg24 : memref<!tpu.dma_semaphore, #tpu.memory_space<semaphore_mem>>)
        %dma_start3A_508 = arith.constant 1 : i32
        %dma_start3A_509 = arith.constant 0 : i32
        %dma_start3A_510 = arith.constant 0 : i32
        %dma_start3A_511 = tpu.memref_slice %arg16[%dma_start3A_508, %dma_start3A_509, %dma_start3A_510] : memref<2x64x32xf32, #tpu.memory_space<vmem>> -> memref<1x64x32xf32, #tpu.memory_space<vmem>>
        %dma_start3A_512 = tpu.memref_squeeze %dma_start3A_511 : memref<1x64x32xf32, #tpu.memory_space<vmem>> -> memref<64x32xf32, #tpu.memory_space<vmem>>
        %dma_start3A_513 = arith.constant 64 : i32
        %dma_start3A_514 = tpu.memref_slice %arg12[%add3A_494, %dma_start3A_513] : memref<16384x128xf32, #tpu.memory_space<hbm>> -> memref<64x32xf32, #tpu.memory_space<hbm>>
        %dma_start3A_515 = arith.constant 64 : i32
        %dma_start3A_516 = tpu.memref_slice %arg12[%add3A_494, %dma_start3A_515] : memref<16384x128xf32, #tpu.memory_space<hbm>> -> memref<64x32xf32, #tpu.memory_space<hbm>>
        %dma_start3A_517 = arith.constant 0 : i32
        %dma_start3A_518 = arith.constant 0 : i32
        %dma_start3A_519 = tpu.memref_slice %arg16[%dma_start3A_508, %dma_start3A_517, %dma_start3A_518] : memref<2x64x32xf32, #tpu.memory_space<vmem>> -> memref<1x64x32xf32, #tpu.memory_space<vmem>>
        %dma_start3A_520 = tpu.memref_squeeze %dma_start3A_519 : memref<1x64x32xf32, #tpu.memory_space<vmem>> -> memref<64x32xf32, #tpu.memory_space<vmem>>
        tpu.enqueue_dma source(%dma_start3A_520 : memref<64x32xf32, #tpu.memory_space<vmem>>) target(%dma_start3A_516 : memref<64x32xf32, #tpu.memory_space<hbm>>) target_semaphore(%arg24 : memref<!tpu.dma_semaphore, #tpu.memory_space<semaphore_mem>>)
        %dma_start3A_521 = arith.constant 1 : i32
        %dma_start3A_522 = arith.constant 0 : i32
        %dma_start3A_523 = arith.constant 0 : i32
        %dma_start3A_524 = tpu.memref_slice %arg17[%dma_start3A_521, %dma_start3A_522, %dma_start3A_523] : memref<2x64x32xf32, #tpu.memory_space<vmem>> -> memref<1x64x32xf32, #tpu.memory_space<vmem>>
        %dma_start3A_525 = tpu.memref_squeeze %dma_start3A_524 : memref<1x64x32xf32, #tpu.memory_space<vmem>> -> memref<64x32xf32, #tpu.memory_space<vmem>>
        %dma_start3A_526 = arith.constant 96 : i32
        %dma_start3A_527 = tpu.memref_slice %arg12[%add3A_494, %dma_start3A_526] : memref<16384x128xf32, #tpu.memory_space<hbm>> -> memref<64x32xf32, #tpu.memory_space<hbm>>
        %dma_start3A_528 = arith.constant 96 : i32
        %dma_start3A_529 = tpu.memref_slice %arg12[%add3A_494, %dma_start3A_528] : memref<16384x128xf32, #tpu.memory_space<hbm>> -> memref<64x32xf32, #tpu.memory_space<hbm>>
        %dma_start3A_530 = arith.constant 0 : i32
        %dma_start3A_531 = arith.constant 0 : i32
        %dma_start3A_532 = tpu.memref_slice %arg17[%dma_start3A_521, %dma_start3A_530, %dma_start3A_531] : memref<2x64x32xf32, #tpu.memory_space<vmem>> -> memref<1x64x32xf32, #tpu.memory_space<vmem>>
        %dma_start3A_533 = tpu.memref_squeeze %dma_start3A_532 : memref<1x64x32xf32, #tpu.memory_space<vmem>> -> memref<64x32xf32, #tpu.memory_space<vmem>>
        tpu.enqueue_dma source(%dma_start3A_533 : memref<64x32xf32, #tpu.memory_space<vmem>>) target(%dma_start3A_529 : memref<64x32xf32, #tpu.memory_space<hbm>>) target_semaphore(%arg24 : memref<!tpu.dma_semaphore, #tpu.memory_space<semaphore_mem>>)
        %dma_start3A_534 = arith.constant 1 : i32
        %dma_start3A_535 = arith.constant 0 : i32
        %dma_start3A_536 = arith.constant 0 : i32
        %dma_start3A_537 = tpu.memref_slice %arg20[%dma_start3A_534, %dma_start3A_535, %dma_start3A_536] : memref<2x64x128xf32, #tpu.memory_space<vmem>> -> memref<1x64x128xf32, #tpu.memory_space<vmem>>
        %dma_start3A_538 = tpu.memref_squeeze %dma_start3A_537 : memref<1x64x128xf32, #tpu.memory_space<vmem>> -> memref<64x128xf32, #tpu.memory_space<vmem>>
        %dma_start3A_539 = arith.constant 0 : i32
        %dma_start3A_540 = tpu.memref_slice %arg13[%add3A_494, %dma_start3A_539] : memref<16384x128xf32, #tpu.memory_space<hbm>> -> memref<64x128xf32, #tpu.memory_space<hbm>>
        %dma_start3A_541 = arith.constant 0 : i32
        %dma_start3A_542 = tpu.memref_slice %arg13[%add3A_494, %dma_start3A_541] : memref<16384x128xf32, #tpu.memory_space<hbm>> -> memref<64x128xf32, #tpu.memory_space<hbm>>
        %dma_start3A_543 = arith.constant 0 : i32
        %dma_start3A_544 = arith.constant 0 : i32
        %dma_start3A_545 = tpu.memref_slice %arg20[%dma_start3A_534, %dma_start3A_543, %dma_start3A_544] : memref<2x64x128xf32, #tpu.memory_space<vmem>> -> memref<1x64x128xf32, #tpu.memory_space<vmem>>
        %dma_start3A_546 = tpu.memref_squeeze %dma_start3A_545 : memref<1x64x128xf32, #tpu.memory_space<vmem>> -> memref<64x128xf32, #tpu.memory_space<vmem>>
        tpu.enqueue_dma source(%dma_start3A_546 : memref<64x128xf32, #tpu.memory_space<vmem>>) target(%dma_start3A_542 : memref<64x128xf32, #tpu.memory_space<hbm>>) target_semaphore(%arg24 : memref<!tpu.dma_semaphore, #tpu.memory_space<semaphore_mem>>)
      }
    }
    %scan3A_279 = arith.constant 8 : i32
    %dma_wait3A_280 = arith.constant 0 : i32
    %dma_wait3A_281 = arith.constant 0 : i32
    %dma_wait3A_282 = arith.constant 0 : i32
    %dma_wait3A_283 = tpu.memref_slice %arg15[%dma_wait3A_280, %dma_wait3A_281, %dma_wait3A_282] : memref<2x64x64xf32, #tpu.memory_space<vmem>> -> memref<1x64x64xf32, #tpu.memory_space<vmem>>
    %dma_wait3A_284 = tpu.memref_squeeze %dma_wait3A_283 : memref<1x64x64xf32, #tpu.memory_space<vmem>> -> memref<64x64xf32, #tpu.memory_space<vmem>>
    %dma_wait3A_285 = arith.constant 0 : i32
    %dma_wait3A_286 = tpu.memref_slice %arg12[%mul3A_2, %dma_wait3A_285] : memref<16384x128xf32, #tpu.memory_space<hbm>> -> memref<64x64xf32, #tpu.memory_space<hbm>>
    %dma_wait3A_287 = arith.constant 0 : i32
    %dma_wait3A_288 = tpu.memref_slice %arg12[%mul3A_2, %dma_wait3A_287] : memref<16384x128xf32, #tpu.memory_space<hbm>> -> memref<64x64xf32, #tpu.memory_space<hbm>>
    %dma_wait3A_289 = arith.constant 0 : i32
    %dma_wait3A_290 = arith.constant 0 : i32
    %dma_wait3A_291 = tpu.memref_slice %arg15[%dma_wait3A_280, %dma_wait3A_289, %dma_wait3A_290] : memref<2x64x64xf32, #tpu.memory_space<vmem>> -> memref<1x64x64xf32, #tpu.memory_space<vmem>>
    %dma_wait3A_292 = tpu.memref_squeeze %dma_wait3A_291 : memref<1x64x64xf32, #tpu.memory_space<vmem>> -> memref<64x64xf32, #tpu.memory_space<vmem>>
    tpu.wait_dma2 semaphore(%arg23 : memref<!tpu.dma_semaphore, #tpu.memory_space<semaphore_mem>>) src(%dma_wait3A_292 : memref<64x64xf32, #tpu.memory_space<vmem>>) dst(%dma_wait3A_288 : memref<64x64xf32, #tpu.memory_space<hbm>>)
    %dma_wait3A_293 = arith.constant 0 : i32
    %dma_wait3A_294 = arith.constant 0 : i32
    %dma_wait3A_295 = arith.constant 0 : i32
    %dma_wait3A_296 = tpu.memref_slice %arg16[%dma_wait3A_293, %dma_wait3A_294, %dma_wait3A_295] : memref<2x64x32xf32, #tpu.memory_space<vmem>> -> memref<1x64x32xf32, #tpu.memory_space<vmem>>
    %dma_wait3A_297 = tpu.memref_squeeze %dma_wait3A_296 : memref<1x64x32xf32, #tpu.memory_space<vmem>> -> memref<64x32xf32, #tpu.memory_space<vmem>>
    %dma_wait3A_298 = arith.constant 64 : i32
    %dma_wait3A_299 = tpu.memref_slice %arg12[%mul3A_2, %dma_wait3A_298] : memref<16384x128xf32, #tpu.memory_space<hbm>> -> memref<64x32xf32, #tpu.memory_space<hbm>>
    %dma_wait3A_300 = arith.constant 64 : i32
    %dma_wait3A_301 = tpu.memref_slice %arg12[%mul3A_2, %dma_wait3A_300] : memref<16384x128xf32, #tpu.memory_space<hbm>> -> memref<64x32xf32, #tpu.memory_space<hbm>>
    %dma_wait3A_302 = arith.constant 0 : i32
    %dma_wait3A_303 = arith.constant 0 : i32
    %dma_wait3A_304 = tpu.memref_slice %arg16[%dma_wait3A_293, %dma_wait3A_302, %dma_wait3A_303] : memref<2x64x32xf32, #tpu.memory_space<vmem>> -> memref<1x64x32xf32, #tpu.memory_space<vmem>>
    %dma_wait3A_305 = tpu.memref_squeeze %dma_wait3A_304 : memref<1x64x32xf32, #tpu.memory_space<vmem>> -> memref<64x32xf32, #tpu.memory_space<vmem>>
    tpu.wait_dma2 semaphore(%arg23 : memref<!tpu.dma_semaphore, #tpu.memory_space<semaphore_mem>>) src(%dma_wait3A_305 : memref<64x32xf32, #tpu.memory_space<vmem>>) dst(%dma_wait3A_301 : memref<64x32xf32, #tpu.memory_space<hbm>>)
    %dma_wait3A_306 = arith.constant 0 : i32
    %dma_wait3A_307 = arith.constant 0 : i32
    %dma_wait3A_308 = arith.constant 0 : i32
    %dma_wait3A_309 = tpu.memref_slice %arg17[%dma_wait3A_306, %dma_wait3A_307, %dma_wait3A_308] : memref<2x64x32xf32, #tpu.memory_space<vmem>> -> memref<1x64x32xf32, #tpu.memory_space<vmem>>
    %dma_wait3A_310 = tpu.memref_squeeze %dma_wait3A_309 : memref<1x64x32xf32, #tpu.memory_space<vmem>> -> memref<64x32xf32, #tpu.memory_space<vmem>>
    %dma_wait3A_311 = arith.constant 96 : i32
    %dma_wait3A_312 = tpu.memref_slice %arg12[%mul3A_2, %dma_wait3A_311] : memref<16384x128xf32, #tpu.memory_space<hbm>> -> memref<64x32xf32, #tpu.memory_space<hbm>>
    %dma_wait3A_313 = arith.constant 96 : i32
    %dma_wait3A_314 = tpu.memref_slice %arg12[%mul3A_2, %dma_wait3A_313] : memref<16384x128xf32, #tpu.memory_space<hbm>> -> memref<64x32xf32, #tpu.memory_space<hbm>>
    %dma_wait3A_315 = arith.constant 0 : i32
    %dma_wait3A_316 = arith.constant 0 : i32
    %dma_wait3A_317 = tpu.memref_slice %arg17[%dma_wait3A_306, %dma_wait3A_315, %dma_wait3A_316] : memref<2x64x32xf32, #tpu.memory_space<vmem>> -> memref<1x64x32xf32, #tpu.memory_space<vmem>>
    %dma_wait3A_318 = tpu.memref_squeeze %dma_wait3A_317 : memref<1x64x32xf32, #tpu.memory_space<vmem>> -> memref<64x32xf32, #tpu.memory_space<vmem>>
    tpu.wait_dma2 semaphore(%arg23 : memref<!tpu.dma_semaphore, #tpu.memory_space<semaphore_mem>>) src(%dma_wait3A_318 : memref<64x32xf32, #tpu.memory_space<vmem>>) dst(%dma_wait3A_314 : memref<64x32xf32, #tpu.memory_space<hbm>>)
    %dma_wait3A_319 = arith.constant 0 : i32
    %dma_wait3A_320 = arith.constant 0 : i32
    %dma_wait3A_321 = arith.constant 0 : i32
    %dma_wait3A_322 = tpu.memref_slice %arg20[%dma_wait3A_319, %dma_wait3A_320, %dma_wait3A_321] : memref<2x64x128xf32, #tpu.memory_space<vmem>> -> memref<1x64x128xf32, #tpu.memory_space<vmem>>
    %dma_wait3A_323 = tpu.memref_squeeze %dma_wait3A_322 : memref<1x64x128xf32, #tpu.memory_space<vmem>> -> memref<64x128xf32, #tpu.memory_space<vmem>>
    %dma_wait3A_324 = arith.constant 0 : i32
    %dma_wait3A_325 = tpu.memref_slice %arg13[%mul3A_2, %dma_wait3A_324] : memref<16384x128xf32, #tpu.memory_space<hbm>> -> memref<64x128xf32, #tpu.memory_space<hbm>>
    %dma_wait3A_326 = arith.constant 0 : i32
    %dma_wait3A_327 = tpu.memref_slice %arg13[%mul3A_2, %dma_wait3A_326] : memref<16384x128xf32, #tpu.memory_space<hbm>> -> memref<64x128xf32, #tpu.memory_space<hbm>>
    %dma_wait3A_328 = arith.constant 0 : i32
    %dma_wait3A_329 = arith.constant 0 : i32
    %dma_wait3A_330 = tpu.memref_slice %arg20[%dma_wait3A_319, %dma_wait3A_328, %dma_wait3A_329] : memref<2x64x128xf32, #tpu.memory_space<vmem>> -> memref<1x64x128xf32, #tpu.memory_space<vmem>>
    %dma_wait3A_331 = tpu.memref_squeeze %dma_wait3A_330 : memref<1x64x128xf32, #tpu.memory_space<vmem>> -> memref<64x128xf32, #tpu.memory_space<vmem>>
    tpu.wait_dma2 semaphore(%arg23 : memref<!tpu.dma_semaphore, #tpu.memory_space<semaphore_mem>>) src(%dma_wait3A_331 : memref<64x128xf32, #tpu.memory_space<vmem>>) dst(%dma_wait3A_327 : memref<64x128xf32, #tpu.memory_space<hbm>>)
    %dma_wait3A_332 = arith.constant 1 : i32
    %dma_wait3A_333 = arith.constant 0 : i32
    %dma_wait3A_334 = arith.constant 0 : i32
    %dma_wait3A_335 = tpu.memref_slice %arg15[%dma_wait3A_332, %dma_wait3A_333, %dma_wait3A_334] : memref<2x64x64xf32, #tpu.memory_space<vmem>> -> memref<1x64x64xf32, #tpu.memory_space<vmem>>
    %dma_wait3A_336 = tpu.memref_squeeze %dma_wait3A_335 : memref<1x64x64xf32, #tpu.memory_space<vmem>> -> memref<64x64xf32, #tpu.memory_space<vmem>>
    %dma_wait3A_337 = arith.constant 0 : i32
    %dma_wait3A_338 = tpu.memref_slice %arg12[%mul3A_2, %dma_wait3A_337] : memref<16384x128xf32, #tpu.memory_space<hbm>> -> memref<64x64xf32, #tpu.memory_space<hbm>>
    %dma_wait3A_339 = arith.constant 0 : i32
    %dma_wait3A_340 = tpu.memref_slice %arg12[%mul3A_2, %dma_wait3A_339] : memref<16384x128xf32, #tpu.memory_space<hbm>> -> memref<64x64xf32, #tpu.memory_space<hbm>>
    %dma_wait3A_341 = arith.constant 0 : i32
    %dma_wait3A_342 = arith.constant 0 : i32
    %dma_wait3A_343 = tpu.memref_slice %arg15[%dma_wait3A_332, %dma_wait3A_341, %dma_wait3A_342] : memref<2x64x64xf32, #tpu.memory_space<vmem>> -> memref<1x64x64xf32, #tpu.memory_space<vmem>>
    %dma_wait3A_344 = tpu.memref_squeeze %dma_wait3A_343 : memref<1x64x64xf32, #tpu.memory_space<vmem>> -> memref<64x64xf32, #tpu.memory_space<vmem>>
    tpu.wait_dma2 semaphore(%arg24 : memref<!tpu.dma_semaphore, #tpu.memory_space<semaphore_mem>>) src(%dma_wait3A_344 : memref<64x64xf32, #tpu.memory_space<vmem>>) dst(%dma_wait3A_340 : memref<64x64xf32, #tpu.memory_space<hbm>>)
    %dma_wait3A_345 = arith.constant 1 : i32
    %dma_wait3A_346 = arith.constant 0 : i32
    %dma_wait3A_347 = arith.constant 0 : i32
    %dma_wait3A_348 = tpu.memref_slice %arg16[%dma_wait3A_345, %dma_wait3A_346, %dma_wait3A_347] : memref<2x64x32xf32, #tpu.memory_space<vmem>> -> memref<1x64x32xf32, #tpu.memory_space<vmem>>
    %dma_wait3A_349 = tpu.memref_squeeze %dma_wait3A_348 : memref<1x64x32xf32, #tpu.memory_space<vmem>> -> memref<64x32xf32, #tpu.memory_space<vmem>>
    %dma_wait3A_350 = arith.constant 64 : i32
    %dma_wait3A_351 = tpu.memref_slice %arg12[%mul3A_2, %dma_wait3A_350] : memref<16384x128xf32, #tpu.memory_space<hbm>> -> memref<64x32xf32, #tpu.memory_space<hbm>>
    %dma_wait3A_352 = arith.constant 64 : i32
    %dma_wait3A_353 = tpu.memref_slice %arg12[%mul3A_2, %dma_wait3A_352] : memref<16384x128xf32, #tpu.memory_space<hbm>> -> memref<64x32xf32, #tpu.memory_space<hbm>>
    %dma_wait3A_354 = arith.constant 0 : i32
    %dma_wait3A_355 = arith.constant 0 : i32
    %dma_wait3A_356 = tpu.memref_slice %arg16[%dma_wait3A_345, %dma_wait3A_354, %dma_wait3A_355] : memref<2x64x32xf32, #tpu.memory_space<vmem>> -> memref<1x64x32xf32, #tpu.memory_space<vmem>>
    %dma_wait3A_357 = tpu.memref_squeeze %dma_wait3A_356 : memref<1x64x32xf32, #tpu.memory_space<vmem>> -> memref<64x32xf32, #tpu.memory_space<vmem>>
    tpu.wait_dma2 semaphore(%arg24 : memref<!tpu.dma_semaphore, #tpu.memory_space<semaphore_mem>>) src(%dma_wait3A_357 : memref<64x32xf32, #tpu.memory_space<vmem>>) dst(%dma_wait3A_353 : memref<64x32xf32, #tpu.memory_space<hbm>>)
    %dma_wait3A_358 = arith.constant 1 : i32
    %dma_wait3A_359 = arith.constant 0 : i32
    %dma_wait3A_360 = arith.constant 0 : i32
    %dma_wait3A_361 = tpu.memref_slice %arg17[%dma_wait3A_358, %dma_wait3A_359, %dma_wait3A_360] : memref<2x64x32xf32, #tpu.memory_space<vmem>> -> memref<1x64x32xf32, #tpu.memory_space<vmem>>
    %dma_wait3A_362 = tpu.memref_squeeze %dma_wait3A_361 : memref<1x64x32xf32, #tpu.memory_space<vmem>> -> memref<64x32xf32, #tpu.memory_space<vmem>>
    %dma_wait3A_363 = arith.constant 96 : i32
    %dma_wait3A_364 = tpu.memref_slice %arg12[%mul3A_2, %dma_wait3A_363] : memref<16384x128xf32, #tpu.memory_space<hbm>> -> memref<64x32xf32, #tpu.memory_space<hbm>>
    %dma_wait3A_365 = arith.constant 96 : i32
    %dma_wait3A_366 = tpu.memref_slice %arg12[%mul3A_2, %dma_wait3A_365] : memref<16384x128xf32, #tpu.memory_space<hbm>> -> memref<64x32xf32, #tpu.memory_space<hbm>>
    %dma_wait3A_367 = arith.constant 0 : i32
    %dma_wait3A_368 = arith.constant 0 : i32
    %dma_wait3A_369 = tpu.memref_slice %arg17[%dma_wait3A_358, %dma_wait3A_367, %dma_wait3A_368] : memref<2x64x32xf32, #tpu.memory_space<vmem>> -> memref<1x64x32xf32, #tpu.memory_space<vmem>>
    %dma_wait3A_370 = tpu.memref_squeeze %dma_wait3A_369 : memref<1x64x32xf32, #tpu.memory_space<vmem>> -> memref<64x32xf32, #tpu.memory_space<vmem>>
    tpu.wait_dma2 semaphore(%arg24 : memref<!tpu.dma_semaphore, #tpu.memory_space<semaphore_mem>>) src(%dma_wait3A_370 : memref<64x32xf32, #tpu.memory_space<vmem>>) dst(%dma_wait3A_366 : memref<64x32xf32, #tpu.memory_space<hbm>>)
    %dma_wait3A_371 = arith.constant 1 : i32
    %dma_wait3A_372 = arith.constant 0 : i32
    %dma_wait3A_373 = arith.constant 0 : i32
    %dma_wait3A_374 = tpu.memref_slice %arg20[%dma_wait3A_371, %dma_wait3A_372, %dma_wait3A_373] : memref<2x64x128xf32, #tpu.memory_space<vmem>> -> memref<1x64x128xf32, #tpu.memory_space<vmem>>
    %dma_wait3A_375 = tpu.memref_squeeze %dma_wait3A_374 : memref<1x64x128xf32, #tpu.memory_space<vmem>> -> memref<64x128xf32, #tpu.memory_space<vmem>>
    %dma_wait3A_376 = arith.constant 0 : i32
    %dma_wait3A_377 = tpu.memref_slice %arg13[%mul3A_2, %dma_wait3A_376] : memref<16384x128xf32, #tpu.memory_space<hbm>> -> memref<64x128xf32, #tpu.memory_space<hbm>>
    %dma_wait3A_378 = arith.constant 0 : i32
    %dma_wait3A_379 = tpu.memref_slice %arg13[%mul3A_2, %dma_wait3A_378] : memref<16384x128xf32, #tpu.memory_space<hbm>> -> memref<64x128xf32, #tpu.memory_space<hbm>>
    %dma_wait3A_380 = arith.constant 0 : i32
    %dma_wait3A_381 = arith.constant 0 : i32
    %dma_wait3A_382 = tpu.memref_slice %arg20[%dma_wait3A_371, %dma_wait3A_380, %dma_wait3A_381] : memref<2x64x128xf32, #tpu.memory_space<vmem>> -> memref<1x64x128xf32, #tpu.memory_space<vmem>>
    %dma_wait3A_383 = tpu.memref_squeeze %dma_wait3A_382 : memref<1x64x128xf32, #tpu.memory_space<vmem>> -> memref<64x128xf32, #tpu.memory_space<vmem>>
    tpu.wait_dma2 semaphore(%arg24 : memref<!tpu.dma_semaphore, #tpu.memory_space<semaphore_mem>>) src(%dma_wait3A_383 : memref<64x128xf32, #tpu.memory_space<vmem>>) dst(%dma_wait3A_379 : memref<64x128xf32, #tpu.memory_space<hbm>>)
    return
  }
}

module attributes {stable_mosaic.version = 14 : i64} {
  func.func @_prepass_body(%arg0: memref<920x48xf32, #tpu.memory_space<vmem>>, %arg1: memref<48x48xf32, #tpu.memory_space<vmem>>, %arg2: memref<48xf32, #tpu.memory_space<vmem>>, %arg3: memref<48x1xf32, #tpu.memory_space<vmem>>, %arg4: memref<19x16xf32, #tpu.memory_space<vmem>>, %arg5: memref<32x16xf32, #tpu.memory_space<vmem>>, %arg6: memref<16xf32, #tpu.memory_space<vmem>>, %arg7: memref<224x128xf32, #tpu.memory_space<vmem>>, %arg8: memref<128xf32, #tpu.memory_space<vmem>>, %arg9: memref<920x64xf32, #tpu.memory_space<vmem>>, %arg10: memref<368x16xf32, #tpu.memory_space<vmem>>, %arg11: memref<128x128xf32, #tpu.memory_space<vmem>>, %arg12: memref<128x128xf32, #tpu.memory_space<vmem>>, %arg13: memref<32x128xf32, #tpu.memory_space<vmem>>, %arg14: memref<128xf32, #tpu.memory_space<vmem>>) attributes {dimension_semantics = [], scalar_prefetch = 0 : i64, scratch_operands = 0 : i64, tpu.core_type = #tpu.core_type<tc>} {
    %get3A = arith.constant 0 : index
    %get3A_0 = arith.constant 0 : index
    %get3A_1 = vector.load %arg0[%get3A, %get3A_0] : memref<920x48xf32, #tpu.memory_space<vmem>>, vector<920x48xf32>
    %get3A_2 = arith.constant 0 : index
    %get3A_3 = arith.constant 0 : index
    %get3A_4 = vector.load %arg1[%get3A_2, %get3A_3] : memref<48x48xf32, #tpu.memory_space<vmem>>, vector<48x48xf32>
    %dot_general3A = arith.constant dense<0.000000e+00> : vector<920x48xf32>
    %dot_general3A_5 = tpu.matmul %get3A_1, %get3A_4, %dot_general3A {dimension_numbers = #tpu.dot_dimension_numbers<[1], [0], [0], [1], [0, 0, 1, 1], [], []>, transpose_lhs_hint = false} : vector<920x48xf32>, vector<48x48xf32>, vector<920x48xf32> -> vector<920x48xf32>
    %get3A_6 = arith.constant 0 : index
    %get3A_7 = vector.load %arg2[%get3A_6] : memref<48xf32, #tpu.memory_space<vmem>>, vector<48xf32>
    %broadcast_in_dim3A = vector.shape_cast %get3A_7 : vector<48xf32> to vector<1x48xf32>
    %add3A = vector.broadcast %broadcast_in_dim3A : vector<1x48xf32> to vector<920x48xf32>
    %add3A_8 = arith.addf %dot_general3A_5, %add3A : vector<920x48xf32>
    %tanh3A = math.tanh %add3A_8 : vector<920x48xf32>
    %get3A_9 = arith.constant 0 : index
    %get3A_10 = arith.constant 0 : index
    %get3A_11 = vector.load %arg3[%get3A_9, %get3A_10] : memref<48x1xf32, #tpu.memory_space<vmem>>, vector<48x1xf32>
    %dot_general3A_12 = arith.constant dense<0.000000e+00> : vector<920x1xf32>
    %dot_general3A_13 = tpu.matmul %tanh3A, %get3A_11, %dot_general3A_12 {dimension_numbers = #tpu.dot_dimension_numbers<[1], [0], [0], [1], [0, 0, 1, 1], [], []>, transpose_lhs_hint = false} : vector<920x48xf32>, vector<48x1xf32>, vector<920x1xf32> -> vector<920x1xf32>
    %broadcast_in_dim3A_14 = vector.shape_cast %dot_general3A_13 : vector<920x1xf32> to vector<920x1xf32>
    %broadcast_in_dim3A_15 = vector.broadcast %broadcast_in_dim3A_14 : vector<920x1xf32> to vector<920x16xf32>
    %concatenate3A = tpu.concatenate %get3A_1, %broadcast_in_dim3A_15 in 1 : vector<920x48xf32>, vector<920x16xf32> -> vector<920x64xf32>
    %swap3A = arith.constant 0 : index
    %swap3A_16 = arith.constant 0 : index
    %swap3A_17 = vector.load %arg9[%swap3A, %swap3A_16] : memref<920x64xf32, #tpu.memory_space<vmem>>, vector<920x64xf32>
    tpu.vector_store %arg9[%swap3A, %swap3A_16], %concatenate3A {strides = array<i32>} : memref<920x64xf32, #tpu.memory_space<vmem>>, vector<920x64xf32>,
    %get3A_18 = arith.constant 0 : index
    %get3A_19 = arith.constant 0 : index
    %get3A_20 = vector.load %arg4[%get3A_18, %get3A_19] : memref<19x16xf32, #tpu.memory_space<vmem>>, vector<19x16xf32>
    %get3A_21 = arith.constant 0 : index
    %get3A_22 = arith.constant 0 : index
    %get3A_23 = vector.load %arg5[%get3A_21, %get3A_22] : memref<32x16xf32, #tpu.memory_space<vmem>>, vector<32x16xf32>
    %slice3A = vector.extract_strided_slice %get3A_23 {offsets = [0, 0], sizes = [16, 16], strides = [1, 1]} : vector<32x16xf32> to vector<16x16xf32>
    %dot_general3A_24 = arith.constant dense<0.000000e+00> : vector<19x16xf32>
    %dot_general3A_25 = tpu.matmul %get3A_20, %slice3A, %dot_general3A_24 {dimension_numbers = #tpu.dot_dimension_numbers<[1], [0], [0], [1], [0, 0, 1, 1], [], []>, transpose_lhs_hint = false} : vector<19x16xf32>, vector<16x16xf32>, vector<19x16xf32> -> vector<19x16xf32>
    %slice3A_26 = vector.extract_strided_slice %get3A_23 {offsets = [16, 0], sizes = [16, 16], strides = [1, 1]} : vector<32x16xf32> to vector<16x16xf32>
    %dot_general3A_27 = arith.constant dense<0.000000e+00> : vector<19x16xf32>
    %dot_general3A_28 = tpu.matmul %get3A_20, %slice3A_26, %dot_general3A_27 {dimension_numbers = #tpu.dot_dimension_numbers<[1], [0], [0], [1], [0, 0, 1, 1], [], []>, transpose_lhs_hint = false} : vector<19x16xf32>, vector<16x16xf32>, vector<19x16xf32> -> vector<19x16xf32>
    %iota3A = tpu.iota {dimensions = array<i32: 0>} : vector<368x19xi32>
    %iota3A_29 = tpu.iota {dimensions = array<i32: 1>} : vector<368x19xi32>
    %jit3A = arith.constant 19 : i32
    %div3A = vector.broadcast %jit3A : i32 to vector<368x19xi32>
    %div3A_30 = arith.divsi %iota3A, %div3A : vector<368x19xi32>
    %sign3A = arith.constant 0 : i32
    %sign3A_31 = vector.broadcast %sign3A : i32 to vector<368x19xi32>
    %sign3A_32 = arith.cmpi sgt, %iota3A, %sign3A_31 : vector<368x19xi32>
    %sign3A_33 = arith.extui %sign3A_32 : vector<368x19xi1> to vector<368x19xi32>
    %sign3A_34 = arith.constant 0 : i32
    %sign3A_35 = vector.broadcast %sign3A_34 : i32 to vector<368x19xi32>
    %sign3A_36 = arith.cmpi slt, %iota3A, %sign3A_35 : vector<368x19xi32>
    %sign3A_37 = arith.extui %sign3A_36 : vector<368x19xi1> to vector<368x19xi32>
    %sign3A_38 = arith.subi %sign3A_33, %sign3A_37 : vector<368x19xi32>
    %sign3A_39 = arith.constant 0 : i32
    %sign3A_40 = arith.cmpi sgt, %jit3A, %sign3A_39 : i32
    %sign3A_41 = arith.extui %sign3A_40 : i1 to i32
    %sign3A_42 = arith.constant 0 : i32
    %sign3A_43 = arith.cmpi slt, %jit3A, %sign3A_42 : i32
    %sign3A_44 = arith.extui %sign3A_43 : i1 to i32
    %sign3A_45 = arith.subi %sign3A_41, %sign3A_44 : i32
    %ne3A = vector.broadcast %sign3A_45 : i32 to vector<368x19xi32>
    %ne3A_46 = arith.cmpi ne, %sign3A_38, %ne3A : vector<368x19xi32>
    %rem3A = vector.broadcast %jit3A : i32 to vector<368x19xi32>
    %rem3A_47 = arith.remsi %iota3A, %rem3A : vector<368x19xi32>
    %ne3A_48 = arith.constant 0 : i32
    %ne3A_49 = vector.broadcast %ne3A_48 : i32 to vector<368x19xi32>
    %ne3A_50 = arith.cmpi ne, %rem3A_47, %ne3A_49 : vector<368x19xi32>
    %and3A = arith.andi %ne3A_46, %ne3A_50 : vector<368x19xi1>
    %sub3A = arith.constant 1 : i32
    %sub3A_51 = vector.broadcast %sub3A : i32 to vector<368x19xi32>
    %sub3A_52 = arith.subi %div3A_30, %sub3A_51 : vector<368x19xi32>
    %select_n3A = arith.select %and3A, %sub3A_52, %div3A_30 : vector<368x19xi1>, vector<368x19xi32>
    %eq3A = arith.cmpi eq, %select_n3A, %iota3A_29 : vector<368x19xi32>
    %jit3A_53 = arith.constant 1.000000e+00 : f32
    %jit3A_54 = arith.constant 0.000000e+00 : f32
    %broadcast_in_dim3A_55 = vector.broadcast %jit3A_53 : f32 to vector<368x19xf32>
    %broadcast_in_dim3A_56 = vector.broadcast %jit3A_54 : f32 to vector<368x19xf32>
    %select_n3A_57 = arith.select %eq3A, %broadcast_in_dim3A_55, %broadcast_in_dim3A_56 : vector<368x19xi1>, vector<368x19xf32>
    %jit3A_58 = arith.constant 19 : i32
    %eq3A_59 = arith.constant 0 : i32
    %eq3A_60 = arith.cmpi eq, %jit3A_58, %eq3A_59 : i32
    %jit3A_61 = arith.constant 1 : i32
    %select_n3A_62 = arith.select %eq3A_60, %jit3A_61, %jit3A_58 : i32
    %rem3A_63 = vector.broadcast %select_n3A_62 : i32 to vector<368x19xi32>
    %rem3A_64 = arith.remsi %iota3A, %rem3A_63 : vector<368x19xi32>
    %ne3A_65 = arith.constant 0 : i32
    %ne3A_66 = vector.broadcast %ne3A_65 : i32 to vector<368x19xi32>
    %ne3A_67 = arith.cmpi ne, %rem3A_64, %ne3A_66 : vector<368x19xi32>
    %lt3A = arith.constant 0 : i32
    %lt3A_68 = vector.broadcast %lt3A : i32 to vector<368x19xi32>
    %lt3A_69 = arith.cmpi slt, %rem3A_64, %lt3A_68 : vector<368x19xi32>
    %lt3A_70 = arith.constant 0 : i32
    %lt3A_71 = arith.cmpi slt, %select_n3A_62, %lt3A_70 : i32
    %ne3A_72 = vector.broadcast %lt3A_71 : i1 to vector<368x19xi1>
    %ne3A_73 = vector.broadcast %ne3A_72 : vector<368x19xi1> to vector<368x19xi1>
    %ne3A_74 = arith.xori %lt3A_69, %ne3A_73 : vector<368x19xi1>
    %and3A_75 = arith.andi %ne3A_74, %ne3A_67 : vector<368x19xi1>
    %add3A_76 = vector.broadcast %select_n3A_62 : i32 to vector<368x19xi32>
    %add3A_77 = arith.addi %rem3A_64, %add3A_76 : vector<368x19xi32>
    %select_n3A_78 = arith.select %and3A_75, %add3A_77, %rem3A_64 : vector<368x19xi1>, vector<368x19xi32>
    %eq3A_79 = arith.cmpi eq, %select_n3A_78, %iota3A_29 : vector<368x19xi32>
    %jit3A_80 = arith.constant 1.000000e+00 : f32
    %jit3A_81 = arith.constant 0.000000e+00 : f32
    %broadcast_in_dim3A_82 = vector.broadcast %jit3A_80 : f32 to vector<368x19xf32>
    %broadcast_in_dim3A_83 = vector.broadcast %jit3A_81 : f32 to vector<368x19xf32>
    %select_n3A_84 = arith.select %eq3A_79, %broadcast_in_dim3A_82, %broadcast_in_dim3A_83 : vector<368x19xi1>, vector<368x19xf32>
    %dot_general3A_85 = arith.constant dense<0.000000e+00> : vector<368x16xf32>
    %dot_general3A_86 = tpu.matmul %select_n3A_57, %dot_general3A_25, %dot_general3A_85 {dimension_numbers = #tpu.dot_dimension_numbers<[1], [0], [0], [1], [0, 0, 1, 1], [], []>, transpose_lhs_hint = false} : vector<368x19xf32>, vector<19x16xf32>, vector<368x16xf32> -> vector<368x16xf32>
    %dot_general3A_87 = arith.constant dense<0.000000e+00> : vector<368x16xf32>
    %dot_general3A_88 = tpu.matmul %select_n3A_84, %dot_general3A_28, %dot_general3A_87 {dimension_numbers = #tpu.dot_dimension_numbers<[1], [0], [0], [1], [0, 0, 1, 1], [], []>, transpose_lhs_hint = false} : vector<368x19xf32>, vector<19x16xf32>, vector<368x16xf32> -> vector<368x16xf32>
    %add3A_89 = arith.addf %dot_general3A_86, %dot_general3A_88 : vector<368x16xf32>
    %swap3A_90 = arith.constant 0 : index
    %swap3A_91 = arith.constant 0 : index
    %swap3A_92 = vector.load %arg10[%swap3A_90, %swap3A_91] : memref<368x16xf32, #tpu.memory_space<vmem>>, vector<368x16xf32>
    tpu.vector_store %arg10[%swap3A_90, %swap3A_91], %add3A_89 {strides = array<i32>} : memref<368x16xf32, #tpu.memory_space<vmem>>, vector<368x16xf32>,
    %get3A_93 = arith.constant 0 : index
    %get3A_94 = arith.constant 0 : index
    %get3A_95 = vector.load %arg7[%get3A_93, %get3A_94] : memref<224x128xf32, #tpu.memory_space<vmem>>, vector<224x128xf32>
    %slice3A_96 = vector.extract_strided_slice %get3A_95 {offsets = [0, 0], sizes = [128, 128], strides = [1, 1]} : vector<224x128xf32> to vector<128x128xf32>
    %swap3A_97 = arith.constant 0 : index
    %swap3A_98 = arith.constant 0 : index
    %swap3A_99 = vector.load %arg11[%swap3A_97, %swap3A_98] : memref<128x128xf32, #tpu.memory_space<vmem>>, vector<128x128xf32>
    tpu.vector_store %arg11[%swap3A_97, %swap3A_98], %slice3A_96 {strides = array<i32>} : memref<128x128xf32, #tpu.memory_space<vmem>>, vector<128x128xf32>,
    %slice3A_100 = vector.extract_strided_slice %get3A_95 {offsets = [128, 0], sizes = [64, 128], strides = [1, 1]} : vector<224x128xf32> to vector<64x128xf32>
    %broadcast_in_dim3A_101 = arith.constant 0.000000e+00 : f32
    %broadcast_in_dim3A_102 = vector.broadcast %broadcast_in_dim3A_101 : f32 to vector<64x128xf32>
    %concatenate3A_103 = tpu.concatenate %slice3A_100, %broadcast_in_dim3A_102 in 0 : vector<64x128xf32>, vector<64x128xf32> -> vector<128x128xf32>
    %swap3A_104 = arith.constant 0 : index
    %swap3A_105 = arith.constant 0 : index
    %swap3A_106 = vector.load %arg12[%swap3A_104, %swap3A_105] : memref<128x128xf32, #tpu.memory_space<vmem>>, vector<128x128xf32>
    tpu.vector_store %arg12[%swap3A_104, %swap3A_105], %concatenate3A_103 {strides = array<i32>} : memref<128x128xf32, #tpu.memory_space<vmem>>, vector<128x128xf32>,
    %slice3A_107 = vector.extract_strided_slice %get3A_95 {offsets = [192, 0], sizes = [32, 128], strides = [1, 1]} : vector<224x128xf32> to vector<32x128xf32>
    %swap3A_108 = arith.constant 0 : index
    %swap3A_109 = arith.constant 0 : index
    %swap3A_110 = vector.load %arg13[%swap3A_108, %swap3A_109] : memref<32x128xf32, #tpu.memory_space<vmem>>, vector<32x128xf32>
    tpu.vector_store %arg13[%swap3A_108, %swap3A_109], %slice3A_107 {strides = array<i32>} : memref<32x128xf32, #tpu.memory_space<vmem>>, vector<32x128xf32>,
    %get3A_111 = arith.constant 0 : index
    %get3A_112 = vector.load %arg8[%get3A_111] : memref<128xf32, #tpu.memory_space<vmem>>, vector<128xf32>
    %get3A_113 = arith.constant 0 : index
    %get3A_114 = vector.load %arg6[%get3A_113] : memref<16xf32, #tpu.memory_space<vmem>>, vector<16xf32>
    %slice3A_115 = vector.extract_strided_slice %get3A_95 {offsets = [176, 0], sizes = [16, 128], strides = [1, 1]} : vector<224x128xf32> to vector<16x128xf32>
    %dot_general3A_116 = arith.constant dense<0.000000e+00> : vector<128xf32>
    %dot_general3A_117 = tpu.matmul %get3A_114, %slice3A_115, %dot_general3A_116 {dimension_numbers = #tpu.dot_dimension_numbers<[0], [0], [], [1], [1, 1], [], []>, transpose_lhs_hint = false} : vector<16xf32>, vector<16x128xf32>, vector<128xf32> -> vector<128xf32>
    %add3A_118 = arith.addf %get3A_112, %dot_general3A_117 : vector<128xf32>
    %swap3A_119 = arith.constant 0 : index
    %swap3A_120 = vector.load %arg14[%swap3A_119] : memref<128xf32, #tpu.memory_space<vmem>>, vector<128xf32>
    tpu.vector_store %arg14[%swap3A_119], %add3A_118 {strides = array<i32>} : memref<128xf32, #tpu.memory_space<vmem>>, vector<128xf32>,
    return
  }
}

module attributes {stable_mosaic.version = 14 : i64} {
  func.func @_main_body(%arg0: i32, %arg1: memref<2048x128xf32, #tpu.memory_space<vmem>>, %arg2: memref<2048x128xf32, #tpu.memory_space<vmem>>, %arg3: memref<2048x20xf32, #tpu.memory_space<vmem>>, %arg4: memref<20x32xf32, #tpu.memory_space<vmem>>, %arg5: memref<32xf32, #tpu.memory_space<vmem>>, %arg6: memref<32xf32, #tpu.memory_space<vmem>>, %arg7: memref<32xf32, #tpu.memory_space<vmem>>, %arg8: memref<128x128xf32, #tpu.memory_space<vmem>>, %arg9: memref<128x128xf32, #tpu.memory_space<vmem>>, %arg10: memref<32x128xf32, #tpu.memory_space<vmem>>, %arg11: memref<128xf32, #tpu.memory_space<vmem>>, %arg12: memref<128xf32, #tpu.memory_space<vmem>>, %arg13: memref<128xf32, #tpu.memory_space<vmem>>, %arg14: memref<2048x128xf32, #tpu.memory_space<vmem>>) attributes {dimension_semantics = [#tpu.dimension_semantics<arbitrary>], iteration_bounds = array<i64: 8>, scalar_prefetch = 0 : i64, scratch_operands = 0 : i64, tpu.core_type = #tpu.core_type<tc>, window_params = [{transform_indices = @transform_0, window_bounds = array<i64: 2048, 128>}, {transform_indices = @transform_1, window_bounds = array<i64: 2048, 128>}, {transform_indices = @transform_2, window_bounds = array<i64: 2048, 20>}, {pipeline_mode = #tpu.pipeline_mode<synchronous>, transform_indices = @transform_3, window_bounds = array<i64: 20, 32>}, {pipeline_mode = #tpu.pipeline_mode<synchronous>, transform_indices = @transform_4, window_bounds = array<i64: 32>}, {pipeline_mode = #tpu.pipeline_mode<synchronous>, transform_indices = @transform_5, window_bounds = array<i64: 32>}, {pipeline_mode = #tpu.pipeline_mode<synchronous>, transform_indices = @transform_6, window_bounds = array<i64: 32>}, {pipeline_mode = #tpu.pipeline_mode<synchronous>, transform_indices = @transform_7, window_bounds = array<i64: 128, 128>}, {pipeline_mode = #tpu.pipeline_mode<synchronous>, transform_indices = @transform_8, window_bounds = array<i64: 128, 128>}, {pipeline_mode = #tpu.pipeline_mode<synchronous>, transform_indices = @transform_9, window_bounds = array<i64: 32, 128>}, {pipeline_mode = #tpu.pipeline_mode<synchronous>, transform_indices = @transform_10, window_bounds = array<i64: 128>}, {pipeline_mode = #tpu.pipeline_mode<synchronous>, transform_indices = @transform_11, window_bounds = array<i64: 128>}, {pipeline_mode = #tpu.pipeline_mode<synchronous>, transform_indices = @transform_12, window_bounds = array<i64: 128>}, {transform_indices = @transform_13, window_bounds = array<i64: 2048, 128>}]} {
    %get3A = arith.constant 0 : index
    %get3A_0 = arith.constant 0 : index
    %get3A_1 = vector.load %arg3[%get3A, %get3A_0] : memref<2048x20xf32, #tpu.memory_space<vmem>>, vector<2048x20xf32>
    %get3A_2 = arith.constant 0 : index
    %get3A_3 = arith.constant 0 : index
    %get3A_4 = vector.load %arg4[%get3A_2, %get3A_3] : memref<20x32xf32, #tpu.memory_space<vmem>>, vector<20x32xf32>
    %dot_general3A = arith.constant dense<0.000000e+00> : vector<2048x32xf32>
    %dot_general3A_5 = tpu.matmul %get3A_1, %get3A_4, %dot_general3A {dimension_numbers = #tpu.dot_dimension_numbers<[1], [0], [0], [1], [0, 0, 1, 1], [], []>, transpose_lhs_hint = false} : vector<2048x20xf32>, vector<20x32xf32>, vector<2048x32xf32> -> vector<2048x32xf32>
    %get3A_6 = arith.constant 0 : index
    %get3A_7 = vector.load %arg5[%get3A_6] : memref<32xf32, #tpu.memory_space<vmem>>, vector<32xf32>
    %broadcast_in_dim3A = vector.shape_cast %get3A_7 : vector<32xf32> to vector<1x32xf32>
    %add3A = vector.broadcast %broadcast_in_dim3A : vector<1x32xf32> to vector<2048x32xf32>
    %add3A_8 = arith.addf %dot_general3A_5, %add3A : vector<2048x32xf32>
    %reduce_sum3A = arith.constant dense<0.000000e+00> : vector<2048xf32>
    %reduce_sum3A_9 = vector.multi_reduction <add>, %add3A_8, %reduce_sum3A [1] : vector<2048x32xf32> to vector<2048xf32>
    %broadcast_in_dim3A_10 = vector.shape_cast %reduce_sum3A_9 : vector<2048xf32> to vector<2048x1xf32>
    %div3A = arith.constant 3.200000e+01 : f32
    %div3A_11 = vector.broadcast %div3A : f32 to vector<2048x1xf32>
    %div3A_12 = arith.divf %broadcast_in_dim3A_10, %div3A_11 : vector<2048x1xf32>
    %sub3A = vector.broadcast %div3A_12 : vector<2048x1xf32> to vector<2048x32xf32>
    %sub3A_13 = arith.subf %add3A_8, %sub3A : vector<2048x32xf32>
    %integer_pow3A = arith.mulf %sub3A_13, %sub3A_13 : vector<2048x32xf32>
    %reduce_sum3A_14 = arith.constant dense<0.000000e+00> : vector<2048xf32>
    %reduce_sum3A_15 = vector.multi_reduction <add>, %integer_pow3A, %reduce_sum3A_14 [1] : vector<2048x32xf32> to vector<2048xf32>
    %broadcast_in_dim3A_16 = vector.shape_cast %reduce_sum3A_15 : vector<2048xf32> to vector<2048x1xf32>
    %div3A_17 = arith.constant 3.200000e+01 : f32
    %div3A_18 = vector.broadcast %div3A_17 : f32 to vector<2048x1xf32>
    %div3A_19 = arith.divf %broadcast_in_dim3A_16, %div3A_18 : vector<2048x1xf32>
    %sub3A_20 = vector.broadcast %div3A_12 : vector<2048x1xf32> to vector<2048x32xf32>
    %sub3A_21 = arith.subf %add3A_8, %sub3A_20 : vector<2048x32xf32>
    %add3A_22 = arith.constant 9.99999974E-6 : f32
    %add3A_23 = vector.broadcast %add3A_22 : f32 to vector<2048x1xf32>
    %add3A_24 = arith.addf %div3A_19, %add3A_23 : vector<2048x1xf32>
    %rsqrt3A = math.rsqrt %add3A_24 : vector<2048x1xf32>
    %mul3A = vector.broadcast %rsqrt3A : vector<2048x1xf32> to vector<2048x32xf32>
    %mul3A_25 = arith.mulf %sub3A_21, %mul3A : vector<2048x32xf32>
    %get3A_26 = arith.constant 0 : index
    %get3A_27 = vector.load %arg6[%get3A_26] : memref<32xf32, #tpu.memory_space<vmem>>, vector<32xf32>
    %broadcast_in_dim3A_28 = vector.shape_cast %get3A_27 : vector<32xf32> to vector<1x32xf32>
    %mul3A_29 = vector.broadcast %broadcast_in_dim3A_28 : vector<1x32xf32> to vector<2048x32xf32>
    %mul3A_30 = arith.mulf %mul3A_25, %mul3A_29 : vector<2048x32xf32>
    %get3A_31 = arith.constant 0 : index
    %get3A_32 = vector.load %arg7[%get3A_31] : memref<32xf32, #tpu.memory_space<vmem>>, vector<32xf32>
    %broadcast_in_dim3A_33 = vector.shape_cast %get3A_32 : vector<32xf32> to vector<1x32xf32>
    %add3A_34 = vector.broadcast %broadcast_in_dim3A_33 : vector<1x32xf32> to vector<2048x32xf32>
    %add3A_35 = arith.addf %mul3A_30, %add3A_34 : vector<2048x32xf32>
    %max3A = arith.constant 0.000000e+00 : f32
    %max3A_36 = vector.broadcast %max3A : f32 to vector<2048x32xf32>
    %max3A_37 = arith.maximumf %add3A_35, %max3A_36 : vector<2048x32xf32>
    %get3A_38 = arith.constant 0 : index
    %get3A_39 = arith.constant 0 : index
    %get3A_40 = vector.load %arg1[%get3A_38, %get3A_39] : memref<2048x128xf32, #tpu.memory_space<vmem>>, vector<2048x128xf32>
    %get3A_41 = arith.constant 0 : index
    %get3A_42 = arith.constant 0 : index
    %get3A_43 = vector.load %arg8[%get3A_41, %get3A_42] : memref<128x128xf32, #tpu.memory_space<vmem>>, vector<128x128xf32>
    %dot_general3A_44 = arith.constant dense<0.000000e+00> : vector<2048x128xf32>
    %dot_general3A_45 = tpu.matmul %get3A_40, %get3A_43, %dot_general3A_44 {dimension_numbers = #tpu.dot_dimension_numbers<[1], [0], [0], [1], [0, 0, 1, 1], [], []>, transpose_lhs_hint = false} : vector<2048x128xf32>, vector<128x128xf32>, vector<2048x128xf32> -> vector<2048x128xf32>
    %get3A_46 = arith.constant 0 : index
    %get3A_47 = arith.constant 0 : index
    %get3A_48 = vector.load %arg2[%get3A_46, %get3A_47] : memref<2048x128xf32, #tpu.memory_space<vmem>>, vector<2048x128xf32>
    %get3A_49 = arith.constant 0 : index
    %get3A_50 = arith.constant 0 : index
    %get3A_51 = vector.load %arg9[%get3A_49, %get3A_50] : memref<128x128xf32, #tpu.memory_space<vmem>>, vector<128x128xf32>
    %dot_general3A_52 = arith.constant dense<0.000000e+00> : vector<2048x128xf32>
    %dot_general3A_53 = tpu.matmul %get3A_48, %get3A_51, %dot_general3A_52 {dimension_numbers = #tpu.dot_dimension_numbers<[1], [0], [0], [1], [0, 0, 1, 1], [], []>, transpose_lhs_hint = false} : vector<2048x128xf32>, vector<128x128xf32>, vector<2048x128xf32> -> vector<2048x128xf32>
    %add3A_54 = arith.addf %dot_general3A_45, %dot_general3A_53 : vector<2048x128xf32>
    %get3A_55 = arith.constant 0 : index
    %get3A_56 = arith.constant 0 : index
    %get3A_57 = vector.load %arg10[%get3A_55, %get3A_56] : memref<32x128xf32, #tpu.memory_space<vmem>>, vector<32x128xf32>
    %dot_general3A_58 = arith.constant dense<0.000000e+00> : vector<2048x128xf32>
    %dot_general3A_59 = tpu.matmul %max3A_37, %get3A_57, %dot_general3A_58 {dimension_numbers = #tpu.dot_dimension_numbers<[1], [0], [0], [1], [0, 0, 1, 1], [], []>, transpose_lhs_hint = false} : vector<2048x32xf32>, vector<32x128xf32>, vector<2048x128xf32> -> vector<2048x128xf32>
    %add3A_60 = arith.addf %add3A_54, %dot_general3A_59 : vector<2048x128xf32>
    %get3A_61 = arith.constant 0 : index
    %get3A_62 = vector.load %arg11[%get3A_61] : memref<128xf32, #tpu.memory_space<vmem>>, vector<128xf32>
    %broadcast_in_dim3A_63 = vector.shape_cast %get3A_62 : vector<128xf32> to vector<1x128xf32>
    %add3A_64 = vector.broadcast %broadcast_in_dim3A_63 : vector<1x128xf32> to vector<2048x128xf32>
    %add3A_65 = arith.addf %add3A_60, %add3A_64 : vector<2048x128xf32>
    %reduce_sum3A_66 = arith.constant dense<0.000000e+00> : vector<2048xf32>
    %reduce_sum3A_67 = vector.multi_reduction <add>, %add3A_65, %reduce_sum3A_66 [1] : vector<2048x128xf32> to vector<2048xf32>
    %broadcast_in_dim3A_68 = vector.shape_cast %reduce_sum3A_67 : vector<2048xf32> to vector<2048x1xf32>
    %div3A_69 = arith.constant 1.280000e+02 : f32
    %div3A_70 = vector.broadcast %div3A_69 : f32 to vector<2048x1xf32>
    %div3A_71 = arith.divf %broadcast_in_dim3A_68, %div3A_70 : vector<2048x1xf32>
    %sub3A_72 = vector.broadcast %div3A_71 : vector<2048x1xf32> to vector<2048x128xf32>
    %sub3A_73 = arith.subf %add3A_65, %sub3A_72 : vector<2048x128xf32>
    %integer_pow3A_74 = arith.mulf %sub3A_73, %sub3A_73 : vector<2048x128xf32>
    %reduce_sum3A_75 = arith.constant dense<0.000000e+00> : vector<2048xf32>
    %reduce_sum3A_76 = vector.multi_reduction <add>, %integer_pow3A_74, %reduce_sum3A_75 [1] : vector<2048x128xf32> to vector<2048xf32>
    %broadcast_in_dim3A_77 = vector.shape_cast %reduce_sum3A_76 : vector<2048xf32> to vector<2048x1xf32>
    %div3A_78 = arith.constant 1.280000e+02 : f32
    %div3A_79 = vector.broadcast %div3A_78 : f32 to vector<2048x1xf32>
    %div3A_80 = arith.divf %broadcast_in_dim3A_77, %div3A_79 : vector<2048x1xf32>
    %sub3A_81 = vector.broadcast %div3A_71 : vector<2048x1xf32> to vector<2048x128xf32>
    %sub3A_82 = arith.subf %add3A_65, %sub3A_81 : vector<2048x128xf32>
    %add3A_83 = arith.constant 9.99999974E-6 : f32
    %add3A_84 = vector.broadcast %add3A_83 : f32 to vector<2048x1xf32>
    %add3A_85 = arith.addf %div3A_80, %add3A_84 : vector<2048x1xf32>
    %rsqrt3A_86 = math.rsqrt %add3A_85 : vector<2048x1xf32>
    %mul3A_87 = vector.broadcast %rsqrt3A_86 : vector<2048x1xf32> to vector<2048x128xf32>
    %mul3A_88 = arith.mulf %sub3A_82, %mul3A_87 : vector<2048x128xf32>
    %get3A_89 = arith.constant 0 : index
    %get3A_90 = vector.load %arg12[%get3A_89] : memref<128xf32, #tpu.memory_space<vmem>>, vector<128xf32>
    %broadcast_in_dim3A_91 = vector.shape_cast %get3A_90 : vector<128xf32> to vector<1x128xf32>
    %mul3A_92 = vector.broadcast %broadcast_in_dim3A_91 : vector<1x128xf32> to vector<2048x128xf32>
    %mul3A_93 = arith.mulf %mul3A_88, %mul3A_92 : vector<2048x128xf32>
    %get3A_94 = arith.constant 0 : index
    %get3A_95 = vector.load %arg13[%get3A_94] : memref<128xf32, #tpu.memory_space<vmem>>, vector<128xf32>
    %broadcast_in_dim3A_96 = vector.shape_cast %get3A_95 : vector<128xf32> to vector<1x128xf32>
    %add3A_97 = vector.broadcast %broadcast_in_dim3A_96 : vector<1x128xf32> to vector<2048x128xf32>
    %add3A_98 = arith.addf %mul3A_93, %add3A_97 : vector<2048x128xf32>
    %max3A_99 = arith.constant 0.000000e+00 : f32
    %max3A_100 = vector.broadcast %max3A_99 : f32 to vector<2048x128xf32>
    %max3A_101 = arith.maximumf %add3A_98, %max3A_100 : vector<2048x128xf32>
    %swap3A = arith.constant 0 : index
    %swap3A_102 = arith.constant 0 : index
    %swap3A_103 = vector.load %arg14[%swap3A, %swap3A_102] : memref<2048x128xf32, #tpu.memory_space<vmem>>, vector<2048x128xf32>
    tpu.vector_store %arg14[%swap3A, %swap3A_102], %max3A_101 {strides = array<i32>} : memref<2048x128xf32, #tpu.memory_space<vmem>>, vector<2048x128xf32>,
    return
  }
  func.func @transform_0(%arg0: i32) -> (i32, i32) {
    %c0_i32 = arith.constant 0 : i32
    %c0_i32_0 = arith.constant 0 : i32
    return %arg0, %c0_i32 : i32, i32
  }
  func.func @transform_1(%arg0: i32) -> (i32, i32) {
    %c0_i32 = arith.constant 0 : i32
    %c0_i32_0 = arith.constant 0 : i32
    return %arg0, %c0_i32 : i32, i32
  }
  func.func @transform_2(%arg0: i32) -> (i32, i32) {
    %c0_i32 = arith.constant 0 : i32
    %c0_i32_0 = arith.constant 0 : i32
    return %arg0, %c0_i32 : i32, i32
  }
  func.func @transform_3(%arg0: i32) -> (i32, i32) {
    %c0_i32 = arith.constant 0 : i32
    %c0_i32_0 = arith.constant 0 : i32
    %c0_i32_1 = arith.constant 0 : i32
    return %c0_i32, %c0_i32_0 : i32, i32
  }
  func.func @transform_4(%arg0: i32) -> i32 {
    %c0_i32 = arith.constant 0 : i32
    %c0_i32_0 = arith.constant 0 : i32
    return %c0_i32 : i32
  }
  func.func @transform_5(%arg0: i32) -> i32 {
    %c0_i32 = arith.constant 0 : i32
    %c0_i32_0 = arith.constant 0 : i32
    return %c0_i32 : i32
  }
  func.func @transform_6(%arg0: i32) -> i32 {
    %c0_i32 = arith.constant 0 : i32
    %c0_i32_0 = arith.constant 0 : i32
    return %c0_i32 : i32
  }
  func.func @transform_7(%arg0: i32) -> (i32, i32) {
    %c0_i32 = arith.constant 0 : i32
    %c0_i32_0 = arith.constant 0 : i32
    %c0_i32_1 = arith.constant 0 : i32
    return %c0_i32, %c0_i32_0 : i32, i32
  }
  func.func @transform_8(%arg0: i32) -> (i32, i32) {
    %c0_i32 = arith.constant 0 : i32
    %c0_i32_0 = arith.constant 0 : i32
    %c0_i32_1 = arith.constant 0 : i32
    return %c0_i32, %c0_i32_0 : i32, i32
  }
  func.func @transform_9(%arg0: i32) -> (i32, i32) {
    %c0_i32 = arith.constant 0 : i32
    %c0_i32_0 = arith.constant 0 : i32
    %c0_i32_1 = arith.constant 0 : i32
    return %c0_i32, %c0_i32_0 : i32, i32
  }
  func.func @transform_10(%arg0: i32) -> i32 {
    %c0_i32 = arith.constant 0 : i32
    %c0_i32_0 = arith.constant 0 : i32
    return %c0_i32 : i32
  }
  func.func @transform_11(%arg0: i32) -> i32 {
    %c0_i32 = arith.constant 0 : i32
    %c0_i32_0 = arith.constant 0 : i32
    return %c0_i32 : i32
  }
  func.func @transform_12(%arg0: i32) -> i32 {
    %c0_i32 = arith.constant 0 : i32
    %c0_i32_0 = arith.constant 0 : i32
    return %c0_i32 : i32
  }
  func.func @transform_13(%arg0: i32) -> (i32, i32) {
    %c0_i32 = arith.constant 0 : i32
    %c0_i32_0 = arith.constant 0 : i32
    return %arg0, %c0_i32 : i32, i32
  }
}

</mosaic_0001>

<sc_bundles>
// kernel: kernel.5.cloned.1.call-start
scs
__scs_entry_jumppad:
0x0: {  	(pc) =	sbr.rel $0x88, $3  }
0x1: {  	(tag) =	ssettag $0x0;
	lr =	simm.s32 $0x1  }
0x2: {  	[smem:$0x3F89] =	sst lr;
	_ =	strace $0xD0000000  }
0x3: {  	_ = 	snop  }
0x4: {  	_ = 	snop  }
0x5: {  	_ = 	snop  }
0x6: {  	_ = 	snop  }
0x7: {  	_ = 	snop  }
__scs_overlays_trampoline_lowered:
0x8: {  	[smem:$0x3F98] =	sst s0  }
0x9: {  	[smem:$0x3F99] =	sst s1  }
0xa: {  	[smem:$0x3F9A] =	sst s2  }
0xb: {  	[smem:$0x3F9B] =	sst s3  }
0xc: {  	[smem:$0x3F9C] =	sst s4  }
0xd: {  	[smem:$0x3F9D] =	sst s5  }
0xe: {  	[smem:$0x3F9E] =	sst s6  }
0xf: {  	[smem:$0x3F9F] =	sst s7  }
0x10: {  	[smem:$0x3FA0] =	sst s8  }
0x11: {  	[smem:$0x3FA1] =	sst s9;
	s0 =	simm.s32 @!p0 $0x0  }
0x12: {  	s1 =	sld [smem:$0x3F87];
	s0 =	simm.s32 @p0 $0x1  }
0x13: {  	[smem:$0x3FA2] =	sst s0;
	s0 =	simm.s32 @!p1 $0x0  }
0x14: {  	s2 =	sld [smem:$0x3F86];
	s0 =	simm.s32 @p1 $0x1  }
0x15: {  	[smem:$0x3FA3] =	sst s0;
	s0 =	simm.s32 @!p2 $0x0  }
0x16: {  	s3 =	sld [smem:$0x3FDB];
	s0 =	simm.s32 @p2 $0x1  }
0x17: {  	s4 =	simm.s32 $0x1BF5;
	[smem:$0x3FA5] =	sst s0  }
0x18: {  	s0 =	sld [smem:$0x3F88];
	_ =	swait.ge [sflag:s4], $0x0  }
0x19: {  	s7 =	sld [smem:$0x3F89]  }
0x1a: {  	s8 =	sadd.s32 $0xFFFFE003, lr  }
0x1b: {  	s9 =	sadd.s32 $0xFFFFFEF7, lr;
	s5 =	simm.s32 $0xFFFFFFFF;
	p2 =	slt.u32 s8, $0xFFFFF086  }
0x1c: {  	p1 =	slt.u32 s9, $0xF7A;
	s5 =	simm.s32 @!p2 $0x0  }
0x1d: {  	s5 =	simm.s32 @p1 $0x1;
	p0 =	seq.s32 s7, s2  }
0x1e: {  	s7 =	smul.u32 @!p0 $0xF7A, s2;
	p2 =	seq.s32 @!p0 s5, $0x0  }
0x1f: {  	s9 =	smul.u32 $0xF7A, s1;
	s8 =	simm.s32 @!p0 $0x1BF5;
	p2 =	por !p2, p0  }
0x20: {  	[sflag:s8] =	ssyncset.s32 @!p0 $0xFFFFF086;
	s6 =	sadd.s32 @!p0 s3, s7;
	s7 =	simm.s32 @!p0 $0x108  }
0x21: {  	s3 =	sadd.s32 s3, s9;
	s6 =	sadd.s32 @!p0 $0x88, s6;
	s7 =	simm.s32 @p2 $0x1082  }
0x22: {  	[simem:s7], [sflag:s8] =	dma.local @!p0 [hbm:s6], $0xF7A  }
0x23: {  	s9 =	sor.u32 $0xD0000000, s2;
	s6 =	simm.s32 $0x108;
	_ =	swait.ge @!p0 [sflag:s8], $0x0  }
0x24: {  	s3 =	sadd.s32 $0x88, s3;
	s6 =	simm.s32 @!p1 $0x1082;
	[sflag:s4] =	ssyncset.s32 $0xFFFFF086  }
0x25: {  	[simem:s6], [sflag:s4] =	dma.local [hbm:s3], $0xF7A  }
0x26: {  	[smem:$0x3F89] =	sst s1;
	(tag) =	ssettag s2;
	_ =	strace s9  }
0x27: {  	s1 =	sld [smem:$0x3F99]  }
0x28: {  	s2 =	sld [smem:$0x3F9A]  }
0x29: {  	s4 =	sld [smem:$0x3F9C]  }
0x2a: {  	p0 =	seq.s32 s5, $0x0;
	s5 =	sld [smem:$0x3F9D]  }
0x2b: {  	s6 =	sld [smem:$0x3F9E]  }
0x2c: {  	s7 =	sld [smem:$0x3F9F]  }
0x2d: {  	s3 =	simm.s32 $0x108;
	s8 =	sld [smem:$0x3FA0]  }
0x2e: {  	s3 =	simm.s32 @!p0 $0x1082;
	s9 =	sld [smem:$0x3FA1]  }
0x2f: {  	lr =	sadd.s32 s0, s3;
	s0 =	sld [smem:$0x3F98]  }
0x30: {  	s3 =	sld [smem:$0x3F9B]  }
0x31: {  	[smem:$0x3FA4] =	sst s10  }
0x32: {  	s10 =	sld [smem:$0x3FA2];
	_ =	sdelay $0x3  }
0x33: {  	p0 =	seq.s32 s10, $0x1;
	s10 =	sld [smem:$0x3FA4];
	_ =	sdelay $0x3  }
0x34: {  	[smem:$0x3FA4] =	sst s10  }
0x35: {  	s10 =	sld [smem:$0x3FA3];
	_ =	sdelay $0x3  }
0x36: {  	p1 =	seq.s32 s10, $0x1;
	s10 =	sld [smem:$0x3FA4];
	_ =	sdelay $0x3  }
0x37: {  	[smem:$0x3FA4] =	sst s10  }
0x38: {  	s10 =	sld [smem:$0x3FA5]  }
0x39: {  	_ = 	snop;
	(pc) =	sbr.ind lr, $3  }
0x3a: {  	_ = 	snop  }
0x3b: {  	_ = 	snop  }
0x3c: {  	p2 =	seq.s32 s10, $0x1;
	s10 =	sld [smem:$0x3FA4]  }
0x3d: {  	_ =	shalt  }
0x3e: {  	_ =	shalt  }
0x3f: {  	_ =	shalt  }
0x40: {  	_ =	shalt  }
0x41: {  	_ =	shalt  }
0x42: {  	_ =	shalt  }
0x43: {  	_ =	shalt  }
0x44: {  	_ =	shalt  }
0x45: {  	_ =	shalt  }
0x46: {  	_ =	shalt  }
0x47: {  	_ =	shalt  }
0x48: {  	_ =	shalt  }
0x49: {  	_ =	shalt  }
0x4a: {  	_ =	shalt  }
0x4b: {  	_ =	shalt  }
0x4c: {  	_ =	shalt  }
0x4d: {  	_ =	shalt  }
0x4e: {  	_ =	shalt  }
0x4f: {  	_ =	shalt  }
0x50: {  	_ =	shalt  }
0x51: {  	_ =	shalt  }
0x52: {  	_ =	shalt  }
0x53: {  	_ =	shalt  }
0x54: {  	_ =	shalt  }
0x55: {  	_ =	shalt  }
0x56: {  	_ =	shalt  }
0x57: {  	_ =	shalt  }
0x58: {  	_ =	shalt  }
0x59: {  	_ =	shalt  }
0x5a: {  	_ =	shalt  }
0x5b: {  	_ =	shalt  }
0x5c: {  	_ =	shalt  }
0x5d: {  	_ =	shalt  }
0x5e: {  	_ =	shalt  }
0x5f: {  	_ =	shalt  }
0x60: {  	_ =	shalt  }
0x61: {  	_ =	shalt  }
0x62: {  	_ =	shalt  }
0x63: {  	_ =	shalt  }
0x64: {  	_ =	shalt  }
0x65: {  	_ =	shalt  }
0x66: {  	_ =	shalt  }
0x67: {  	_ =	shalt  }
0x68: {  	_ =	shalt  }
0x69: {  	_ =	shalt  }
0x6a: {  	_ =	shalt  }
0x6b: {  	_ =	shalt  }
0x6c: {  	_ =	shalt  }
0x6d: {  	_ =	shalt  }
0x6e: {  	_ =	shalt  }
0x6f: {  	_ =	shalt  }
0x70: {  	_ =	shalt  }
0x71: {  	_ =	shalt  }
0x72: {  	_ =	shalt  }
0x73: {  	_ =	shalt  }
0x74: {  	_ =	shalt  }
0x75: {  	_ =	shalt  }
0x76: {  	_ =	shalt  }
0x77: {  	_ =	shalt  }
0x78: {  	_ =	shalt  }
0x79: {  	_ =	shalt  }
0x7a: {  	_ =	shalt  }
0x7b: {  	_ =	shalt  }
0x7c: {  	_ =	shalt  }
0x7d: {  	_ =	shalt  }
0x7e: {  	_ =	shalt  }
0x7f: {  	_ =	shalt  }
0x80: {  	_ =	shalt  }
0x81: {  	_ =	shalt  }
0x82: {  	_ =	shalt  }
0x83: {  	_ =	shalt  }
0x84: {  	_ =	shalt  }
0x85: {  	_ =	shalt  }
0x86: {  	_ =	shalt  }
0x87: {  	_ =	shalt  }
.Lfunc_end0:
.L_simem_size_0:
called_computation_lowered:
.L_overlay_start_0:
0x88: {  	s2 =	sld [smem:$0x3FD9]  }
0x89: {  	s3 =	sld [smem:$0x3FFE];
	_ =	sdelay $0x1  }
0x8a: {  	s1 =	srdreg.scid  }
0x8b: {  	s0 =	sand.u32 $0x1, s1  }
0x8c: {  	s17 =	sshll.u32 s0, $0xA;
	s2 =	sadd.s32 s3, s2  }
0x8d: {  	s2 =	sadd.s32 s2, s17  }
0x8e: {  	[smem:$0x3FB0] =	sst s2  }
0x8f: {  	_ = 	snop  }
0x90: {  	s2 =	sld [smem:$0x3FC9]  }
0x91: {  	s18 =	sld [smem:$0x3FC8]  }
0x92: {  	s4 =	sld [smem:$0x3FC7]  }
0x93: {  	s5 =	sld [smem:$0x3FD0];
	(tm) =	ssettm $0x1  }
0x94: {  	s6 =	sld [smem:$0x3FFB];
	_ =	sdelay $0x3  }
0x95: {  	_ =	strace s6  }
0x96: {  	s6 =	sld [smem:$0x3FFC];
	_ =	sdelay $0x3  }
0x97: {  	_ =	strace s6  }
0x98: {  	s6 =	sld [smem:$0x3FFD];
	_ =	sdelay $0x3  }
0x99: {  	_ =	strace s6  }
0x9a: {  	_ =	strace $0x8FFFFFFF  }
0x9b: {  	s19 =	sld [smem:$0x3FDB];
	_ =	sdelay $0x1  }
0x9c: {  	s7 =	simm.s32 $_scs_section_size  }
0x9d: {  	s8 =	simm.s32 $_size__tile_overlayer_lowered;
	s9 =	simm.s32 $_tile_overlayer_lowered  }
0x9e: {  	s22 =	simm.s32 $0x1BFF;
	s21 =	sshll.u32 s9, $0x1;
	s6 =	sadd.s32 s7, s19  }
0x9f: {  	s10 =	simm.s32 $0x0;
	s20 =	sshll.u32 s8, $0x1;
	s8 =	sadd.s32 s21, s6  }
0xa0: {  	[timem:s10], [sflag:s22] =	dma.local [hbm:s8], s20  }
0xa1: {  	_ =	swait.ge [sflag:s22], s20  }
0xa2: {  	s7 =	ssub.s32 $0x0, s20;
	[sflag:s22] =	ssyncset.done $0x0  }
0xa3: {  	[sflag:s22] =	ssyncadd.s32 s7;
	_ =	sdelay $0x1  }
0xa4: {  	s23 =	simm.s32 $0x1B8B  }
0xa5: {  	_ =	swait.ge [sflag:s23], $0x1  }
0xa6: {  	[sflag:s23] =	ssyncset.done $0x0  }
0xa7: {  	s25 =	simm.s32 $0x1B8E;
	s24 =	sld [smem:$0x3FFE];
	[sflag:s23] =	ssyncadd.s32 $0xFFFFFFFF  }
0xa8: {  	s26 =	simm.s32 $execute0_lowered;
	[smem:$0x3FD2] =	sst s25  }
0xa9: {  	s8 =	sshll.u32 s26, $0x1;
	_ =	strace $0x80000046;
	[dreg:$0x1] =	wrdreg $0xFFFFFFFF  }
0xaa: {  	s28 =	simm.s32 $_size_execute0_lowered;
	s6 =	sadd.s32 s6, s8;
	[dreg:$0x0] =	wrdreg $0x0  }
0xab: {  	s8 =	sshll.u32 s28, $0x1;
	[dreg:$0x2] =	wrdreg s6  }
0xac: {  	[dreg:$0x3] =	wrdreg s8  }
0xad: {  	[dreg:$0x4] =	wrdreg $0xC0  }
0xae: {  	_ =	task [dreg:s10], $0x5FFFF  }
0xaf: {  	[dreg:$0x1] =	wrdreg $0xFFFFFFFF  }
0xb0: {  	[dreg:$0x0] =	wrdreg $0x60  }
0xb1: {  	[dreg:$0x2] =	wrdreg s2  }
0xb2: {  	[dreg:$0x3] =	wrdreg s18  }
0xb3: {  	[dreg:$0x4] =	wrdreg s4  }
0xb4: {  	[dreg:$0x5] =	wrdreg s24  }
0xb5: {  	[dreg:$0x6] =	wrdreg s5  }
0xb6: {  	[dreg:$0x7] =	wrdreg $0x9  }
0xb7: {  	_ =	task.clear_ibuf [dreg:s10], $0x8FFFF;
	_ =	strace $0x90000046  }
0xb8: {  	s29 =	simm.s32 $0x9;
	_ =	strace $0x80000048  }
0xb9: {  	_ =	swait.ge [sflag:s29], $0x1  }
0xba: {  	[sflag:s29] =	ssyncadd.s32 $0xFFFFFFFF  }
0xbb: {  	_ =	strace $0x90000048  }
0xbc: {  	_ =	sfence  }
0xbd: {  	s30 =	sld [smem:$0x0];
	_ =	sdelay $0x2  }
0xbe: {  	s31 =	sshll.u32 s1, $0xD;
	s1 =	sshrl.u32 s1, $0x2  }
0xbf: {  	s3 =	sand.u32 $0x4000, s31;
	s1 =	sadd.s32 s1, s30  }
0xc0: {  	s0 =	sor.u32 s3, s0;
	s1 =	sshll.u32 s1, $0x11  }
0xc1: {  	s0 =	sor.u32 s1, s0  }
0xc2: {  	s0 =	sadd.s32 $0x8F2B, s0  }
0xc3: {  	[sflag:s0] =	ssyncadd.remote.s32 $0x1  }
0xc4: {  	_ =	sfence.sel $0xFFFF  }
0xc5: {  	[dreg:$0x0] =	wrdreg $0xFFFFFFFF;
	(pc) =	sbr.abs _section_cstart, $3  }
0xc6: {  	[dreg:$0x1] =	wrdreg $0xFFFFFFFF  }
0xc7: {  	_ =	task.clear_ibuf [dreg:s10], $0x2FFFF;
	_ =	strace $0x9FFFFFFF  }
0xc8: {  	(tm) =	ssettm $0x7FFFFFFF  }
0xc9: {  	_ =	shalt  }
tec
execute0_lowered:
.L_overlay_start_1:
0x0: {  	(tag) =	ssettag $0x1  }
0x1: {  	s0 =	rddreg [dreg:$0x0]  }
0x2: {  	s1 =	rddreg [dreg:$0x1]  }
0x3: {  	s10 =	rddreg [dreg:$0x2]  }
0x4: {  	s2 =	srdreg.scid;
	s9 =	rddreg [dreg:$0x3]  }
0x5: {  	s3 =	stileid.u32;
	s28 =	simm.s32 $0xA00;
	s29 =	simm.s32 $0xC00  }
0x6: {  	s30 =	simm.s32 $0x1;
	s31 =	simm.s32 $0x40;
	s6 =	sand.u32 $0x1, s2  }
0x7: {  	s2 =	rddreg [dreg:$0x4];
	s4 =	sshll.u32 s3, $0xA;
	s3 =	simm.s32 $0x0  }
0x8: {  	s7 =	sadd.s32 $0x5800, s9;
	s8 =	sadd.s32 $0x7600, s9;
	s5 =	sshll.u32 s6, $0x9  }
0x9: {  	[smem:$0x7FF] =	sst s3;
	s14 =	ssub.s32 $0x2, s6;
	s6 =	sadd.s32 $0x2E00, s9  }
0xa: {  	s19 =	sadd.s32 $0x8, s2;
	s20 =	sadd.s32 $0xC, s2;
	s11 =	sor.u32 s5, s4  }
0xb: {  	_ =	strace $0x80000047;
	s4 =	sadd.s32 $0x7A00, s9;
	s15 =	sshrl.u32 s14, $0x1  }
0xc: {  	s5 =	sadd.s32 $0x3200, s9;
	s12 =	sshrl.u32 s11, $0x3;
	s14 =	ssub.s32 s14, s15  }
0xd: {  	s18 =	sshll.u32 s11, $0x4;
	s15 =	simm.s32 $0xE00;
	s13 =	sadd.s32 s12, s9  }
0xe: {  	s9 =	sadd.s32 $0x9C00, s9;
	s0 =	sadd.s32 s0, s12;
	s22 =	sadd.s32 s1, s12  }
0xf: {  	s23 =	sadd.s32 s10, s12;
	s21 =	smax.u32 s14, $0x1;
	[dreg:$0x6] =	wrdreg s0  }
0x10: {  	s14 =	simm.s32 $0x400;
	s1 =	simm.s32 $0x2;
	[dreg:$0x7] =	wrdreg s22  }
0x11: {  	s10 =	simm.s32 $0x4;
	[dreg:$0x8] =	wrdreg s23;
	s24 =	sadd.s32 $0x2600, s13  }
0x12: {  	s25 =	sadd.s32 $0x3800, s13;
	s26 =	sadd.s32 $0x4000, s13;
	s16 =	sadd.s32 $0x4800, s13  }
0x13: {  	s17 =	sadd.s32 $0x5000, s13;
	s13 =	simm.s32 $0x200;
	[dreg:$0x9] =	wrdreg s24  }
0x14: {  	s23 =	simm.s32 $0x600;
	s0 =	simm.s32 $0x3;
	[dreg:$0xa] =	wrdreg s25  }
0x15: {  	v0 =	vimm.f32 $0.0e+00;
	s22 =	simm.s32 $0x0;
	[dreg:$0xb] =	wrdreg s26;
	s24 =	simm.s32 $0x800  }
.LBB2_1:
0x16: {  	s11 =	rddreg [dreg:$0x6]  }
0x17: {  	[tilespmem:s3], [sflag:$0x1] =	stream.linear.gather [hbm4b:s11+s3], $0x200, $0x38;
	[tilespmem:$0x11800] =	vst v63  }
0x18: {  	s25 =	rddreg [dreg:$0x7]  }
0x19: {  	[tilespmem:s13], [sflag:$0x1] =	stream.linear.gather [hbm4b:s25+s3], $0x200, $0x38;
	[tilespmem:$0x11800] =	vst v63  }
0x1a: {  	s26 =	rddreg [dreg:$0x8]  }
0x1b: {  	[tilespmem:s14], [sflag:$0x1] =	stream.linear.gather [hbm4b:s26+s3], $0x200, $0x38;
	[tilespmem:$0x11800] =	vst v63  }
0x1c: {  	s12 =	rddreg [dreg:$0x9]  }
0x1d: {  	[tilespmem:s15], [sflag:$0x1] =	stream.linear.gather [hbm4b:s12+s3], $0x200, $0x38;
	[tilespmem:$0x11800] =	vst v63  }
0x1e: {  	s25 =	rddreg [dreg:$0xa]  }
0x1f: {  	[tilespmem:s23], [sflag:$0x1] =	stream.linear.gather [hbm4b:s25+s3], $0x200, $0x38;
	[tilespmem:$0x11800] =	vst v63  }
0x20: {  	s26 =	rddreg [dreg:$0xb]  }
0x21: {  	[tilespmem:s24], [sflag:$0x1] =	stream.linear.gather [hbm4b:s26+s3], $0x200, $0x38;
	[tilespmem:$0x11800] =	vst v63  }
0x22: {  	_ = 	snop  }
0x23: {  	[tilespmem:s28], [sflag:$0x1] =	stream.linear.gather [hbm4b:s16+s3], $0x200, $0x38;
	[tilespmem:$0x11800] =	vst v63  }
0x24: {  	s11 =	simm.s32 $0xFFFFE000;
	s12 =	simm.s32 $0xFFFF8200  }
0x25: {  	[tilespmem:s29], [sflag:$0x1] =	stream.linear.gather [hbm4b:s17+s3], $0x200, $0x38;
	[tilespmem:$0x11800] =	vst v63  }
.LBB2_2:
0x26: {  	p0 =	sne.s32 s12, $0xFFFFFE00;
	[tilespmem:s11+$0x11870] =	vst v0  }
0x27: {  	[tilespmem:s11+$0xF840] =	vst v0  }
0x28: {  	[tilespmem:s11+$0xF850] =	vst v0  }
.Ltmp0:
0x29: {  	[tilespmem:s11+$0xF860] =	vst v0;
	(pc) =	sbr.rel @p0 .LBB2_2-.Ltmp0, $4  }
0x2a: {  	[tilespmem:s11+$0xF870] =	vst v0  }
0x2b: {  	[tilespmem:s11+$0x11840] =	vst v0  }
0x2c: {  	[tilespmem:s11+$0x11850] =	vst v0  }
0x2d: {  	[tilespmem:s11+$0x11860] =	vst v0;
	s11 =	sshra.s32 s12, $0x2;
	s12 =	sadd.s32 $0x200, s12  }
0x2e: {  	[tilespmem:s11+$0x11870] =	vst v0  }
0x2f: {  	[tilespmem:s11+$0xF840] =	vst v0  }
0x30: {  	[tilespmem:s11+$0xF850] =	vst v0  }
0x31: {  	[tilespmem:s11+$0xF860] =	vst v0  }
0x32: {  	[tilespmem:s11+$0xF870] =	vst v0  }
0x33: {  	[tilespmem:s11+$0x11840] =	vst v0  }
0x34: {  	[tilespmem:s11+$0x11850] =	vst v0  }
0x35: {  	[tilespmem:s11+$0x11860] =	vst v0  }
0x36: {  	_ =	swait.ge [sflag:s30], $0x200  }
0x37: {  	[sflag:s30] =	ssyncset.done $0x0  }
0x38: {  	[sflag:s30] =	ssyncadd.s32 $0xFFFFFE00  }
0x39: {  	_ =	swait.ge [sflag:s30], $0x200  }
0x3a: {  	[sflag:s30] =	ssyncset.done $0x0  }
0x3b: {  	[sflag:s30] =	ssyncadd.s32 $0xFFFFFE00  }
0x3c: {  	_ =	swait.ge [sflag:s30], $0x200  }
0x3d: {  	[sflag:s30] =	ssyncset.done $0x0  }
0x3e: {  	[sflag:s30] =	ssyncadd.s32 $0xFFFFFE00  }
0x3f: {  	_ =	swait.ge [sflag:s30], $0x200  }
0x40: {  	[sflag:s30] =	ssyncset.done $0x0  }
0x41: {  	[sflag:s30] =	ssyncadd.s32 $0xFFFFFE00  }
0x42: {  	_ =	swait.ge [sflag:s30], $0x200  }
0x43: {  	[sflag:s30] =	ssyncset.done $0x0  }
0x44: {  	[sflag:s30] =	ssyncadd.s32 $0xFFFFFE00  }
0x45: {  	_ =	swait.ge [sflag:s30], $0x200  }
0x46: {  	[sflag:s30] =	ssyncset.done $0x0  }
0x47: {  	[sflag:s30] =	ssyncadd.s32 $0xFFFFFE00  }
0x48: {  	_ =	swait.ge [sflag:s30], $0x200  }
0x49: {  	[sflag:s30] =	ssyncset.done $0x0  }
0x4a: {  	[sflag:s30] =	ssyncadd.s32 $0xFFFFFE00  }
0x4b: {  	_ =	swait.ge [sflag:s30], $0x200  }
0x4c: {  	[sflag:s30] =	ssyncset.done $0x0  }
0x4d: {  	s11 =	simm.s32 $0x0;
	s12 =	simm.s32 $0x1000;
	[sflag:s30] =	ssyncadd.s32 $0xFFFFFE00  }
0x4e: {  	[tilespmem:s12], [sflag:$0x2] =	stream.indirect.gather [hbm4b:s4+s31], $0x40, s11, s31, $0xb8;
	[tilespmem:$0x11800] =	vst v63  }
0x4f: {  	s26 =	simm.s32 $0x3000  }
0x50: {  	[tilespmem:s26], [sflag:$0x2] =	stream.indirect.gather [hbm4b:s5+s31], $0x20, s13, s31, $0xb8;
	[tilespmem:$0x11800] =	vst v63  }
0x51: {  	s13 =	simm.s32 $0x4000  }
0x52: {  	[tilespmem:s13], [sflag:$0x2] =	stream.indirect.gather [hbm4b:s6+s31], $0x20, s14, s31, $0xb8;
	[tilespmem:$0x11800] =	vst v63  }
0x53: {  	s14 =	simm.s32 $0x5000  }
0x54: {  	[tilespmem:s14], [sflag:$0x2] =	stream.indirect.gather [hbm4b:s7+s31], $0x40, s23, s31, $0xb8;
	[tilespmem:$0x11800] =	vst v63  }
0x55: {  	s23 =	simm.s32 $0x6000  }
0x56: {  	[tilespmem:s23], [sflag:$0x2] =	stream.indirect.gather [hbm4b:s7+s31], $0x40, s24, s31, $0xb8;
	[tilespmem:$0x11800] =	vst v63  }
0x57: {  	s24 =	simm.s32 $0x7000  }
0x58: {  	[tilespmem:s24], [sflag:$0x2] =	stream.indirect.gather [hbm4b:s7+s31], $0x40, s28, s31, $0xb8;
	[tilespmem:$0x11800] =	vst v63  }
0x59: {  	s25 =	simm.s32 $0x8000  }
0x5a: {  	[tilespmem:s25], [sflag:$0x2] =	stream.indirect.gather [hbm4b:s7+s31], $0x40, s29, s31, $0xb8;
	[tilespmem:$0x11800] =	vst v63  }
0x5b: {  	p0 =	por $0x0, $0x0;
	s26 =	simm.s32 $0xD000  }
0x5c: {  	[tilespmem:s26], [sflag:$0x2] =	stream.indirect.gather [hbm4b:s8+s31], $0x10, s15, s31, $0xb8;
	[tilespmem:$0x11800] =	vst v63  }
.LBB2_4:
0x5d: {  	_ =	swait.ge [sflag:s1], $0x1000  }
0x5e: {  	[sflag:s1] =	ssyncset.done $0x0  }
0x5f: {  	[sflag:s1] =	ssyncadd.s32 $0xFFFFF000  }
0x60: {  	_ =	swait.ge [sflag:s1], $0x800  }
0x61: {  	[sflag:s1] =	ssyncset.done $0x0  }
0x62: {  	[sflag:s1] =	ssyncadd.s32 $0xFFFFF800  }
0x63: {  	_ =	swait.ge [sflag:s1], $0x800  }
0x64: {  	[sflag:s1] =	ssyncset.done $0x0  }
0x65: {  	[sflag:s1] =	ssyncadd.s32 $0xFFFFF800  }
0x66: {  	_ =	swait.ge [sflag:s1], $0x1000  }
0x67: {  	[sflag:s1] =	ssyncset.done $0x0  }
0x68: {  	[sflag:s1] =	ssyncadd.s32 $0xFFFFF000  }
0x69: {  	_ =	swait.ge [sflag:s1], $0x1000  }
0x6a: {  	[sflag:s1] =	ssyncset.done $0x0  }
0x6b: {  	[sflag:s1] =	ssyncadd.s32 $0xFFFFF000  }
0x6c: {  	_ =	swait.ge [sflag:s1], $0x1000  }
0x6d: {  	[sflag:s1] =	ssyncset.done $0x0  }
0x6e: {  	[sflag:s1] =	ssyncadd.s32 $0xFFFFF000  }
0x6f: {  	p1 =	seq.s32 s11, $0x0;
	_ =	swait.ge [sflag:s1], $0x1000  }
.Ltmp1:
0x70: {  	[sflag:s1] =	ssyncset.done $0x0;
	(pc) =	sbr.rel @p1 .LBB2_7-.Ltmp1, $4  }
0x71: {  	[sflag:s1] =	ssyncadd.s32 $0xFFFFF000  }
0x72: {  	_ =	swait.ge [sflag:s1], $0x400  }
0x73: {  	[sflag:s1] =	ssyncset.done $0x0  }
0x74: {  	s12 =	sand.u32 $0x1, s11;
	s23 =	sadd.s32 $0x1, s11;
	[sflag:s1] =	ssyncadd.s32 $0xFFFFFC00  }
0x75: {  	p1 =	seq.s32 s11, $0x7  }
.Ltmp2:
0x76: {  	_ = 	snop;
	(pc) =	sbr.rel @p1 .LBB2_8-.Ltmp2, $1  }
0x77: {  	_ =	sdelay $0x3  }
0x78: {  	p1 =	seq.s32 s12, $0x0;
	s13 =	simm.s32 $0x4  }
0x79: {  	s13 =	simm.s32 @!p1 $0x3  }
0x7a: {  	_ =	swait.ge [sflag:s13], $0x1000  }
0x7b: {  	[sflag:s13] =	ssyncset.done $0x0  }
0x7c: {  	[sflag:s13] =	ssyncadd.s32 $0xFFFFF000  }
0x7d: {  	_ =	swait.ge [sflag:s13], $0x800  }
0x7e: {  	[sflag:s13] =	ssyncset.done $0x0  }
0x7f: {  	[sflag:s13] =	ssyncadd.s32 $0xFFFFF800  }
0x80: {  	_ =	swait.ge [sflag:s13], $0x800  }
0x81: {  	[sflag:s13] =	ssyncset.done $0x0  }
0x82: {  	[sflag:s13] =	ssyncadd.s32 $0xFFFFF800  }
0x83: {  	_ =	swait.ge [sflag:s13], $0x2000  }
0x84: {  	[sflag:s13] =	ssyncset.done $0x0  }
0x85: {  	[sflag:s13] =	ssyncadd.s32 $0xFFFFE000  }
.LBB2_7:
0x86: {  	s13 =	sxor.u32 $0x1, s12  }
0x87: {  	s14 =	sshll.u32 s13, $0xE  }
0x88: {  	s24 =	sshll.u32 s23, $0x6;
	s15 =	sshrl.u32 s14, $0x2  }
0x89: {  	s24 =	sand.u32 $0x3FFFFFC0, s24;
	s15 =	sadd.s32 $0x1000, s15  }
0x8a: {  	[tilespmem:s15], [sflag:$0x2] =	stream.indirect.gather [hbm4b:s4+s31], $0x40, s24, s31, $0xb8;
	[tilespmem:$0x11800] =	vst v63  }
0x8b: {  	s15 =	sshll.u32 s13, $0xB  }
0x8c: {  	s26 =	sadd.s32 $0x200, s24;
	s25 =	sor.u32 $0x3000, s15  }
0x8d: {  	[tilespmem:s25], [sflag:$0x2] =	stream.indirect.gather [hbm4b:s5+s31], $0x20, s26, s31, $0xb8;
	[tilespmem:$0x11800] =	vst v63  }
0x8e: {  	s15 =	sor.u32 $0x4000, s15;
	s26 =	sadd.s32 $0x400, s24  }
0x8f: {  	[tilespmem:s15], [sflag:$0x2] =	stream.indirect.gather [hbm4b:s6+s31], $0x20, s26, s31, $0xb8;
	[tilespmem:$0x11800] =	vst v63  }
0x90: {  	s25 =	sadd.s32 $0x5000, s14;
	s26 =	sadd.s32 $0x600, s24  }
0x91: {  	[tilespmem:s25], [sflag:$0x2] =	stream.indirect.gather [hbm4b:s7+s31], $0x40, s26, s31, $0xb8;
	[tilespmem:$0x11800] =	vst v63  }
0x92: {  	s25 =	sadd.s32 $0x6000, s14;
	s26 =	sadd.s32 $0x800, s24  }
0x93: {  	[tilespmem:s25], [sflag:$0x2] =	stream.indirect.gather [hbm4b:s7+s31], $0x40, s26, s31, $0xb8;
	[tilespmem:$0x11800] =	vst v63  }
0x94: {  	s25 =	sadd.s32 $0x7000, s14;
	s26 =	sadd.s32 $0xA00, s24  }
0x95: {  	[tilespmem:s25], [sflag:$0x2] =	stream.indirect.gather [hbm4b:s7+s31], $0x40, s26, s31, $0xb8;
	[tilespmem:$0x11800] =	vst v63  }
0x96: {  	s13 =	sshll.u32 s13, $0xA;
	s14 =	sor.u32 $0x8000, s14;
	s25 =	sadd.s32 $0xC00, s24  }
0x97: {  	[tilespmem:s14], [sflag:$0x2] =	stream.indirect.gather [hbm4b:s7+s31], $0x40, s25, s31, $0xb8;
	[tilespmem:$0x11800] =	vst v63  }
0x98: {  	s13 =	sor.u32 $0xD000, s13;
	s26 =	sadd.s32 $0xE00, s24  }
0x99: {  	[tilespmem:s13], [sflag:$0x2] =	stream.indirect.gather [hbm4b:s8+s31], $0x10, s26, s31, $0xb8;
	[tilespmem:$0x11800] =	vst v63  }
.LBB2_8:
0x9a: {  	s14 =	simm.s32 $0x1  }
0x9b: {  	s14 =	simm.s32 @!p0 $0x0  }
0x9c: {  	s13 =	sshll.u32 s14, $0xE  }
0x9d: {  	s24 =	sadd.s32 $0x7000, s13  }
0x9e: {  	v1 =	vld [tilespmem:s24+$0xFFFFE030]  }
0x9f: {  	v2 =	vld [tilespmem:s24+$0x1030]  }
0xa0: {  	v3 =	vld [tilespmem:s24+$0x30]  }
0xa1: {  	v4 =	vld [tilespmem:s24+$0xFFFFF030];
	_ =	sdelay $0x4  }
0xa2: {  	v5 =	vmax.f32 v3, v2;
	v6 =	vmax.f32 v1, v4  }
0xa3: {  	v5 =	vmax.f32 v6, v5  }
0xa4: {  	v1 =	vsub.f32 v1, v5  }
0xa5: {  	v4 =	vsub.f32 v4, v5  }
0xa6: {  	v1 =	vmul.f32 $1.442695020e+00, v1  }
0xa7: {  	v3 =	vsub.f32 v3, v5;
	v4 =	vmul.f32 $1.442695020e+00, v4  }
0xa8: {  	(erf) = vpow2.f32 v1  }
0xa9: {  	v1 =	vsub.f32 v2, v5;
	v2 =	vmul.f32 $1.442695020e+00, v3;
	(erf) = vpow2.f32 v4;
	_ =	sdelay $0x1  }
0xaa: {  	v1 =	vmul.f32 $1.442695020e+00, v1;
	(erf) = vpow2.f32 v2;
	_ =	sdelay $0x1  }
0xab: {  	(erf) = vpow2.f32 v1;
	_ =	sdelay $0x3  }
0xac: {  	v1 =	vpop (erf)  }
0xad: {  	v2 =	vpop (erf)  }
0xae: {  	v3 =	vadd.f32 v2, v1  }
0xaf: {  	v4 =	vpop (erf)  }
0xb0: {  	v3 =	vadd.f32 v3, v4  }
0xb1: {  	v5 =	vpop (erf)  }
0xb2: {  	v3 =	vadd.f32 v3, v5;
	_ =	sdelay $0x1  }
0xb3: {  	(erf) = vrcp.f32 v3;
	_ =	sdelay $0x5  }
0xb4: {  	v40 =	vld [tilespmem:s24+$0xFFFFE000]  }
0xb5: {  	v3 =	vld [tilespmem:s24+$0xFFFFF000];
	_ =	sdelay $0x1  }
0xb6: {  	v7 =	vld [tilespmem:s24+$0x0];
	v8 =	vpop (erf)  }
0xb7: {  	v1 =	vmul.f32 v8, v1;
	v2 =	vmul.f32 v8, v2  }
0xb8: {  	v9 =	vld [tilespmem:s24+$0x1000];
	v4 =	vmul.f32 v8, v4  }
0xb9: {  	v6 =	vmul.f32 v1, v40;
	v3 =	vmul.f32 v2, v3;
	_ =	sdelay $0x1  }
0xba: {  	v5 =	vmul.f32 v8, v5;
	v7 =	vmul.f32 v4, v7;
	v3 =	vadd.f32 v3, v6;
	_ =	sdelay $0x1  }
0xbb: {  	v41 =	vmul.f32 v5, v9;
	v3 =	vadd.f32 v3, v7;
	_ =	sdelay $0x1  }
0xbc: {  	s26 =	sshll.u32 s14, $0xD;
	v3 =	vadd.f32 v3, v41  }
0xbd: {  	s13 =	sor.u32 $0xD880, s26  }
0xbe: {  	[tilespmem:s13+$0xFFFFFF80] =	vst v3  }
0xbf: {  	v3 =	vld [tilespmem:s24+$0xFFFFE010]  }
0xc0: {  	v42 =	vld [tilespmem:s24+$0xFFFFF010];
	_ =	sdelay $0x1  }
0xc1: {  	v43 =	vld [tilespmem:s24+$0x10];
	_ =	sdelay $0x1  }
0xc2: {  	v44 =	vld [tilespmem:s24+$0x1010]  }
0xc3: {  	v3 =	vmul.f32 v1, v3;
	v6 =	vmul.f32 v2, v42;
	_ =	sdelay $0x1  }
0xc4: {  	v7 =	vmul.f32 v4, v43;
	v3 =	vadd.f32 v6, v3;
	_ =	sdelay $0x1  }
0xc5: {  	v45 =	vmul.f32 v5, v44;
	v3 =	vadd.f32 v3, v7;
	_ =	sdelay $0x1  }
0xc6: {  	v3 =	vadd.f32 v3, v45;
	_ =	sdelay $0x1  }
0xc7: {  	[tilespmem:s13+$0xFFFFFF90] =	vst v3  }
0xc8: {  	v3 =	vld [tilespmem:s24+$0xFFFFE020]  }
0xc9: {  	v46 =	vld [tilespmem:s24+$0xFFFFF020];
	_ =	sdelay $0x1  }
0xca: {  	v47 =	vld [tilespmem:s24+$0x20];
	_ =	sdelay $0x1  }
0xcb: {  	v48 =	vld [tilespmem:s24+$0x1020]  }
0xcc: {  	v1 =	vmul.f32 v3, v1;
	v2 =	vmul.f32 v46, v2;
	_ =	sdelay $0x1  }
0xcd: {  	s14 =	sshll.u32 s14, $0xA;
	v3 =	vmul.f32 v47, v4;
	v2 =	vadd.f32 v2, v1  }
0xce: {  	s14 =	sor.u32 $0xD000, s14  }
0xcf: {  	v1 =	vmov s14;
	v2 =	vadd.f32 v3, v2;
	v3 =	vmul.f32 v48, v5;
	_ =	sdelay $0x1  }
0xd0: {  	v2 =	vadd.f32 v3, v2;
	_ =	sdelay $0x1  }
0xd1: {  	s26 =	simm.s32 $0x0;
	[tilespmem:s13+$0xFFFFFFA0] =	vst v2  }
0xd2: {  	v2 =	vld.idx.msk [tilespmem:v1+s26+$0x0 ss:$0x1], $0xffff;
	_ =	sdelay $0x4  }
0xd3: {  	[tilespmem:s13+$0xFFFFFFB0] =	vst v2  }
0xd4: {  	v2 =	vld [tilespmem:s24+$0xFFFFE070]  }
0xd5: {  	v3 =	vld [tilespmem:s24+$0x1070]  }
0xd6: {  	v4 =	vld [tilespmem:s24+$0xFFFFF070]  }
0xd7: {  	v5 =	vld [tilespmem:s24+$0x70];
	_ =	sdelay $0x4  }
0xd8: {  	v49 =	vmax.f32 v2, v4;
	v50 =	vmax.f32 v5, v3  }
0xd9: {  	v6 =	vmax.f32 v49, v50  }
0xda: {  	v2 =	vsub.f32 v2, v6  }
0xdb: {  	v4 =	vsub.f32 v4, v6  }
0xdc: {  	v2 =	vmul.f32 $1.442695020e+00, v2  }
0xdd: {  	v5 =	vsub.f32 v5, v6;
	v4 =	vmul.f32 $1.442695020e+00, v4  }
0xde: {  	(erf) = vpow2.f32 v2  }
0xdf: {  	v2 =	vsub.f32 v3, v6;
	v3 =	vmul.f32 $1.442695020e+00, v5;
	(erf) = vpow2.f32 v4;
	_ =	sdelay $0x1  }
0xe0: {  	v2 =	vmul.f32 $1.442695020e+00, v2;
	(erf) = vpow2.f32 v3;
	_ =	sdelay $0x1  }
0xe1: {  	(erf) = vpow2.f32 v2;
	_ =	sdelay $0x3  }
0xe2: {  	v2 =	vpop (erf)  }
0xe3: {  	v3 =	vpop (erf)  }
0xe4: {  	v4 =	vadd.f32 v3, v2  }
0xe5: {  	v5 =	vpop (erf)  }
0xe6: {  	v4 =	vadd.f32 v4, v5  }
0xe7: {  	v51 =	vpop (erf)  }
0xe8: {  	v4 =	vadd.f32 v4, v51;
	_ =	sdelay $0x1  }
0xe9: {  	(erf) = vrcp.f32 v4;
	_ =	sdelay $0x5  }
0xea: {  	v52 =	vld [tilespmem:s24+$0xFFFFE040]  }
0xeb: {  	v4 =	vld [tilespmem:s24+$0xFFFFF040];
	_ =	sdelay $0x1  }
0xec: {  	v53 =	vld [tilespmem:s24+$0x40];
	v54 =	vpop (erf)  }
0xed: {  	v2 =	vmul.f32 v54, v2;
	v3 =	vmul.f32 v54, v3  }
0xee: {  	v10 =	vld [tilespmem:s24+$0x1040];
	v5 =	vmul.f32 v54, v5  }
0xef: {  	v7 =	vmul.f32 v2, v52;
	v4 =	vmul.f32 v3, v4;
	_ =	sdelay $0x1  }
0xf0: {  	v6 =	vmul.f32 v54, v51;
	v55 =	vmul.f32 v5, v53;
	v4 =	vadd.f32 v4, v7;
	_ =	sdelay $0x1  }
0xf1: {  	v56 =	vmul.f32 v6, v10;
	v4 =	vadd.f32 v4, v55;
	_ =	sdelay $0x1  }
0xf2: {  	v4 =	vadd.f32 v4, v56;
	_ =	sdelay $0x1  }
0xf3: {  	[tilespmem:s13+$0x0] =	vst v4  }
0xf4: {  	v4 =	vld [tilespmem:s24+$0xFFFFE050]  }
0xf5: {  	v57 =	vld [tilespmem:s24+$0xFFFFF050];
	_ =	sdelay $0x1  }
0xf6: {  	v58 =	vld [tilespmem:s24+$0x50];
	_ =	sdelay $0x1  }
0xf7: {  	v59 =	vld [tilespmem:s24+$0x1050]  }
0xf8: {  	v4 =	vmul.f32 v2, v4;
	v7 =	vmul.f32 v3, v57;
	_ =	sdelay $0x1  }
0xf9: {  	v8 =	vmul.f32 v5, v58;
	v4 =	vadd.f32 v7, v4;
	_ =	sdelay $0x1  }
0xfa: {  	v60 =	vmul.f32 v6, v59;
	v4 =	vadd.f32 v4, v8;
	_ =	sdelay $0x1  }
0xfb: {  	v4 =	vadd.f32 v4, v60;
	_ =	sdelay $0x1  }
0xfc: {  	[tilespmem:s13+$0x10] =	vst v4  }
0xfd: {  	v4 =	vld [tilespmem:s24+$0xFFFFE060]  }
0xfe: {  	v61 =	vld [tilespmem:s24+$0xFFFFF060];
	_ =	sdelay $0x1  }
0xff: {  	v62 =	vld [tilespmem:s24+$0x60];
	_ =	sdelay $0x1  }
0x100: {  	v63 =	vld [tilespmem:s24+$0x1060]  }
0x101: {  	v2 =	vmul.f32 v4, v2;
	v3 =	vmul.f32 v61, v3;
	_ =	sdelay $0x1  }
0x102: {  	v4 =	vmul.f32 v62, v5;
	v3 =	vadd.f32 v3, v2;
	_ =	sdelay $0x1  }
0x103: {  	s25 =	smov.u32 s13;
	s14 =	simm.s32 $0x80;
	v2 =	vmul.f32 v63, v6;
	v3 =	vadd.f32 v4, v3  }
.LBB2_9:
0x104: {  	p1 =	sne.s32 s14, $0xF80;
	s13 =	sadd.s32 $0x100, s13;
	s24 =	sadd.s32 $0x80, s24  }
0x105: {  	s15 =	smov.u32 s14;
	s14 =	sadd.s32 $0x80, s14;
	v2 =	vadd.f32 v2, v3;
	_ =	sdelay $0x1  }
0x106: {  	[tilespmem:s25+$0x20] =	vst v2  }
0x107: {  	v2 =	vld.idx.msk [tilespmem:v1+s26+$0x10 ss:$0x1], $0xffff;
	_ =	sdelay $0x5  }
0x108: {  	[tilespmem:s25+$0x30] =	vst v2;
	s25 =	smov.u32 s13  }
0x109: {  	v2 =	vld [tilespmem:s24+$0xFFFFE030]  }
0x10a: {  	v3 =	vld [tilespmem:s24+$0x1030]  }
0x10b: {  	v4 =	vld [tilespmem:s24+$0x30]  }
0x10c: {  	v5 =	vld [tilespmem:s24+$0xFFFFF030];
	_ =	sdelay $0x3  }
0x10d: {  	v6 =	vmax.f32 v4, v3  }
0x10e: {  	v7 =	vmax.f32 v2, v5  }
0x10f: {  	v6 =	vmax.f32 v7, v6  }
0x110: {  	v2 =	vsub.f32 v2, v6;
	v5 =	vsub.f32 v5, v6  }
0x111: {  	v4 =	vsub.f32 v4, v6;
	v3 =	vsub.f32 v3, v6  }
0x112: {  	v2 =	vmul.f32 $1.442695020e+00, v2;
	v5 =	vmul.f32 $1.442695020e+00, v5  }
0x113: {  	v4 =	vmul.f32 $1.442695020e+00, v4;
	v3 =	vmul.f32 $1.442695020e+00, v3  }
0x114: {  	(erf) = vpow2.f32 v2  }
0x115: {  	(erf) = vpow2.f32 v5  }
0x116: {  	(erf) = vpow2.f32 v4;
	_ =	sdelay $0x2  }
0x117: {  	(erf) = vpow2.f32 v3;
	_ =	sdelay $0x3  }
0x118: {  	v2 =	vpop (erf)  }
0x119: {  	v3 =	vpop (erf)  }
0x11a: {  	v4 =	vadd.f32 v3, v2;
	v5 =	vpop (erf);
	_ =	sdelay $0x1  }
0x11b: {  	v4 =	vadd.f32 v4, v5  }
0x11c: {  	v6 =	vpop (erf)  }
0x11d: {  	v4 =	vadd.f32 v4, v6;
	_ =	sdelay $0x1  }
0x11e: {  	(erf) = vrcp.f32 v4;
	_ =	sdelay $0x5  }
0x11f: {  	v4 =	vld [tilespmem:s24+$0xFFFFF000]  }
0x120: {  	v7 =	vld [tilespmem:s24+$0xFFFFE000]  }
0x121: {  	v8 =	vld [tilespmem:s24+$0x0]  }
0x122: {  	v9 =	vpop (erf)  }
0x123: {  	v2 =	vmul.f32 v9, v2;
	v3 =	vmul.f32 v9, v3;
	v10 =	vld [tilespmem:s24+$0x1000]  }
0x124: {  	v5 =	vmul.f32 v9, v5  }
0x125: {  	v7 =	vmul.f32 v2, v7;
	v4 =	vmul.f32 v3, v4  }
0x126: {  	v6 =	vmul.f32 v9, v6;
	v8 =	vmul.f32 v5, v8  }
0x127: {  	v4 =	vadd.f32 v4, v7  }
0x128: {  	v7 =	vmul.f32 v6, v10  }
0x129: {  	v4 =	vadd.f32 v4, v8;
	_ =	sdelay $0x1  }
0x12a: {  	v4 =	vadd.f32 v4, v7;
	_ =	sdelay $0x1  }
0x12b: {  	[tilespmem:s13+$0xFFFFFF80] =	vst v4  }
0x12c: {  	v4 =	vld [tilespmem:s24+$0x10]  }
0x12d: {  	v7 =	vld [tilespmem:s24+$0xFFFFE010]  }
0x12e: {  	v8 =	vld [tilespmem:s24+$0xFFFFF010];
	_ =	sdelay $0x3  }
0x12f: {  	v4 =	vmul.f32 v5, v4;
	v7 =	vmul.f32 v2, v7;
	v9 =	vld [tilespmem:s24+$0x1010]  }
0x130: {  	v8 =	vmul.f32 v3, v8;
	_ =	sdelay $0x1  }
0x131: {  	v7 =	vadd.f32 v8, v7;
	_ =	sdelay $0x1  }
0x132: {  	v4 =	vadd.f32 v7, v4;
	v7 =	vmul.f32 v6, v9;
	_ =	sdelay $0x1  }
0x133: {  	v4 =	vadd.f32 v4, v7;
	_ =	sdelay $0x1  }
0x134: {  	[tilespmem:s13+$0xFFFFFF90] =	vst v4  }
0x135: {  	v4 =	vld [tilespmem:s24+$0xFFFFE020]  }
0x136: {  	v7 =	vld [tilespmem:s24+$0xFFFFF020];
	_ =	sdelay $0x1  }
0x137: {  	v8 =	vld [tilespmem:s24+$0x20];
	_ =	sdelay $0x1  }
0x138: {  	v2 =	vmul.f32 v4, v2;
	v4 =	vld [tilespmem:s24+$0x1020]  }
0x139: {  	v3 =	vmul.f32 v7, v3;
	_ =	sdelay $0x1  }
0x13a: {  	v2 =	vadd.f32 v3, v2;
	v3 =	vmul.f32 v8, v5;
	_ =	sdelay $0x1  }
0x13b: {  	v2 =	vadd.f32 v3, v2;
	v3 =	vmul.f32 v4, v6;
	_ =	sdelay $0x1  }
0x13c: {  	v2 =	vadd.f32 v3, v2;
	_ =	sdelay $0x1  }
0x13d: {  	s26 =	sshra.s32 s15, $0x2;
	[tilespmem:s13+$0xFFFFFFA0] =	vst v2  }
0x13e: {  	v2 =	vld.idx.msk [tilespmem:v1+s26+$0x0 ss:$0x1], $0xffff;
	_ =	sdelay $0x5  }
0x13f: {  	[tilespmem:s13+$0xFFFFFFB0] =	vst v2  }
0x140: {  	v2 =	vld [tilespmem:s24+$0xFFFFE070]  }
0x141: {  	v3 =	vld [tilespmem:s24+$0x1070]  }
0x142: {  	v4 =	vld [tilespmem:s24+$0xFFFFF070]  }
0x143: {  	v5 =	vld [tilespmem:s24+$0x70];
	_ =	sdelay $0x3  }
0x144: {  	v6 =	vmax.f32 v2, v4  }
0x145: {  	v7 =	vmax.f32 v5, v3  }
0x146: {  	v6 =	vmax.f32 v6, v7  }
0x147: {  	v2 =	vsub.f32 v2, v6;
	v4 =	vsub.f32 v4, v6  }
0x148: {  	v5 =	vsub.f32 v5, v6;
	v3 =	vsub.f32 v3, v6  }
0x149: {  	v2 =	vmul.f32 $1.442695020e+00, v2;
	v4 =	vmul.f32 $1.442695020e+00, v4  }
0x14a: {  	v5 =	vmul.f32 $1.442695020e+00, v5;
	v3 =	vmul.f32 $1.442695020e+00, v3  }
0x14b: {  	(erf) = vpow2.f32 v2  }
0x14c: {  	(erf) = vpow2.f32 v4;
	_ =	sdelay $0x1  }
0x14d: {  	(erf) = vpow2.f32 v5;
	_ =	sdelay $0x1  }
0x14e: {  	(erf) = vpow2.f32 v3;
	_ =	sdelay $0x3  }
0x14f: {  	v2 =	vpop (erf)  }
0x150: {  	v3 =	vpop (erf)  }
0x151: {  	v4 =	vadd.f32 v3, v2  }
0x152: {  	v5 =	vpop (erf)  }
0x153: {  	v4 =	vadd.f32 v4, v5  }
0x154: {  	v6 =	vpop (erf)  }
0x155: {  	v4 =	vadd.f32 v4, v6;
	_ =	sdelay $0x1  }
0x156: {  	(erf) = vrcp.f32 v4;
	_ =	sdelay $0x5  }
0x157: {  	v4 =	vld [tilespmem:s24+$0xFFFFF040]  }
0x158: {  	v7 =	vld [tilespmem:s24+$0xFFFFE040];
	_ =	sdelay $0x1  }
0x159: {  	v8 =	vld [tilespmem:s24+$0x40];
	v9 =	vpop (erf)  }
0x15a: {  	v2 =	vmul.f32 v9, v2;
	v3 =	vmul.f32 v9, v3  }
0x15b: {  	v5 =	vmul.f32 v9, v5;
	v6 =	vmul.f32 v9, v6;
	v9 =	vld [tilespmem:s24+$0x1040]  }
0x15c: {  	v7 =	vmul.f32 v2, v7;
	v4 =	vmul.f32 v3, v4;
	_ =	sdelay $0x1  }
0x15d: {  	v4 =	vadd.f32 v4, v7;
	v7 =	vmul.f32 v5, v8;
	_ =	sdelay $0x1  }
0x15e: {  	v4 =	vadd.f32 v4, v7;
	v7 =	vmul.f32 v6, v9;
	_ =	sdelay $0x1  }
0x15f: {  	v4 =	vadd.f32 v4, v7;
	_ =	sdelay $0x1  }
0x160: {  	[tilespmem:s13+$0x0] =	vst v4  }
0x161: {  	v4 =	vld [tilespmem:s24+$0xFFFFE050]  }
0x162: {  	v7 =	vld [tilespmem:s24+$0xFFFFF050]  }
0x163: {  	v8 =	vld [tilespmem:s24+$0x50]  }
0x164: {  	v9 =	vld [tilespmem:s24+$0x1050];
	_ =	sdelay $0x1  }
0x165: {  	v4 =	vmul.f32 v2, v4  }
0x166: {  	v7 =	vmul.f32 v3, v7  }
0x167: {  	v8 =	vmul.f32 v5, v8  }
0x168: {  	v4 =	vadd.f32 v7, v4;
	v7 =	vmul.f32 v6, v9;
	_ =	sdelay $0x1  }
0x169: {  	v4 =	vadd.f32 v4, v8;
	_ =	sdelay $0x1  }
0x16a: {  	v4 =	vadd.f32 v4, v7;
	_ =	sdelay $0x1  }
0x16b: {  	[tilespmem:s13+$0x10] =	vst v4  }
0x16c: {  	v4 =	vld [tilespmem:s24+$0xFFFFE060]  }
0x16d: {  	v7 =	vld [tilespmem:s24+$0xFFFFF060]  }
0x16e: {  	v8 =	vld [tilespmem:s24+$0x60]  }
0x16f: {  	v9 =	vld [tilespmem:s24+$0x1060];
	_ =	sdelay $0x1  }
0x170: {  	v2 =	vmul.f32 v4, v2  }
.Ltmp3:
0x171: {  	v3 =	vmul.f32 v7, v3;
	(pc) =	sbr.rel @p1 .LBB2_9-.Ltmp3, $3  }
0x172: {  	v4 =	vmul.f32 v8, v5  }
0x173: {  	v3 =	vadd.f32 v3, v2;
	v2 =	vmul.f32 v9, v6;
	_ =	sdelay $0x1  }
0x174: {  	v3 =	vadd.f32 v4, v3  }
0x175: {  	_ = 	snop  }
0x176: {  	v2 =	vadd.f32 v2, v3;
	_ =	sdelay $0x1  }
0x177: {  	[tilespmem:s25+$0x20] =	vst v2  }
0x178: {  	v1 =	vld.idx.msk [tilespmem:v1+s26+$0x10 ss:$0x1], $0xffff;
	_ =	sdelay $0x2  }
0x179: {  	s11 =	sshll.u32 s11, $0xA;
	p1 =	sne.s32 s12, $0x0  }
0x17a: {  	s11 =	sadd.s32 s18, s11;
	s13 =	simm.s32 @p1 $0x40  }
0x17b: {  	s14 =	simm.s32 @p1 $0x80;
	s15 =	simm.s32 @p1 $0x2000;
	s12 =	sadd.s32 s2, s11;
	[tilespmem:s25+$0x30] =	vst v1  }
0x17c: {  	[hbm4b:s12+s13] =	stream.strided.scatter @p1 [tilespmem:s15], [sflag:$0x4], $0x1000, s14, s13, $0x38;
	[tilespmem:$0x11800] =	vst v63  }
0x17d: {  	s24 =	simm.s32 @p1 $0x3800;
	s13 =	sadd.s32 s11, s19;
	s15 =	simm.s32 @p1 $0x20  }
0x17e: {  	[hbm4b:s13+s15] =	stream.strided.scatter @p1 [tilespmem:s24], [sflag:$0x4], $0x800, s14, s15, $0x38;
	[tilespmem:$0x11800] =	vst v63  }
0x17f: {  	s25 =	simm.s32 @p1 $0x4800;
	s24 =	sadd.s32 s11, s20  }
0x180: {  	[hbm4b:s24+s15] =	stream.strided.scatter @p1 [tilespmem:s25], [sflag:$0x4], $0x800, s14, s15, $0x38;
	[tilespmem:$0x11800] =	vst v63  }
0x181: {  	s11 =	sadd.s32 s9, s11;
	s14 =	simm.s32 @p1 $0x0;
	s15 =	simm.s32 @p1 $0xF800  }
0x182: {  	[hbm4b:s11+s14] =	stream.linear.scatter @p1 [tilespmem:s15], [sflag:$0x4], $0x2000, $0x38;
	[tilespmem:$0x11800] =	vst v63  }
0x183: {  	s25 =	simm.s32 @!p1 $0x1000;
	s14 =	simm.s32 @!p1 $0x40;
	s15 =	simm.s32 @!p1 $0x80  }
0x184: {  	[hbm4b:s12+s14] =	stream.strided.scatter @!p1 [tilespmem:s25], [sflag:$0x3], $0x1000, s15, s14, $0x38;
	[tilespmem:$0x11800] =	vst v63  }
0x185: {  	s12 =	simm.s32 @!p1 $0x20;
	s14 =	simm.s32 @!p1 $0x3000  }
0x186: {  	[hbm4b:s13+s12] =	stream.strided.scatter @!p1 [tilespmem:s14], [sflag:$0x3], $0x800, s15, s12, $0x38;
	[tilespmem:$0x11800] =	vst v63  }
0x187: {  	s13 =	simm.s32 @!p1 $0x4000  }
0x188: {  	[hbm4b:s24+s12] =	stream.strided.scatter @!p1 [tilespmem:s13], [sflag:$0x3], $0x800, s15, s12, $0x38;
	[tilespmem:$0x11800] =	vst v63  }
0x189: {  	s12 =	simm.s32 @!p1 $0x0;
	s13 =	simm.s32 @!p1 $0xD800  }
0x18a: {  	[hbm4b:s11+s12] =	stream.linear.scatter @!p1 [tilespmem:s13], [sflag:$0x3], $0x2000, $0x38;
	[tilespmem:$0x11800] =	vst v63  }
0x18b: {  	p1 =	sne.s32 s23, $0x8  }
.Ltmp4:
0x18c: {  	_ = 	snop;
	(pc) =	sbr.rel @p1 .LBB2_4-.Ltmp4, $2  }
0x18d: {  	_ =	sdelay $0x2  }
0x18e: {  	p0 =	por !p0, !p0;
	s11 =	smov.u32 s23  }
0x18f: {  	_ =	swait.ge [sflag:s0], $0x1000  }
0x190: {  	[sflag:s0] =	ssyncset.done $0x0  }
0x191: {  	[sflag:s0] =	ssyncadd.s32 $0xFFFFF000  }
0x192: {  	_ =	swait.ge [sflag:s0], $0x800  }
0x193: {  	[sflag:s0] =	ssyncset.done $0x0  }
0x194: {  	[sflag:s0] =	ssyncadd.s32 $0xFFFFF800  }
0x195: {  	_ =	swait.ge [sflag:s0], $0x800  }
0x196: {  	[sflag:s0] =	ssyncset.done $0x0  }
0x197: {  	[sflag:s0] =	ssyncadd.s32 $0xFFFFF800  }
0x198: {  	_ =	swait.ge [sflag:s0], $0x2000  }
0x199: {  	[sflag:s0] =	ssyncset.done $0x0  }
0x19a: {  	[sflag:s0] =	ssyncadd.s32 $0xFFFFE000  }
0x19b: {  	_ =	swait.ge [sflag:s10], $0x1000  }
0x19c: {  	[sflag:s10] =	ssyncset.done $0x0  }
0x19d: {  	[sflag:s10] =	ssyncadd.s32 $0xFFFFF000  }
0x19e: {  	_ =	swait.ge [sflag:s10], $0x800  }
0x19f: {  	[sflag:s10] =	ssyncset.done $0x0  }
0x1a0: {  	s22 =	sadd.s32 $0x1, s22;
	[sflag:s10] =	ssyncadd.s32 $0xFFFFF800  }
0x1a1: {  	p0 =	sne.s32 s22, s21;
	_ =	swait.ge [sflag:s10], $0x800  }
.Ltmp5:
0x1a2: {  	[sflag:s10] =	ssyncset.done $0x0;
	(pc) =	sbr.rel @p0 .LBB2_1-.Ltmp5, $4  }
0x1a3: {  	[sflag:s10] =	ssyncadd.s32 $0xFFFFF800  }
0x1a4: {  	s13 =	simm.s32 $0x200;
	_ =	swait.ge [sflag:s10], $0x2000  }
0x1a5: {  	s14 =	simm.s32 $0x400;
	s15 =	simm.s32 $0xE00;
	[sflag:s10] =	ssyncset.done $0x0  }
0x1a6: {  	s23 =	simm.s32 $0x600;
	s24 =	simm.s32 $0x800;
	[sflag:s10] =	ssyncadd.s32 $0xFFFFE000  }
0x1a7: {  	_ =	sfence.sel $0x180000  }
0x1a8: {  	[bflag:$0x0] =	sbarrier.arrive $0xFFFF  }
0x1a9: {  	_ =	strace $0x90000047  }
0x1aa: {  	s0 =	stileid.u32;
	[bflag:$0x2] =	sbarrier.arrive $0xFFFF  }
0x1ab: {  	p0 =	sne.s32 s0, $0x0;
	s0 =	rddreg [dreg:$0x5]  }
0x1ac: {  	s0 =	sadd.s32 @!p0 $0x100000, s0  }
0x1ad: {  	[sflag:s0] =	ssyncadd.tile.s32 @!p0 $0x1;
	_ =	shalt  }
.Lfunc_end2:
_tile_overlayer_lowered:
.L_overlay_start_2:
0x1ae: {  	(tag) =	ssettag $0x2  }
0x1af: {  	s0 =	rddreg [dreg:$0x0];
	s2 =	stileid.u32  }
0x1b0: {  	s1 =	rddreg [dreg:$0x1];
	p0 =	sne.s32 s2, $0x0  }
0x1b1: {  	s3 =	rddreg [dreg:$0x2];
	[bflag:$0x3] =	sbarrier.arrive $0xFFFF;
	s2 =	simm.s32 @!p0 $0x1C05  }
0x1b2: {  	[timem:s3], [sflag:s2] =	dma.local @!p0 [hbm:s0], s1  }
0x1b3: {  	s0 =	simm.s32 @!p0 $0x5  }
0x1b4: {  	_ =	swait.ge @!p0 [sflag:s0], s1  }
0x1b5: {  	s1 =	ssub.s32 @!p0 $0x0, s1;
	[sflag:s0] =	ssyncset.done @!p0 $0x0  }
0x1b6: {  	[sflag:s0] =	ssyncadd.s32 @!p0 s1  }
0x1b7: {  	[bflag:$0x3] =	sbarrier.arrive $0xFFFF  }
0x1b8: {  	_ =	shalt  }

</sc_bundles>
